<compile_context>
chip_gen: v7x
topology: tpu7x:2x2x1
jax: 0.10.2.dev20260603
libtpu: 0.0.44.dev20260713+nightly
codegen_flags: <defaults>
</compile_context>

<pallas_src>
import functools

import jax
import jax.numpy as jnp
from jax import lax
from jax.experimental import pallas as pl
from jax.experimental.pallas import tpu as pltpu
from jax.experimental.pallas import tpu_sc as plsc

N = 10000
E = 320000
D = 128
NC = 2
NS = 16
NTILES = NC * NS
NP = ((N + 255) // 256) * 256
RPT = NP // NS
C = 125
NB = 10
BC = 8
CH = NB * BC
EPT = CH * C
BLK = 1024
GRID = (N + BLK - 1) // BLK

_mesh = plsc.VectorSubcoreMesh(core_axis_name="c", subcore_axis_name="s")


@functools.partial(
    pl.kernel,
    mesh=_mesh,
    out_type=jax.ShapeDtypeStruct((NC, NP), jnp.float32),
    scratch_types=[
        pltpu.VMEM((NB, BC, C), jnp.int32),
        pltpu.VMEM((128,), jnp.float32),
        pltpu.VMEM((RPT,), jnp.float32),
        pltpu.VMEM_SHARED((NP,), jnp.float32),
    ],
)
def _deg_sc(eS_hbm, out_hbm, dst_v, ones_v, zbuf, acc):
    cid = lax.axis_index("c")
    sid = lax.axis_index("s")
    wid = sid * NC + cid

    def fill_ones(i, carry):
        ones_v[pl.ds(i * 16, 16)] = jnp.ones((16,), jnp.float32)
        return carry

    lax.fori_loop(0, 8, fill_ones, 0)

    def fill_zeros(i, carry):
        zbuf[pl.ds(i * 16, 16)] = jnp.zeros((16,), jnp.float32)
        return carry

    lax.fori_loop(0, RPT // 16, fill_zeros, 0)
    pltpu.sync_copy(zbuf, acc.at[pl.ds(sid * RPT, RPT)])
    pltpu.sync_copy(eS_hbm.at[1, wid], dst_v)
    plsc.subcore_barrier()

    ones = ones_v.at[pl.ds(0, C)]

    def body(j, carry):
        for r in range(BC):
            pltpu.sync_copy(ones, acc.at[dst_v.at[j, r]], add=True)
        return carry

    lax.fori_loop(0, NB, body, 0)
    plsc.subcore_barrier()
    pltpu.sync_copy(acc.at[pl.ds(sid * RPT, RPT)],
                    out_hbm.at[cid, pl.ds(sid * RPT, RPT)])


def _mm_body(deg_ref, x_ref, w_ref, y_ref):
    d = deg_ref[0] + deg_ref[1] + 1.0
    dinv = lax.rsqrt(jnp.maximum(d, 1e-12))
    xw = jnp.dot(x_ref[...], w_ref[...], preferred_element_type=jnp.float32)
    y_ref[...] = xw * dinv[:, None]


def _mm_tc(degp, xp, W):
    return pl.pallas_call(
        _mm_body,
        grid=(GRID,),
        in_specs=[
            pl.BlockSpec((NC, BLK), lambda i: (0, i)),
            pl.BlockSpec((BLK, D), lambda i: (i, 0)),
            pl.BlockSpec((D, D), lambda i: (0, 0)),
        ],
        out_specs=pl.BlockSpec((BLK, D), lambda i: (i, 0)),
        out_shape=jax.ShapeDtypeStruct((N, D), jnp.float32),
    )(degp, xp, W)


@functools.partial(
    pl.kernel,
    mesh=_mesh,
    out_type=jax.ShapeDtypeStruct((NC, NP, D), jnp.float32),
    scratch_types=[
        pltpu.VMEM((NB, BC, C), jnp.int32),
        pltpu.VMEM((BC, C), jnp.int32),
        pltpu.VMEM((BC, C), jnp.int32),
        pltpu.VMEM((C, D), jnp.float32),
        pltpu.VMEM((C, D), jnp.float32),
        pltpu.VMEM((16, D), jnp.float32),
        pltpu.VMEM_SHARED((NP, D), jnp.float32),
        pltpu.SemaphoreType.DMA,
        pltpu.SemaphoreType.DMA,
        pltpu.SemaphoreType.DMA,
        pltpu.SemaphoreType.DMA,
    ],
)
def _scat_sc(y_hbm, eS_hbm, out_hbm, src_v, dbuf_a, dbuf_b,
             rows_a, rows_b, zbuf, acc, sem_a, sem_b, dsem_a, dsem_b):
    cid = lax.axis_index("c")
    sid = lax.axis_index("s")
    wid = sid * NC + cid

    for i in range(16):
        for j in range(D // 16):
            zbuf[i, pl.ds(j * 16, 16)] = jnp.zeros((16,), jnp.float32)

    def zero_rows(i, carry):
        pltpu.sync_copy(zbuf, acc.at[pl.ds(sid * RPT + i * 16, 16)])
        return carry

    lax.fori_loop(0, RPT // 16, zero_rows, 0)
    pltpu.sync_copy(eS_hbm.at[0, wid], src_v)
    plsc.subcore_barrier()

    rows = (rows_a, rows_b)
    sems = (sem_a, sem_b)

    def gstart(a, r, par):
        pltpu.async_copy(y_hbm.at[src_v.at[a, r]], rows[par], sems[par])

    def gwait(a, r, par):
        pltpu.make_async_copy(y_hbm.at[src_v.at[a, r]], rows[par],
                              sems[par]).wait()

    def dstart(a, dbuf, dsem):
        pltpu.async_copy(eS_hbm.at[1, wid, a], dbuf, dsem)

    def dwait(a, dbuf, dsem):
        pltpu.make_async_copy(eS_hbm.at[1, wid, a], dbuf, dsem).wait()

    def run_block(a, dbuf):
        for k in range(BC):
            if k < BC - 1:
                gstart(a, k + 1, (k + 1) % 2)
            else:
                gstart(jnp.minimum(a + 1, NB - 1), 0, 0)
            gwait(a, k, k % 2)
            pltpu.sync_copy(rows[k % 2], acc.at[dbuf.at[k]], add=True)

    dstart(0, dbuf_a, dsem_a)
    dwait(0, dbuf_a, dsem_a)
    gstart(0, 0, 0)

    def body(j, carry):
        a0 = 2 * j
        dstart(a0 + 1, dbuf_b, dsem_b)
        run_block(a0, dbuf_a)
        dwait(a0 + 1, dbuf_b, dsem_b)
        dstart(jnp.minimum(a0 + 2, NB - 1), dbuf_a, dsem_a)
        run_block(a0 + 1, dbuf_b)
        dwait(jnp.minimum(a0 + 2, NB - 1), dbuf_a, dsem_a)
        return carry

    lax.fori_loop(0, NB // 2, body, 0)
    gwait(NB - 1, 0, 0)
    plsc.subcore_barrier()
    pltpu.sync_copy(acc.at[pl.ds(sid * RPT, RPT)],
                    out_hbm.at[cid, pl.ds(sid * RPT, RPT)])


def _fin_body(sp_ref, y_ref, deg_ref, b_ref, o_ref):
    d = deg_ref[0] + deg_ref[1] + 1.0
    dinv = lax.rsqrt(jnp.maximum(d, 1e-12))
    s = sp_ref[0] + sp_ref[1] + y_ref[...]
    o_ref[...] = dinv[:, None] * s + b_ref[0][None, :]


def _fin_tc(Sp, y, degp, b2):
    return pl.pallas_call(
        _fin_body,
        grid=(GRID,),
        in_specs=[
            pl.BlockSpec((NC, BLK, D), lambda i: (0, i, 0)),
            pl.BlockSpec((BLK, D), lambda i: (i, 0)),
            pl.BlockSpec((NC, BLK), lambda i: (0, i)),
            pl.BlockSpec((1, D), lambda i: (0, 0)),
        ],
        out_specs=pl.BlockSpec((BLK, D), lambda i: (i, 0)),
        out_shape=jax.ShapeDtypeStruct((N, D), jnp.float32),
    )(Sp, y, degp, b2)


def kernel(x, edge_index, W, b):
    eS = edge_index.reshape(2, NTILES, NB, BC, C)
    degp = _deg_sc(eS)
    y = _mm_tc(degp, x, W)
    Sp = _scat_sc(y, eS)
    return _fin_tc(Sp, y, degp, b.reshape(1, D))

# --- scband reference (transcript-rebuilt; emitter-appended) ---
"""Pipeline reference for scband-classical-gnnlayers-5059471475174 (READ-ONLY COPY).

The authoritative reference and input builder live on the scoring server;
editing this copy changes nothing except your own understanding.
"""

import jax, jax.numpy as jnp
import numpy as np

N = 10000
E = 320000
D_IN = 128
D_OUT = 128


def setup_inputs(seed: int = 0) -> dict:
    key = jax.random.key(seed)
    k1, k2, k3 = jax.random.split(key, 3)
    x = jax.random.normal(k1, (N, D_IN), dtype=jnp.float32)
    edge_index = jax.random.randint(k2, (2, E), 0, N, dtype=jnp.int32)
    W = jax.random.normal(k3, (D_IN, D_OUT), dtype=jnp.float32) / np.sqrt(D_IN)
    b = jnp.zeros((D_OUT,), dtype=jnp.float32)
    return {"x": x, "edge_index": edge_index, "W": W, "b": b}


def reference(x, edge_index, W, b):
    # ClassicalGNNLayers with layer_name='GCNConv', input_feat_flag=False:
    # node_feat = data.x; out = GCNConv(x, edge_index)
    # GCNConv: add self-loops, symmetric normalization, scatter-add aggregation.
    src = edge_index[0]
    dst = edge_index[1]
    loop = jnp.arange(N, dtype=src.dtype)
    src = jnp.concatenate([src, loop], axis=0)
    dst = jnp.concatenate([dst, loop], axis=0)
    # degree w.r.t. destination (in-degree incl. self loop)
    deg = jax.ops.segment_sum(jnp.ones_like(dst, dtype=jnp.float32), dst, num_segments=N)
    dinv = jax.lax.rsqrt(jnp.maximum(deg, 1e-12))
    norm = dinv[src] * dinv[dst]
    xw = x @ W  # linear transform first (standard GCNConv)
    msg = jnp.take(xw, src, axis=0) * norm[:, None]
    out = jax.ops.segment_sum(msg, dst, num_segments=N) + b
    return out

if __name__ == "__main__":
    import jax
    _d = setup_inputs()
    print(jax.jit(kernel)(*tuple(_d.values())))

</pallas_src>

<mosaic_0001>
#map = affine_map<(d0, d1) -> (0, 0)>
#map1 = affine_map<(d0, d1) -> (0, 0, 0, 0, 0)>
#map2 = affine_map<(d0, d1) -> (0, 0, 0)>
module attributes {stable_mosaic.version = 14 : i64} {
  func.func @_scat_sc(%arg0: i32, %arg1: i32, %arg2: memref<10000x128xf32, #tpu.memory_space<hbm>>, %arg3: memref<2x32x10x8x125xi32, #tpu.memory_space<hbm>>, %arg4: memref<2x10240x128xf32, #tpu.memory_space<hbm>>, %arg5: memref<10x8x125xi32, #tpu.memory_space<vmem>>, %arg6: memref<8x125xi32, #tpu.memory_space<vmem>>, %arg7: memref<8x125xi32, #tpu.memory_space<vmem>>, %arg8: memref<125x128xf32, #tpu.memory_space<vmem>>, %arg9: memref<125x128xf32, #tpu.memory_space<vmem>>, %arg10: memref<16x128xf32, #tpu.memory_space<vmem>>, %arg11: memref<10240x128xf32, #tpu.memory_space<vmem_shared>>, %arg12: memref<!tpu.dma_semaphore, #tpu.memory_space<semaphore_mem>>, %arg13: memref<!tpu.dma_semaphore, #tpu.memory_space<semaphore_mem>>, %arg14: memref<!tpu.dma_semaphore, #tpu.memory_space<semaphore_mem>>, %arg15: memref<!tpu.dma_semaphore, #tpu.memory_space<semaphore_mem>>) attributes {dimension_semantics = [#tpu.dimension_semantics<core_parallel>, #tpu.dimension_semantics<subcore_parallel>], iteration_bounds = array<i64: 2, 16>, scalar_prefetch = 0 : i64, scratch_operands = 11 : i64, tpu.core_type = #tpu.core_type<sc_vector_subcore>, window_params = [{transform_indices = #map}, {transform_indices = #map1}, {transform_indices = #map2}]} {
    %mul3A = arith.constant 2 : i32
    %mul3A_0 = arith.muli %arg1, %mul3A : i32
    %add3A = arith.addi %mul3A_0, %arg0 : i32
    %broadcast_in_dim3A = arith.constant 0.000000e+00 : f32
    %broadcast_in_dim3A_1 = vector.broadcast %broadcast_in_dim3A : f32 to vector<16xf32>
    %swap3A = arith.constant 0 : i32
    %swap3A_2 = arith.index_cast %swap3A : i32 to index
    %swap3A_3 = arith.constant 0 : index
    %swap3A_4 = tpu.vector_load %arg10[%swap3A_2, %swap3A_3] {strides = array<i32>} : memref<16x128xf32, #tpu.memory_space<vmem>>, vector<1x16xf32>,
    %swap3A_5 = vector.shape_cast %swap3A_4 : vector<1x16xf32> to vector<16xf32>
    %swap3A_6 = vector.shape_cast %broadcast_in_dim3A_1 : vector<16xf32> to vector<1x16xf32>
    tpu.vector_store %arg10[%swap3A_2, %swap3A_3], %swap3A_6 {strides = array<i32>} : memref<16x128xf32, #tpu.memory_space<vmem>>, vector<1x16xf32>,
    %broadcast_in_dim3A_7 = arith.constant 0.000000e+00 : f32
    %broadcast_in_dim3A_8 = vector.broadcast %broadcast_in_dim3A_7 : f32 to vector<16xf32>
    %swap3A_9 = arith.constant 0 : i32
    %swap3A_10 = arith.index_cast %swap3A_9 : i32 to index
    %swap3A_11 = arith.constant 16 : index
    %swap3A_12 = tpu.vector_load %arg10[%swap3A_10, %swap3A_11] {strides = array<i32>} : memref<16x128xf32, #tpu.memory_space<vmem>>, vector<1x16xf32>,
    %swap3A_13 = vector.shape_cast %swap3A_12 : vector<1x16xf32> to vector<16xf32>
    %swap3A_14 = vector.shape_cast %broadcast_in_dim3A_8 : vector<16xf32> to vector<1x16xf32>
    tpu.vector_store %arg10[%swap3A_10, %swap3A_11], %swap3A_14 {strides = array<i32>} : memref<16x128xf32, #tpu.memory_space<vmem>>, vector<1x16xf32>,
    %broadcast_in_dim3A_15 = arith.constant 0.000000e+00 : f32
    %broadcast_in_dim3A_16 = vector.broadcast %broadcast_in_dim3A_15 : f32 to vector<16xf32>
    %swap3A_17 = arith.constant 0 : i32
    %swap3A_18 = arith.index_cast %swap3A_17 : i32 to index
    %swap3A_19 = arith.constant 32 : index
    %swap3A_20 = tpu.vector_load %arg10[%swap3A_18, %swap3A_19] {strides = array<i32>} : memref<16x128xf32, #tpu.memory_space<vmem>>, vector<1x16xf32>,
    %swap3A_21 = vector.shape_cast %swap3A_20 : vector<1x16xf32> to vector<16xf32>
    %swap3A_22 = vector.shape_cast %broadcast_in_dim3A_16 : vector<16xf32> to vector<1x16xf32>
    tpu.vector_store %arg10[%swap3A_18, %swap3A_19], %swap3A_22 {strides = array<i32>} : memref<16x128xf32, #tpu.memory_space<vmem>>, vector<1x16xf32>,
    %broadcast_in_dim3A_23 = arith.constant 0.000000e+00 : f32
    %broadcast_in_dim3A_24 = vector.broadcast %broadcast_in_dim3A_23 : f32 to vector<16xf32>
    %swap3A_25 = arith.constant 0 : i32
    %swap3A_26 = arith.index_cast %swap3A_25 : i32 to index
    %swap3A_27 = arith.constant 48 : index
    %swap3A_28 = tpu.vector_load %arg10[%swap3A_26, %swap3A_27] {strides = array<i32>} : memref<16x128xf32, #tpu.memory_space<vmem>>, vector<1x16xf32>,
    %swap3A_29 = vector.shape_cast %swap3A_28 : vector<1x16xf32> to vector<16xf32>
    %swap3A_30 = vector.shape_cast %broadcast_in_dim3A_24 : vector<16xf32> to vector<1x16xf32>
    tpu.vector_store %arg10[%swap3A_26, %swap3A_27], %swap3A_30 {strides = array<i32>} : memref<16x128xf32, #tpu.memory_space<vmem>>, vector<1x16xf32>,
    %broadcast_in_dim3A_31 = arith.constant 0.000000e+00 : f32
    %broadcast_in_dim3A_32 = vector.broadcast %broadcast_in_dim3A_31 : f32 to vector<16xf32>
    %swap3A_33 = arith.constant 0 : i32
    %swap3A_34 = arith.index_cast %swap3A_33 : i32 to index
    %swap3A_35 = arith.constant 64 : index
    %swap3A_36 = tpu.vector_load %arg10[%swap3A_34, %swap3A_35] {strides = array<i32>} : memref<16x128xf32, #tpu.memory_space<vmem>>, vector<1x16xf32>,
    %swap3A_37 = vector.shape_cast %swap3A_36 : vector<1x16xf32> to vector<16xf32>
    %swap3A_38 = vector.shape_cast %broadcast_in_dim3A_32 : vector<16xf32> to vector<1x16xf32>
    tpu.vector_store %arg10[%swap3A_34, %swap3A_35], %swap3A_38 {strides = array<i32>} : memref<16x128xf32, #tpu.memory_space<vmem>>, vector<1x16xf32>,
    %broadcast_in_dim3A_39 = arith.constant 0.000000e+00 : f32
    %broadcast_in_dim3A_40 = vector.broadcast %broadcast_in_dim3A_39 : f32 to vector<16xf32>
    %swap3A_41 = arith.constant 0 : i32
    %swap3A_42 = arith.index_cast %swap3A_41 : i32 to index
    %swap3A_43 = arith.constant 80 : index
    %swap3A_44 = tpu.vector_load %arg10[%swap3A_42, %swap3A_43] {strides = array<i32>} : memref<16x128xf32, #tpu.memory_space<vmem>>, vector<1x16xf32>,
    %swap3A_45 = vector.shape_cast %swap3A_44 : vector<1x16xf32> to vector<16xf32>
    %swap3A_46 = vector.shape_cast %broadcast_in_dim3A_40 : vector<16xf32> to vector<1x16xf32>
    tpu.vector_store %arg10[%swap3A_42, %swap3A_43], %swap3A_46 {strides = array<i32>} : memref<16x128xf32, #tpu.memory_space<vmem>>, vector<1x16xf32>,
    %broadcast_in_dim3A_47 = arith.constant 0.000000e+00 : f32
    %broadcast_in_dim3A_48 = vector.broadcast %broadcast_in_dim3A_47 : f32 to vector<16xf32>
    %swap3A_49 = arith.constant 0 : i32
    %swap3A_50 = arith.index_cast %swap3A_49 : i32 to index
    %swap3A_51 = arith.constant 96 : index
    %swap3A_52 = tpu.vector_load %arg10[%swap3A_50, %swap3A_51] {strides = array<i32>} : memref<16x128xf32, #tpu.memory_space<vmem>>, vector<1x16xf32>,
    %swap3A_53 = vector.shape_cast %swap3A_52 : vector<1x16xf32> to vector<16xf32>
    %swap3A_54 = vector.shape_cast %broadcast_in_dim3A_48 : vector<16xf32> to vector<1x16xf32>
    tpu.vector_store %arg10[%swap3A_50, %swap3A_51], %swap3A_54 {strides = array<i32>} : memref<16x128xf32, #tpu.memory_space<vmem>>, vector<1x16xf32>,
    %broadcast_in_dim3A_55 = arith.constant 0.000000e+00 : f32
    %broadcast_in_dim3A_56 = vector.broadcast %broadcast_in_dim3A_55 : f32 to vector<16xf32>
    %swap3A_57 = arith.constant 0 : i32
    %swap3A_58 = arith.index_cast %swap3A_57 : i32 to index
    %swap3A_59 = arith.constant 112 : index
    %swap3A_60 = tpu.vector_load %arg10[%swap3A_58, %swap3A_59] {strides = array<i32>} : memref<16x128xf32, #tpu.memory_space<vmem>>, vector<1x16xf32>,
    %swap3A_61 = vector.shape_cast %swap3A_60 : vector<1x16xf32> to vector<16xf32>
    %swap3A_62 = vector.shape_cast %broadcast_in_dim3A_56 : vector<16xf32> to vector<1x16xf32>
    tpu.vector_store %arg10[%swap3A_58, %swap3A_59], %swap3A_62 {strides = array<i32>} : memref<16x128xf32, #tpu.memory_space<vmem>>, vector<1x16xf32>,
    %broadcast_in_dim3A_63 = arith.constant 0.000000e+00 : f32
    %broadcast_in_dim3A_64 = vector.broadcast %broadcast_in_dim3A_63 : f32 to vector<16xf32>
    %swap3A_65 = arith.constant 1 : i32
    %swap3A_66 = arith.index_cast %swap3A_65 : i32 to index
    %swap3A_67 = arith.constant 0 : index
    %swap3A_68 = tpu.vector_load %arg10[%swap3A_66, %swap3A_67] {strides = array<i32>} : memref<16x128xf32, #tpu.memory_space<vmem>>, vector<1x16xf32>,
    %swap3A_69 = vector.shape_cast %swap3A_68 : vector<1x16xf32> to vector<16xf32>
    %swap3A_70 = vector.shape_cast %broadcast_in_dim3A_64 : vector<16xf32> to vector<1x16xf32>
    tpu.vector_store %arg10[%swap3A_66, %swap3A_67], %swap3A_70 {strides = array<i32>} : memref<16x128xf32, #tpu.memory_space<vmem>>, vector<1x16xf32>,
    %broadcast_in_dim3A_71 = arith.constant 0.000000e+00 : f32
    %broadcast_in_dim3A_72 = vector.broadcast %broadcast_in_dim3A_71 : f32 to vector<16xf32>
    %swap3A_73 = arith.constant 1 : i32
    %swap3A_74 = arith.index_cast %swap3A_73 : i32 to index
    %swap3A_75 = arith.constant 16 : index
    %swap3A_76 = tpu.vector_load %arg10[%swap3A_74, %swap3A_75] {strides = array<i32>} : memref<16x128xf32, #tpu.memory_space<vmem>>, vector<1x16xf32>,
    %swap3A_77 = vector.shape_cast %swap3A_76 : vector<1x16xf32> to vector<16xf32>
    %swap3A_78 = vector.shape_cast %broadcast_in_dim3A_72 : vector<16xf32> to vector<1x16xf32>
    tpu.vector_store %arg10[%swap3A_74, %swap3A_75], %swap3A_78 {strides = array<i32>} : memref<16x128xf32, #tpu.memory_space<vmem>>, vector<1x16xf32>,
    %broadcast_in_dim3A_79 = arith.constant 0.000000e+00 : f32
    %broadcast_in_dim3A_80 = vector.broadcast %broadcast_in_dim3A_79 : f32 to vector<16xf32>
    %swap3A_81 = arith.constant 1 : i32
    %swap3A_82 = arith.index_cast %swap3A_81 : i32 to index
    %swap3A_83 = arith.constant 32 : index
    %swap3A_84 = tpu.vector_load %arg10[%swap3A_82, %swap3A_83] {strides = array<i32>} : memref<16x128xf32, #tpu.memory_space<vmem>>, vector<1x16xf32>,
    %swap3A_85 = vector.shape_cast %swap3A_84 : vector<1x16xf32> to vector<16xf32>
    %swap3A_86 = vector.shape_cast %broadcast_in_dim3A_80 : vector<16xf32> to vector<1x16xf32>
    tpu.vector_store %arg10[%swap3A_82, %swap3A_83], %swap3A_86 {strides = array<i32>} : memref<16x128xf32, #tpu.memory_space<vmem>>, vector<1x16xf32>,
    %broadcast_in_dim3A_87 = arith.constant 0.000000e+00 : f32
    %broadcast_in_dim3A_88 = vector.broadcast %broadcast_in_dim3A_87 : f32 to vector<16xf32>
    %swap3A_89 = arith.constant 1 : i32
    %swap3A_90 = arith.index_cast %swap3A_89 : i32 to index
    %swap3A_91 = arith.constant 48 : index
    %swap3A_92 = tpu.vector_load %arg10[%swap3A_90, %swap3A_91] {strides = array<i32>} : memref<16x128xf32, #tpu.memory_space<vmem>>, vector<1x16xf32>,
    %swap3A_93 = vector.shape_cast %swap3A_92 : vector<1x16xf32> to vector<16xf32>
    %swap3A_94 = vector.shape_cast %broadcast_in_dim3A_88 : vector<16xf32> to vector<1x16xf32>
    tpu.vector_store %arg10[%swap3A_90, %swap3A_91], %swap3A_94 {strides = array<i32>} : memref<16x128xf32, #tpu.memory_space<vmem>>, vector<1x16xf32>,
    %broadcast_in_dim3A_95 = arith.constant 0.000000e+00 : f32
    %broadcast_in_dim3A_96 = vector.broadcast %broadcast_in_dim3A_95 : f32 to vector<16xf32>
    %swap3A_97 = arith.constant 1 : i32
    %swap3A_98 = arith.index_cast %swap3A_97 : i32 to index
    %swap3A_99 = arith.constant 64 : index
    %swap3A_100 = tpu.vector_load %arg10[%swap3A_98, %swap3A_99] {strides = array<i32>} : memref<16x128xf32, #tpu.memory_space<vmem>>, vector<1x16xf32>,
    %swap3A_101 = vector.shape_cast %swap3A_100 : vector<1x16xf32> to vector<16xf32>
    %swap3A_102 = vector.shape_cast %broadcast_in_dim3A_96 : vector<16xf32> to vector<1x16xf32>
    tpu.vector_store %arg10[%swap3A_98, %swap3A_99], %swap3A_102 {strides = array<i32>} : memref<16x128xf32, #tpu.memory_space<vmem>>, vector<1x16xf32>,
    %broadcast_in_dim3A_103 = arith.constant 0.000000e+00 : f32
    %broadcast_in_dim3A_104 = vector.broadcast %broadcast_in_dim3A_103 : f32 to vector<16xf32>
    %swap3A_105 = arith.constant 1 : i32
    %swap3A_106 = arith.index_cast %swap3A_105 : i32 to index
    %swap3A_107 = arith.constant 80 : index
    %swap3A_108 = tpu.vector_load %arg10[%swap3A_106, %swap3A_107] {strides = array<i32>} : memref<16x128xf32, #tpu.memory_space<vmem>>, vector<1x16xf32>,
    %swap3A_109 = vector.shape_cast %swap3A_108 : vector<1x16xf32> to vector<16xf32>
    %swap3A_110 = vector.shape_cast %broadcast_in_dim3A_104 : vector<16xf32> to vector<1x16xf32>
    tpu.vector_store %arg10[%swap3A_106, %swap3A_107], %swap3A_110 {strides = array<i32>} : memref<16x128xf32, #tpu.memory_space<vmem>>, vector<1x16xf32>,
    %broadcast_in_dim3A_111 = arith.constant 0.000000e+00 : f32
    %broadcast_in_dim3A_112 = vector.broadcast %broadcast_in_dim3A_111 : f32 to vector<16xf32>
    %swap3A_113 = arith.constant 1 : i32
    %swap3A_114 = arith.index_cast %swap3A_113 : i32 to index
    %swap3A_115 = arith.constant 96 : index
    %swap3A_116 = tpu.vector_load %arg10[%swap3A_114, %swap3A_115] {strides = array<i32>} : memref<16x128xf32, #tpu.memory_space<vmem>>, vector<1x16xf32>,
    %swap3A_117 = vector.shape_cast %swap3A_116 : vector<1x16xf32> to vector<16xf32>
    %swap3A_118 = vector.shape_cast %broadcast_in_dim3A_112 : vector<16xf32> to vector<1x16xf32>
    tpu.vector_store %arg10[%swap3A_114, %swap3A_115], %swap3A_118 {strides = array<i32>} : memref<16x128xf32, #tpu.memory_space<vmem>>, vector<1x16xf32>,
    %broadcast_in_dim3A_119 = arith.constant 0.000000e+00 : f32
    %broadcast_in_dim3A_120 = vector.broadcast %broadcast_in_dim3A_119 : f32 to vector<16xf32>
    %swap3A_121 = arith.constant 1 : i32
    %swap3A_122 = arith.index_cast %swap3A_121 : i32 to index
    %swap3A_123 = arith.constant 112 : index
    %swap3A_124 = tpu.vector_load %arg10[%swap3A_122, %swap3A_123] {strides = array<i32>} : memref<16x128xf32, #tpu.memory_space<vmem>>, vector<1x16xf32>,
    %swap3A_125 = vector.shape_cast %swap3A_124 : vector<1x16xf32> to vector<16xf32>
    %swap3A_126 = vector.shape_cast %broadcast_in_dim3A_120 : vector<16xf32> to vector<1x16xf32>
    tpu.vector_store %arg10[%swap3A_122, %swap3A_123], %swap3A_126 {strides = array<i32>} : memref<16x128xf32, #tpu.memory_space<vmem>>, vector<1x16xf32>,
    %broadcast_in_dim3A_127 = arith.constant 0.000000e+00 : f32
    %broadcast_in_dim3A_128 = vector.broadcast %broadcast_in_dim3A_127 : f32 to vector<16xf32>
    %swap3A_129 = arith.constant 2 : i32
    %swap3A_130 = arith.index_cast %swap3A_129 : i32 to index
    %swap3A_131 = arith.constant 0 : index
    %swap3A_132 = tpu.vector_load %arg10[%swap3A_130, %swap3A_131] {strides = array<i32>} : memref<16x128xf32, #tpu.memory_space<vmem>>, vector<1x16xf32>,
    %swap3A_133 = vector.shape_cast %swap3A_132 : vector<1x16xf32> to vector<16xf32>
    %swap3A_134 = vector.shape_cast %broadcast_in_dim3A_128 : vector<16xf32> to vector<1x16xf32>
    tpu.vector_store %arg10[%swap3A_130, %swap3A_131], %swap3A_134 {strides = array<i32>} : memref<16x128xf32, #tpu.memory_space<vmem>>, vector<1x16xf32>,
    %broadcast_in_dim3A_135 = arith.constant 0.000000e+00 : f32
    %broadcast_in_dim3A_136 = vector.broadcast %broadcast_in_dim3A_135 : f32 to vector<16xf32>
    %swap3A_137 = arith.constant 2 : i32
    %swap3A_138 = arith.index_cast %swap3A_137 : i32 to index
    %swap3A_139 = arith.constant 16 : index
    %swap3A_140 = tpu.vector_load %arg10[%swap3A_138, %swap3A_139] {strides = array<i32>} : memref<16x128xf32, #tpu.memory_space<vmem>>, vector<1x16xf32>,
    %swap3A_141 = vector.shape_cast %swap3A_140 : vector<1x16xf32> to vector<16xf32>
    %swap3A_142 = vector.shape_cast %broadcast_in_dim3A_136 : vector<16xf32> to vector<1x16xf32>
    tpu.vector_store %arg10[%swap3A_138, %swap3A_139], %swap3A_142 {strides = array<i32>} : memref<16x128xf32, #tpu.memory_space<vmem>>, vector<1x16xf32>,
    %broadcast_in_dim3A_143 = arith.constant 0.000000e+00 : f32
    %broadcast_in_dim3A_144 = vector.broadcast %broadcast_in_dim3A_143 : f32 to vector<16xf32>
    %swap3A_145 = arith.constant 2 : i32
    %swap3A_146 = arith.index_cast %swap3A_145 : i32 to index
    %swap3A_147 = arith.constant 32 : index
    %swap3A_148 = tpu.vector_load %arg10[%swap3A_146, %swap3A_147] {strides = array<i32>} : memref<16x128xf32, #tpu.memory_space<vmem>>, vector<1x16xf32>,
    %swap3A_149 = vector.shape_cast %swap3A_148 : vector<1x16xf32> to vector<16xf32>
    %swap3A_150 = vector.shape_cast %broadcast_in_dim3A_144 : vector<16xf32> to vector<1x16xf32>
    tpu.vector_store %arg10[%swap3A_146, %swap3A_147], %swap3A_150 {strides = array<i32>} : memref<16x128xf32, #tpu.memory_space<vmem>>, vector<1x16xf32>,
    %broadcast_in_dim3A_151 = arith.constant 0.000000e+00 : f32
    %broadcast_in_dim3A_152 = vector.broadcast %broadcast_in_dim3A_151 : f32 to vector<16xf32>
    %swap3A_153 = arith.constant 2 : i32
    %swap3A_154 = arith.index_cast %swap3A_153 : i32 to index
    %swap3A_155 = arith.constant 48 : index
    %swap3A_156 = tpu.vector_load %arg10[%swap3A_154, %swap3A_155] {strides = array<i32>} : memref<16x128xf32, #tpu.memory_space<vmem>>, vector<1x16xf32>,
    %swap3A_157 = vector.shape_cast %swap3A_156 : vector<1x16xf32> to vector<16xf32>
    %swap3A_158 = vector.shape_cast %broadcast_in_dim3A_152 : vector<16xf32> to vector<1x16xf32>
    tpu.vector_store %arg10[%swap3A_154, %swap3A_155], %swap3A_158 {strides = array<i32>} : memref<16x128xf32, #tpu.memory_space<vmem>>, vector<1x16xf32>,
    %broadcast_in_dim3A_159 = arith.constant 0.000000e+00 : f32
    %broadcast_in_dim3A_160 = vector.broadcast %broadcast_in_dim3A_159 : f32 to vector<16xf32>
    %swap3A_161 = arith.constant 2 : i32
    %swap3A_162 = arith.index_cast %swap3A_161 : i32 to index
    %swap3A_163 = arith.constant 64 : index
    %swap3A_164 = tpu.vector_load %arg10[%swap3A_162, %swap3A_163] {strides = array<i32>} : memref<16x128xf32, #tpu.memory_space<vmem>>, vector<1x16xf32>,
    %swap3A_165 = vector.shape_cast %swap3A_164 : vector<1x16xf32> to vector<16xf32>
    %swap3A_166 = vector.shape_cast %broadcast_in_dim3A_160 : vector<16xf32> to vector<1x16xf32>
    tpu.vector_store %arg10[%swap3A_162, %swap3A_163], %swap3A_166 {strides = array<i32>} : memref<16x128xf32, #tpu.memory_space<vmem>>, vector<1x16xf32>,
    %broadcast_in_dim3A_167 = arith.constant 0.000000e+00 : f32
    %broadcast_in_dim3A_168 = vector.broadcast %broadcast_in_dim3A_167 : f32 to vector<16xf32>
    %swap3A_169 = arith.constant 2 : i32
    %swap3A_170 = arith.index_cast %swap3A_169 : i32 to index
    %swap3A_171 = arith.constant 80 : index
    %swap3A_172 = tpu.vector_load %arg10[%swap3A_170, %swap3A_171] {strides = array<i32>} : memref<16x128xf32, #tpu.memory_space<vmem>>, vector<1x16xf32>,
    %swap3A_173 = vector.shape_cast %swap3A_172 : vector<1x16xf32> to vector<16xf32>
    %swap3A_174 = vector.shape_cast %broadcast_in_dim3A_168 : vector<16xf32> to vector<1x16xf32>
    tpu.vector_store %arg10[%swap3A_170, %swap3A_171], %swap3A_174 {strides = array<i32>} : memref<16x128xf32, #tpu.memory_space<vmem>>, vector<1x16xf32>,
    %broadcast_in_dim3A_175 = arith.constant 0.000000e+00 : f32
    %broadcast_in_dim3A_176 = vector.broadcast %broadcast_in_dim3A_175 : f32 to vector<16xf32>
    %swap3A_177 = arith.constant 2 : i32
    %swap3A_178 = arith.index_cast %swap3A_177 : i32 to index
    %swap3A_179 = arith.constant 96 : index
    %swap3A_180 = tpu.vector_load %arg10[%swap3A_178, %swap3A_179] {strides = array<i32>} : memref<16x128xf32, #tpu.memory_space<vmem>>, vector<1x16xf32>,
    %swap3A_181 = vector.shape_cast %swap3A_180 : vector<1x16xf32> to vector<16xf32>
    %swap3A_182 = vector.shape_cast %broadcast_in_dim3A_176 : vector<16xf32> to vector<1x16xf32>
    tpu.vector_store %arg10[%swap3A_178, %swap3A_179], %swap3A_182 {strides = array<i32>} : memref<16x128xf32, #tpu.memory_space<vmem>>, vector<1x16xf32>,
    %broadcast_in_dim3A_183 = arith.constant 0.000000e+00 : f32
    %broadcast_in_dim3A_184 = vector.broadcast %broadcast_in_dim3A_183 : f32 to vector<16xf32>
    %swap3A_185 = arith.constant 2 : i32
    %swap3A_186 = arith.index_cast %swap3A_185 : i32 to index
    %swap3A_187 = arith.constant 112 : index
    %swap3A_188 = tpu.vector_load %arg10[%swap3A_186, %swap3A_187] {strides = array<i32>} : memref<16x128xf32, #tpu.memory_space<vmem>>, vector<1x16xf32>,
    %swap3A_189 = vector.shape_cast %swap3A_188 : vector<1x16xf32> to vector<16xf32>
    %swap3A_190 = vector.shape_cast %broadcast_in_dim3A_184 : vector<16xf32> to vector<1x16xf32>
    tpu.vector_store %arg10[%swap3A_186, %swap3A_187], %swap3A_190 {strides = array<i32>} : memref<16x128xf32, #tpu.memory_space<vmem>>, vector<1x16xf32>,
    %broadcast_in_dim3A_191 = arith.constant 0.000000e+00 : f32
    %broadcast_in_dim3A_192 = vector.broadcast %broadcast_in_dim3A_191 : f32 to vector<16xf32>
    %swap3A_193 = arith.constant 3 : i32
    %swap3A_194 = arith.index_cast %swap3A_193 : i32 to index
    %swap3A_195 = arith.constant 0 : index
    %swap3A_196 = tpu.vector_load %arg10[%swap3A_194, %swap3A_195] {strides = array<i32>} : memref<16x128xf32, #tpu.memory_space<vmem>>, vector<1x16xf32>,
    %swap3A_197 = vector.shape_cast %swap3A_196 : vector<1x16xf32> to vector<16xf32>
    %swap3A_198 = vector.shape_cast %broadcast_in_dim3A_192 : vector<16xf32> to vector<1x16xf32>
    tpu.vector_store %arg10[%swap3A_194, %swap3A_195], %swap3A_198 {strides = array<i32>} : memref<16x128xf32, #tpu.memory_space<vmem>>, vector<1x16xf32>,
    %broadcast_in_dim3A_199 = arith.constant 0.000000e+00 : f32
    %broadcast_in_dim3A_200 = vector.broadcast %broadcast_in_dim3A_199 : f32 to vector<16xf32>
    %swap3A_201 = arith.constant 3 : i32
    %swap3A_202 = arith.index_cast %swap3A_201 : i32 to index
    %swap3A_203 = arith.constant 16 : index
    %swap3A_204 = tpu.vector_load %arg10[%swap3A_202, %swap3A_203] {strides = array<i32>} : memref<16x128xf32, #tpu.memory_space<vmem>>, vector<1x16xf32>,
    %swap3A_205 = vector.shape_cast %swap3A_204 : vector<1x16xf32> to vector<16xf32>
    %swap3A_206 = vector.shape_cast %broadcast_in_dim3A_200 : vector<16xf32> to vector<1x16xf32>
    tpu.vector_store %arg10[%swap3A_202, %swap3A_203], %swap3A_206 {strides = array<i32>} : memref<16x128xf32, #tpu.memory_space<vmem>>, vector<1x16xf32>,
    %broadcast_in_dim3A_207 = arith.constant 0.000000e+00 : f32
    %broadcast_in_dim3A_208 = vector.broadcast %broadcast_in_dim3A_207 : f32 to vector<16xf32>
    %swap3A_209 = arith.constant 3 : i32
    %swap3A_210 = arith.index_cast %swap3A_209 : i32 to index
    %swap3A_211 = arith.constant 32 : index
    %swap3A_212 = tpu.vector_load %arg10[%swap3A_210, %swap3A_211] {strides = array<i32>} : memref<16x128xf32, #tpu.memory_space<vmem>>, vector<1x16xf32>,
    %swap3A_213 = vector.shape_cast %swap3A_212 : vector<1x16xf32> to vector<16xf32>
    %swap3A_214 = vector.shape_cast %broadcast_in_dim3A_208 : vector<16xf32> to vector<1x16xf32>
    tpu.vector_store %arg10[%swap3A_210, %swap3A_211], %swap3A_214 {strides = array<i32>} : memref<16x128xf32, #tpu.memory_space<vmem>>, vector<1x16xf32>,
    %broadcast_in_dim3A_215 = arith.constant 0.000000e+00 : f32
    %broadcast_in_dim3A_216 = vector.broadcast %broadcast_in_dim3A_215 : f32 to vector<16xf32>
    %swap3A_217 = arith.constant 3 : i32
    %swap3A_218 = arith.index_cast %swap3A_217 : i32 to index
    %swap3A_219 = arith.constant 48 : index
    %swap3A_220 = tpu.vector_load %arg10[%swap3A_218, %swap3A_219] {strides = array<i32>} : memref<16x128xf32, #tpu.memory_space<vmem>>, vector<1x16xf32>,
    %swap3A_221 = vector.shape_cast %swap3A_220 : vector<1x16xf32> to vector<16xf32>
    %swap3A_222 = vector.shape_cast %broadcast_in_dim3A_216 : vector<16xf32> to vector<1x16xf32>
    tpu.vector_store %arg10[%swap3A_218, %swap3A_219], %swap3A_222 {strides = array<i32>} : memref<16x128xf32, #tpu.memory_space<vmem>>, vector<1x16xf32>,
    %broadcast_in_dim3A_223 = arith.constant 0.000000e+00 : f32
    %broadcast_in_dim3A_224 = vector.broadcast %broadcast_in_dim3A_223 : f32 to vector<16xf32>
    %swap3A_225 = arith.constant 3 : i32
    %swap3A_226 = arith.index_cast %swap3A_225 : i32 to index
    %swap3A_227 = arith.constant 64 : index
    %swap3A_228 = tpu.vector_load %arg10[%swap3A_226, %swap3A_227] {strides = array<i32>} : memref<16x128xf32, #tpu.memory_space<vmem>>, vector<1x16xf32>,
    %swap3A_229 = vector.shape_cast %swap3A_228 : vector<1x16xf32> to vector<16xf32>
    %swap3A_230 = vector.shape_cast %broadcast_in_dim3A_224 : vector<16xf32> to vector<1x16xf32>
    tpu.vector_store %arg10[%swap3A_226, %swap3A_227], %swap3A_230 {strides = array<i32>} : memref<16x128xf32, #tpu.memory_space<vmem>>, vector<1x16xf32>,
    %broadcast_in_dim3A_231 = arith.constant 0.000000e+00 : f32
    %broadcast_in_dim3A_232 = vector.broadcast %broadcast_in_dim3A_231 : f32 to vector<16xf32>
    %swap3A_233 = arith.constant 3 : i32
    %swap3A_234 = arith.index_cast %swap3A_233 : i32 to index
    %swap3A_235 = arith.constant 80 : index
    %swap3A_236 = tpu.vector_load %arg10[%swap3A_234, %swap3A_235] {strides = array<i32>} : memref<16x128xf32, #tpu.memory_space<vmem>>, vector<1x16xf32>,
    %swap3A_237 = vector.shape_cast %swap3A_236 : vector<1x16xf32> to vector<16xf32>
    %swap3A_238 = vector.shape_cast %broadcast_in_dim3A_232 : vector<16xf32> to vector<1x16xf32>
    tpu.vector_store %arg10[%swap3A_234, %swap3A_235], %swap3A_238 {strides = array<i32>} : memref<16x128xf32, #tpu.memory_space<vmem>>, vector<1x16xf32>,
    %broadcast_in_dim3A_239 = arith.constant 0.000000e+00 : f32
    %broadcast_in_dim3A_240 = vector.broadcast %broadcast_in_dim3A_239 : f32 to vector<16xf32>
    %swap3A_241 = arith.constant 3 : i32
    %swap3A_242 = arith.index_cast %swap3A_241 : i32 to index
    %swap3A_243 = arith.constant 96 : index
    %swap3A_244 = tpu.vector_load %arg10[%swap3A_242, %swap3A_243] {strides = array<i32>} : memref<16x128xf32, #tpu.memory_space<vmem>>, vector<1x16xf32>,
    %swap3A_245 = vector.shape_cast %swap3A_244 : vector<1x16xf32> to vector<16xf32>
    %swap3A_246 = vector.shape_cast %broadcast_in_dim3A_240 : vector<16xf32> to vector<1x16xf32>
    tpu.vector_store %arg10[%swap3A_242, %swap3A_243], %swap3A_246 {strides = array<i32>} : memref<16x128xf32, #tpu.memory_space<vmem>>, vector<1x16xf32>,
    %broadcast_in_dim3A_247 = arith.constant 0.000000e+00 : f32
    %broadcast_in_dim3A_248 = vector.broadcast %broadcast_in_dim3A_247 : f32 to vector<16xf32>
    %swap3A_249 = arith.constant 3 : i32
    %swap3A_250 = arith.index_cast %swap3A_249 : i32 to index
    %swap3A_251 = arith.constant 112 : index
    %swap3A_252 = tpu.vector_load %arg10[%swap3A_250, %swap3A_251] {strides = array<i32>} : memref<16x128xf32, #tpu.memory_space<vmem>>, vector<1x16xf32>,
    %swap3A_253 = vector.shape_cast %swap3A_252 : vector<1x16xf32> to vector<16xf32>
    %swap3A_254 = vector.shape_cast %broadcast_in_dim3A_248 : vector<16xf32> to vector<1x16xf32>
    tpu.vector_store %arg10[%swap3A_250, %swap3A_251], %swap3A_254 {strides = array<i32>} : memref<16x128xf32, #tpu.memory_space<vmem>>, vector<1x16xf32>,
    %broadcast_in_dim3A_255 = arith.constant 0.000000e+00 : f32
    %broadcast_in_dim3A_256 = vector.broadcast %broadcast_in_dim3A_255 : f32 to vector<16xf32>
    %swap3A_257 = arith.constant 4 : i32
    %swap3A_258 = arith.index_cast %swap3A_257 : i32 to index
    %swap3A_259 = arith.constant 0 : index
    %swap3A_260 = tpu.vector_load %arg10[%swap3A_258, %swap3A_259] {strides = array<i32>} : memref<16x128xf32, #tpu.memory_space<vmem>>, vector<1x16xf32>,
    %swap3A_261 = vector.shape_cast %swap3A_260 : vector<1x16xf32> to vector<16xf32>
    %swap3A_262 = vector.shape_cast %broadcast_in_dim3A_256 : vector<16xf32> to vector<1x16xf32>
    tpu.vector_store %arg10[%swap3A_258, %swap3A_259], %swap3A_262 {strides = array<i32>} : memref<16x128xf32, #tpu.memory_space<vmem>>, vector<1x16xf32>,
    %broadcast_in_dim3A_263 = arith.constant 0.000000e+00 : f32
    %broadcast_in_dim3A_264 = vector.broadcast %broadcast_in_dim3A_263 : f32 to vector<16xf32>
    %swap3A_265 = arith.constant 4 : i32
    %swap3A_266 = arith.index_cast %swap3A_265 : i32 to index
    %swap3A_267 = arith.constant 16 : index
    %swap3A_268 = tpu.vector_load %arg10[%swap3A_266, %swap3A_267] {strides = array<i32>} : memref<16x128xf32, #tpu.memory_space<vmem>>, vector<1x16xf32>,
    %swap3A_269 = vector.shape_cast %swap3A_268 : vector<1x16xf32> to vector<16xf32>
    %swap3A_270 = vector.shape_cast %broadcast_in_dim3A_264 : vector<16xf32> to vector<1x16xf32>
    tpu.vector_store %arg10[%swap3A_266, %swap3A_267], %swap3A_270 {strides = array<i32>} : memref<16x128xf32, #tpu.memory_space<vmem>>, vector<1x16xf32>,
    %broadcast_in_dim3A_271 = arith.constant 0.000000e+00 : f32
    %broadcast_in_dim3A_272 = vector.broadcast %broadcast_in_dim3A_271 : f32 to vector<16xf32>
    %swap3A_273 = arith.constant 4 : i32
    %swap3A_274 = arith.index_cast %swap3A_273 : i32 to index
    %swap3A_275 = arith.constant 32 : index
    %swap3A_276 = tpu.vector_load %arg10[%swap3A_274, %swap3A_275] {strides = array<i32>} : memref<16x128xf32, #tpu.memory_space<vmem>>, vector<1x16xf32>,
    %swap3A_277 = vector.shape_cast %swap3A_276 : vector<1x16xf32> to vector<16xf32>
    %swap3A_278 = vector.shape_cast %broadcast_in_dim3A_272 : vector<16xf32> to vector<1x16xf32>
    tpu.vector_store %arg10[%swap3A_274, %swap3A_275], %swap3A_278 {strides = array<i32>} : memref<16x128xf32, #tpu.memory_space<vmem>>, vector<1x16xf32>,
    %broadcast_in_dim3A_279 = arith.constant 0.000000e+00 : f32
    %broadcast_in_dim3A_280 = vector.broadcast %broadcast_in_dim3A_279 : f32 to vector<16xf32>
    %swap3A_281 = arith.constant 4 : i32
    %swap3A_282 = arith.index_cast %swap3A_281 : i32 to index
    %swap3A_283 = arith.constant 48 : index
    %swap3A_284 = tpu.vector_load %arg10[%swap3A_282, %swap3A_283] {strides = array<i32>} : memref<16x128xf32, #tpu.memory_space<vmem>>, vector<1x16xf32>,
    %swap3A_285 = vector.shape_cast %swap3A_284 : vector<1x16xf32> to vector<16xf32>
    %swap3A_286 = vector.shape_cast %broadcast_in_dim3A_280 : vector<16xf32> to vector<1x16xf32>
    tpu.vector_store %arg10[%swap3A_282, %swap3A_283], %swap3A_286 {strides = array<i32>} : memref<16x128xf32, #tpu.memory_space<vmem>>, vector<1x16xf32>,
    %broadcast_in_dim3A_287 = arith.constant 0.000000e+00 : f32
    %broadcast_in_dim3A_288 = vector.broadcast %broadcast_in_dim3A_287 : f32 to vector<16xf32>
    %swap3A_289 = arith.constant 4 : i32
    %swap3A_290 = arith.index_cast %swap3A_289 : i32 to index
    %swap3A_291 = arith.constant 64 : index
    %swap3A_292 = tpu.vector_load %arg10[%swap3A_290, %swap3A_291] {strides = array<i32>} : memref<16x128xf32, #tpu.memory_space<vmem>>, vector<1x16xf32>,
    %swap3A_293 = vector.shape_cast %swap3A_292 : vector<1x16xf32> to vector<16xf32>
    %swap3A_294 = vector.shape_cast %broadcast_in_dim3A_288 : vector<16xf32> to vector<1x16xf32>
    tpu.vector_store %arg10[%swap3A_290, %swap3A_291], %swap3A_294 {strides = array<i32>} : memref<16x128xf32, #tpu.memory_space<vmem>>, vector<1x16xf32>,
    %broadcast_in_dim3A_295 = arith.constant 0.000000e+00 : f32
    %broadcast_in_dim3A_296 = vector.broadcast %broadcast_in_dim3A_295 : f32 to vector<16xf32>
    %swap3A_297 = arith.constant 4 : i32
    %swap3A_298 = arith.index_cast %swap3A_297 : i32 to index
    %swap3A_299 = arith.constant 80 : index
    %swap3A_300 = tpu.vector_load %arg10[%swap3A_298, %swap3A_299] {strides = array<i32>} : memref<16x128xf32, #tpu.memory_space<vmem>>, vector<1x16xf32>,
    %swap3A_301 = vector.shape_cast %swap3A_300 : vector<1x16xf32> to vector<16xf32>
    %swap3A_302 = vector.shape_cast %broadcast_in_dim3A_296 : vector<16xf32> to vector<1x16xf32>
    tpu.vector_store %arg10[%swap3A_298, %swap3A_299], %swap3A_302 {strides = array<i32>} : memref<16x128xf32, #tpu.memory_space<vmem>>, vector<1x16xf32>,
    %broadcast_in_dim3A_303 = arith.constant 0.000000e+00 : f32
    %broadcast_in_dim3A_304 = vector.broadcast %broadcast_in_dim3A_303 : f32 to vector<16xf32>
    %swap3A_305 = arith.constant 4 : i32
    %swap3A_306 = arith.index_cast %swap3A_305 : i32 to index
    %swap3A_307 = arith.constant 96 : index
    %swap3A_308 = tpu.vector_load %arg10[%swap3A_306, %swap3A_307] {strides = array<i32>} : memref<16x128xf32, #tpu.memory_space<vmem>>, vector<1x16xf32>,
    %swap3A_309 = vector.shape_cast %swap3A_308 : vector<1x16xf32> to vector<16xf32>
    %swap3A_310 = vector.shape_cast %broadcast_in_dim3A_304 : vector<16xf32> to vector<1x16xf32>
    tpu.vector_store %arg10[%swap3A_306, %swap3A_307], %swap3A_310 {strides = array<i32>} : memref<16x128xf32, #tpu.memory_space<vmem>>, vector<1x16xf32>,
    %broadcast_in_dim3A_311 = arith.constant 0.000000e+00 : f32
    %broadcast_in_dim3A_312 = vector.broadcast %broadcast_in_dim3A_311 : f32 to vector<16xf32>
    %swap3A_313 = arith.constant 4 : i32
    %swap3A_314 = arith.index_cast %swap3A_313 : i32 to index
    %swap3A_315 = arith.constant 112 : index
    %swap3A_316 = tpu.vector_load %arg10[%swap3A_314, %swap3A_315] {strides = array<i32>} : memref<16x128xf32, #tpu.memory_space<vmem>>, vector<1x16xf32>,
    %swap3A_317 = vector.shape_cast %swap3A_316 : vector<1x16xf32> to vector<16xf32>
    %swap3A_318 = vector.shape_cast %broadcast_in_dim3A_312 : vector<16xf32> to vector<1x16xf32>
    tpu.vector_store %arg10[%swap3A_314, %swap3A_315], %swap3A_318 {strides = array<i32>} : memref<16x128xf32, #tpu.memory_space<vmem>>, vector<1x16xf32>,
    %broadcast_in_dim3A_319 = arith.constant 0.000000e+00 : f32
    %broadcast_in_dim3A_320 = vector.broadcast %broadcast_in_dim3A_319 : f32 to vector<16xf32>
    %swap3A_321 = arith.constant 5 : i32
    %swap3A_322 = arith.index_cast %swap3A_321 : i32 to index
    %swap3A_323 = arith.constant 0 : index
    %swap3A_324 = tpu.vector_load %arg10[%swap3A_322, %swap3A_323] {strides = array<i32>} : memref<16x128xf32, #tpu.memory_space<vmem>>, vector<1x16xf32>,
    %swap3A_325 = vector.shape_cast %swap3A_324 : vector<1x16xf32> to vector<16xf32>
    %swap3A_326 = vector.shape_cast %broadcast_in_dim3A_320 : vector<16xf32> to vector<1x16xf32>
    tpu.vector_store %arg10[%swap3A_322, %swap3A_323], %swap3A_326 {strides = array<i32>} : memref<16x128xf32, #tpu.memory_space<vmem>>, vector<1x16xf32>,
    %broadcast_in_dim3A_327 = arith.constant 0.000000e+00 : f32
    %broadcast_in_dim3A_328 = vector.broadcast %broadcast_in_dim3A_327 : f32 to vector<16xf32>
    %swap3A_329 = arith.constant 5 : i32
    %swap3A_330 = arith.index_cast %swap3A_329 : i32 to index
    %swap3A_331 = arith.constant 16 : index
    %swap3A_332 = tpu.vector_load %arg10[%swap3A_330, %swap3A_331] {strides = array<i32>} : memref<16x128xf32, #tpu.memory_space<vmem>>, vector<1x16xf32>,
    %swap3A_333 = vector.shape_cast %swap3A_332 : vector<1x16xf32> to vector<16xf32>
    %swap3A_334 = vector.shape_cast %broadcast_in_dim3A_328 : vector<16xf32> to vector<1x16xf32>
    tpu.vector_store %arg10[%swap3A_330, %swap3A_331], %swap3A_334 {strides = array<i32>} : memref<16x128xf32, #tpu.memory_space<vmem>>, vector<1x16xf32>,
    %broadcast_in_dim3A_335 = arith.constant 0.000000e+00 : f32
    %broadcast_in_dim3A_336 = vector.broadcast %broadcast_in_dim3A_335 : f32 to vector<16xf32>
    %swap3A_337 = arith.constant 5 : i32
    %swap3A_338 = arith.index_cast %swap3A_337 : i32 to index
    %swap3A_339 = arith.constant 32 : index
    %swap3A_340 = tpu.vector_load %arg10[%swap3A_338, %swap3A_339] {strides = array<i32>} : memref<16x128xf32, #tpu.memory_space<vmem>>, vector<1x16xf32>,
    %swap3A_341 = vector.shape_cast %swap3A_340 : vector<1x16xf32> to vector<16xf32>
    %swap3A_342 = vector.shape_cast %broadcast_in_dim3A_336 : vector<16xf32> to vector<1x16xf32>
    tpu.vector_store %arg10[%swap3A_338, %swap3A_339], %swap3A_342 {strides = array<i32>} : memref<16x128xf32, #tpu.memory_space<vmem>>, vector<1x16xf32>,
    %broadcast_in_dim3A_343 = arith.constant 0.000000e+00 : f32
    %broadcast_in_dim3A_344 = vector.broadcast %broadcast_in_dim3A_343 : f32 to vector<16xf32>
    %swap3A_345 = arith.constant 5 : i32
    %swap3A_346 = arith.index_cast %swap3A_345 : i32 to index
    %swap3A_347 = arith.constant 48 : index
    %swap3A_348 = tpu.vector_load %arg10[%swap3A_346, %swap3A_347] {strides = array<i32>} : memref<16x128xf32, #tpu.memory_space<vmem>>, vector<1x16xf32>,
    %swap3A_349 = vector.shape_cast %swap3A_348 : vector<1x16xf32> to vector<16xf32>
    %swap3A_350 = vector.shape_cast %broadcast_in_dim3A_344 : vector<16xf32> to vector<1x16xf32>
    tpu.vector_store %arg10[%swap3A_346, %swap3A_347], %swap3A_350 {strides = array<i32>} : memref<16x128xf32, #tpu.memory_space<vmem>>, vector<1x16xf32>,
    %broadcast_in_dim3A_351 = arith.constant 0.000000e+00 : f32
    %broadcast_in_dim3A_352 = vector.broadcast %broadcast_in_dim3A_351 : f32 to vector<16xf32>
    %swap3A_353 = arith.constant 5 : i32
    %swap3A_354 = arith.index_cast %swap3A_353 : i32 to index
    %swap3A_355 = arith.constant 64 : index
    %swap3A_356 = tpu.vector_load %arg10[%swap3A_354, %swap3A_355] {strides = array<i32>} : memref<16x128xf32, #tpu.memory_space<vmem>>, vector<1x16xf32>,
    %swap3A_357 = vector.shape_cast %swap3A_356 : vector<1x16xf32> to vector<16xf32>
    %swap3A_358 = vector.shape_cast %broadcast_in_dim3A_352 : vector<16xf32> to vector<1x16xf32>
    tpu.vector_store %arg10[%swap3A_354, %swap3A_355], %swap3A_358 {strides = array<i32>} : memref<16x128xf32, #tpu.memory_space<vmem>>, vector<1x16xf32>,
    %broadcast_in_dim3A_359 = arith.constant 0.000000e+00 : f32
    %broadcast_in_dim3A_360 = vector.broadcast %broadcast_in_dim3A_359 : f32 to vector<16xf32>
    %swap3A_361 = arith.constant 5 : i32
    %swap3A_362 = arith.index_cast %swap3A_361 : i32 to index
    %swap3A_363 = arith.constant 80 : index
    %swap3A_364 = tpu.vector_load %arg10[%swap3A_362, %swap3A_363] {strides = array<i32>} : memref<16x128xf32, #tpu.memory_space<vmem>>, vector<1x16xf32>,
    %swap3A_365 = vector.shape_cast %swap3A_364 : vector<1x16xf32> to vector<16xf32>
    %swap3A_366 = vector.shape_cast %broadcast_in_dim3A_360 : vector<16xf32> to vector<1x16xf32>
    tpu.vector_store %arg10[%swap3A_362, %swap3A_363], %swap3A_366 {strides = array<i32>} : memref<16x128xf32, #tpu.memory_space<vmem>>, vector<1x16xf32>,
    %broadcast_in_dim3A_367 = arith.constant 0.000000e+00 : f32
    %broadcast_in_dim3A_368 = vector.broadcast %broadcast_in_dim3A_367 : f32 to vector<16xf32>
    %swap3A_369 = arith.constant 5 : i32
    %swap3A_370 = arith.index_cast %swap3A_369 : i32 to index
    %swap3A_371 = arith.constant 96 : index
    %swap3A_372 = tpu.vector_load %arg10[%swap3A_370, %swap3A_371] {strides = array<i32>} : memref<16x128xf32, #tpu.memory_space<vmem>>, vector<1x16xf32>,
    %swap3A_373 = vector.shape_cast %swap3A_372 : vector<1x16xf32> to vector<16xf32>
    %swap3A_374 = vector.shape_cast %broadcast_in_dim3A_368 : vector<16xf32> to vector<1x16xf32>
    tpu.vector_store %arg10[%swap3A_370, %swap3A_371], %swap3A_374 {strides = array<i32>} : memref<16x128xf32, #tpu.memory_space<vmem>>, vector<1x16xf32>,
    %broadcast_in_dim3A_375 = arith.constant 0.000000e+00 : f32
    %broadcast_in_dim3A_376 = vector.broadcast %broadcast_in_dim3A_375 : f32 to vector<16xf32>
    %swap3A_377 = arith.constant 5 : i32
    %swap3A_378 = arith.index_cast %swap3A_377 : i32 to index
    %swap3A_379 = arith.constant 112 : index
    %swap3A_380 = tpu.vector_load %arg10[%swap3A_378, %swap3A_379] {strides = array<i32>} : memref<16x128xf32, #tpu.memory_space<vmem>>, vector<1x16xf32>,
    %swap3A_381 = vector.shape_cast %swap3A_380 : vector<1x16xf32> to vector<16xf32>
    %swap3A_382 = vector.shape_cast %broadcast_in_dim3A_376 : vector<16xf32> to vector<1x16xf32>
    tpu.vector_store %arg10[%swap3A_378, %swap3A_379], %swap3A_382 {strides = array<i32>} : memref<16x128xf32, #tpu.memory_space<vmem>>, vector<1x16xf32>,
    %broadcast_in_dim3A_383 = arith.constant 0.000000e+00 : f32
    %broadcast_in_dim3A_384 = vector.broadcast %broadcast_in_dim3A_383 : f32 to vector<16xf32>
    %swap3A_385 = arith.constant 6 : i32
    %swap3A_386 = arith.index_cast %swap3A_385 : i32 to index
    %swap3A_387 = arith.constant 0 : index
    %swap3A_388 = tpu.vector_load %arg10[%swap3A_386, %swap3A_387] {strides = array<i32>} : memref<16x128xf32, #tpu.memory_space<vmem>>, vector<1x16xf32>,
    %swap3A_389 = vector.shape_cast %swap3A_388 : vector<1x16xf32> to vector<16xf32>
    %swap3A_390 = vector.shape_cast %broadcast_in_dim3A_384 : vector<16xf32> to vector<1x16xf32>
    tpu.vector_store %arg10[%swap3A_386, %swap3A_387], %swap3A_390 {strides = array<i32>} : memref<16x128xf32, #tpu.memory_space<vmem>>, vector<1x16xf32>,
    %broadcast_in_dim3A_391 = arith.constant 0.000000e+00 : f32
    %broadcast_in_dim3A_392 = vector.broadcast %broadcast_in_dim3A_391 : f32 to vector<16xf32>
    %swap3A_393 = arith.constant 6 : i32
    %swap3A_394 = arith.index_cast %swap3A_393 : i32 to index
    %swap3A_395 = arith.constant 16 : index
    %swap3A_396 = tpu.vector_load %arg10[%swap3A_394, %swap3A_395] {strides = array<i32>} : memref<16x128xf32, #tpu.memory_space<vmem>>, vector<1x16xf32>,
    %swap3A_397 = vector.shape_cast %swap3A_396 : vector<1x16xf32> to vector<16xf32>
    %swap3A_398 = vector.shape_cast %broadcast_in_dim3A_392 : vector<16xf32> to vector<1x16xf32>
    tpu.vector_store %arg10[%swap3A_394, %swap3A_395], %swap3A_398 {strides = array<i32>} : memref<16x128xf32, #tpu.memory_space<vmem>>, vector<1x16xf32>,
    %broadcast_in_dim3A_399 = arith.constant 0.000000e+00 : f32
    %broadcast_in_dim3A_400 = vector.broadcast %broadcast_in_dim3A_399 : f32 to vector<16xf32>
    %swap3A_401 = arith.constant 6 : i32
    %swap3A_402 = arith.index_cast %swap3A_401 : i32 to index
    %swap3A_403 = arith.constant 32 : index
    %swap3A_404 = tpu.vector_load %arg10[%swap3A_402, %swap3A_403] {strides = array<i32>} : memref<16x128xf32, #tpu.memory_space<vmem>>, vector<1x16xf32>,
    %swap3A_405 = vector.shape_cast %swap3A_404 : vector<1x16xf32> to vector<16xf32>
    %swap3A_406 = vector.shape_cast %broadcast_in_dim3A_400 : vector<16xf32> to vector<1x16xf32>
    tpu.vector_store %arg10[%swap3A_402, %swap3A_403], %swap3A_406 {strides = array<i32>} : memref<16x128xf32, #tpu.memory_space<vmem>>, vector<1x16xf32>,
    %broadcast_in_dim3A_407 = arith.constant 0.000000e+00 : f32
    %broadcast_in_dim3A_408 = vector.broadcast %broadcast_in_dim3A_407 : f32 to vector<16xf32>
    %swap3A_409 = arith.constant 6 : i32
    %swap3A_410 = arith.index_cast %swap3A_409 : i32 to index
    %swap3A_411 = arith.constant 48 : index
    %swap3A_412 = tpu.vector_load %arg10[%swap3A_410, %swap3A_411] {strides = array<i32>} : memref<16x128xf32, #tpu.memory_space<vmem>>, vector<1x16xf32>,
    %swap3A_413 = vector.shape_cast %swap3A_412 : vector<1x16xf32> to vector<16xf32>
    %swap3A_414 = vector.shape_cast %broadcast_in_dim3A_408 : vector<16xf32> to vector<1x16xf32>
    tpu.vector_store %arg10[%swap3A_410, %swap3A_411], %swap3A_414 {strides = array<i32>} : memref<16x128xf32, #tpu.memory_space<vmem>>, vector<1x16xf32>,
    %broadcast_in_dim3A_415 = arith.constant 0.000000e+00 : f32
    %broadcast_in_dim3A_416 = vector.broadcast %broadcast_in_dim3A_415 : f32 to vector<16xf32>
    %swap3A_417 = arith.constant 6 : i32
    %swap3A_418 = arith.index_cast %swap3A_417 : i32 to index
    %swap3A_419 = arith.constant 64 : index
    %swap3A_420 = tpu.vector_load %arg10[%swap3A_418, %swap3A_419] {strides = array<i32>} : memref<16x128xf32, #tpu.memory_space<vmem>>, vector<1x16xf32>,
    %swap3A_421 = vector.shape_cast %swap3A_420 : vector<1x16xf32> to vector<16xf32>
    %swap3A_422 = vector.shape_cast %broadcast_in_dim3A_416 : vector<16xf32> to vector<1x16xf32>
    tpu.vector_store %arg10[%swap3A_418, %swap3A_419], %swap3A_422 {strides = array<i32>} : memref<16x128xf32, #tpu.memory_space<vmem>>, vector<1x16xf32>,
    %broadcast_in_dim3A_423 = arith.constant 0.000000e+00 : f32
    %broadcast_in_dim3A_424 = vector.broadcast %broadcast_in_dim3A_423 : f32 to vector<16xf32>
    %swap3A_425 = arith.constant 6 : i32
    %swap3A_426 = arith.index_cast %swap3A_425 : i32 to index
    %swap3A_427 = arith.constant 80 : index
    %swap3A_428 = tpu.vector_load %arg10[%swap3A_426, %swap3A_427] {strides = array<i32>} : memref<16x128xf32, #tpu.memory_space<vmem>>, vector<1x16xf32>,
    %swap3A_429 = vector.shape_cast %swap3A_428 : vector<1x16xf32> to vector<16xf32>
    %swap3A_430 = vector.shape_cast %broadcast_in_dim3A_424 : vector<16xf32> to vector<1x16xf32>
    tpu.vector_store %arg10[%swap3A_426, %swap3A_427], %swap3A_430 {strides = array<i32>} : memref<16x128xf32, #tpu.memory_space<vmem>>, vector<1x16xf32>,
    %broadcast_in_dim3A_431 = arith.constant 0.000000e+00 : f32
    %broadcast_in_dim3A_432 = vector.broadcast %broadcast_in_dim3A_431 : f32 to vector<16xf32>
    %swap3A_433 = arith.constant 6 : i32
    %swap3A_434 = arith.index_cast %swap3A_433 : i32 to index
    %swap3A_435 = arith.constant 96 : index
    %swap3A_436 = tpu.vector_load %arg10[%swap3A_434, %swap3A_435] {strides = array<i32>} : memref<16x128xf32, #tpu.memory_space<vmem>>, vector<1x16xf32>,
    %swap3A_437 = vector.shape_cast %swap3A_436 : vector<1x16xf32> to vector<16xf32>
    %swap3A_438 = vector.shape_cast %broadcast_in_dim3A_432 : vector<16xf32> to vector<1x16xf32>
    tpu.vector_store %arg10[%swap3A_434, %swap3A_435], %swap3A_438 {strides = array<i32>} : memref<16x128xf32, #tpu.memory_space<vmem>>, vector<1x16xf32>,
    %broadcast_in_dim3A_439 = arith.constant 0.000000e+00 : f32
    %broadcast_in_dim3A_440 = vector.broadcast %broadcast_in_dim3A_439 : f32 to vector<16xf32>
    %swap3A_441 = arith.constant 6 : i32
    %swap3A_442 = arith.index_cast %swap3A_441 : i32 to index
    %swap3A_443 = arith.constant 112 : index
    %swap3A_444 = tpu.vector_load %arg10[%swap3A_442, %swap3A_443] {strides = array<i32>} : memref<16x128xf32, #tpu.memory_space<vmem>>, vector<1x16xf32>,
    %swap3A_445 = vector.shape_cast %swap3A_444 : vector<1x16xf32> to vector<16xf32>
    %swap3A_446 = vector.shape_cast %broadcast_in_dim3A_440 : vector<16xf32> to vector<1x16xf32>
    tpu.vector_store %arg10[%swap3A_442, %swap3A_443], %swap3A_446 {strides = array<i32>} : memref<16x128xf32, #tpu.memory_space<vmem>>, vector<1x16xf32>,
    %broadcast_in_dim3A_447 = arith.constant 0.000000e+00 : f32
    %broadcast_in_dim3A_448 = vector.broadcast %broadcast_in_dim3A_447 : f32 to vector<16xf32>
    %swap3A_449 = arith.constant 7 : i32
    %swap3A_450 = arith.index_cast %swap3A_449 : i32 to index
    %swap3A_451 = arith.constant 0 : index
    %swap3A_452 = tpu.vector_load %arg10[%swap3A_450, %swap3A_451] {strides = array<i32>} : memref<16x128xf32, #tpu.memory_space<vmem>>, vector<1x16xf32>,
    %swap3A_453 = vector.shape_cast %swap3A_452 : vector<1x16xf32> to vector<16xf32>
    %swap3A_454 = vector.shape_cast %broadcast_in_dim3A_448 : vector<16xf32> to vector<1x16xf32>
    tpu.vector_store %arg10[%swap3A_450, %swap3A_451], %swap3A_454 {strides = array<i32>} : memref<16x128xf32, #tpu.memory_space<vmem>>, vector<1x16xf32>,
    %broadcast_in_dim3A_455 = arith.constant 0.000000e+00 : f32
    %broadcast_in_dim3A_456 = vector.broadcast %broadcast_in_dim3A_455 : f32 to vector<16xf32>
    %swap3A_457 = arith.constant 7 : i32
    %swap3A_458 = arith.index_cast %swap3A_457 : i32 to index
    %swap3A_459 = arith.constant 16 : index
    %swap3A_460 = tpu.vector_load %arg10[%swap3A_458, %swap3A_459] {strides = array<i32>} : memref<16x128xf32, #tpu.memory_space<vmem>>, vector<1x16xf32>,
    %swap3A_461 = vector.shape_cast %swap3A_460 : vector<1x16xf32> to vector<16xf32>
    %swap3A_462 = vector.shape_cast %broadcast_in_dim3A_456 : vector<16xf32> to vector<1x16xf32>
    tpu.vector_store %arg10[%swap3A_458, %swap3A_459], %swap3A_462 {strides = array<i32>} : memref<16x128xf32, #tpu.memory_space<vmem>>, vector<1x16xf32>,
    %broadcast_in_dim3A_463 = arith.constant 0.000000e+00 : f32
    %broadcast_in_dim3A_464 = vector.broadcast %broadcast_in_dim3A_463 : f32 to vector<16xf32>
    %swap3A_465 = arith.constant 7 : i32
    %swap3A_466 = arith.index_cast %swap3A_465 : i32 to index
    %swap3A_467 = arith.constant 32 : index
    %swap3A_468 = tpu.vector_load %arg10[%swap3A_466, %swap3A_467] {strides = array<i32>} : memref<16x128xf32, #tpu.memory_space<vmem>>, vector<1x16xf32>,
    %swap3A_469 = vector.shape_cast %swap3A_468 : vector<1x16xf32> to vector<16xf32>
    %swap3A_470 = vector.shape_cast %broadcast_in_dim3A_464 : vector<16xf32> to vector<1x16xf32>
    tpu.vector_store %arg10[%swap3A_466, %swap3A_467], %swap3A_470 {strides = array<i32>} : memref<16x128xf32, #tpu.memory_space<vmem>>, vector<1x16xf32>,
    %broadcast_in_dim3A_471 = arith.constant 0.000000e+00 : f32
    %broadcast_in_dim3A_472 = vector.broadcast %broadcast_in_dim3A_471 : f32 to vector<16xf32>
    %swap3A_473 = arith.constant 7 : i32
    %swap3A_474 = arith.index_cast %swap3A_473 : i32 to index
    %swap3A_475 = arith.constant 48 : index
    %swap3A_476 = tpu.vector_load %arg10[%swap3A_474, %swap3A_475] {strides = array<i32>} : memref<16x128xf32, #tpu.memory_space<vmem>>, vector<1x16xf32>,
    %swap3A_477 = vector.shape_cast %swap3A_476 : vector<1x16xf32> to vector<16xf32>
    %swap3A_478 = vector.shape_cast %broadcast_in_dim3A_472 : vector<16xf32> to vector<1x16xf32>
    tpu.vector_store %arg10[%swap3A_474, %swap3A_475], %swap3A_478 {strides = array<i32>} : memref<16x128xf32, #tpu.memory_space<vmem>>, vector<1x16xf32>,
    %broadcast_in_dim3A_479 = arith.constant 0.000000e+00 : f32
    %broadcast_in_dim3A_480 = vector.broadcast %broadcast_in_dim3A_479 : f32 to vector<16xf32>
    %swap3A_481 = arith.constant 7 : i32
    %swap3A_482 = arith.index_cast %swap3A_481 : i32 to index
    %swap3A_483 = arith.constant 64 : index
    %swap3A_484 = tpu.vector_load %arg10[%swap3A_482, %swap3A_483] {strides = array<i32>} : memref<16x128xf32, #tpu.memory_space<vmem>>, vector<1x16xf32>,
    %swap3A_485 = vector.shape_cast %swap3A_484 : vector<1x16xf32> to vector<16xf32>
    %swap3A_486 = vector.shape_cast %broadcast_in_dim3A_480 : vector<16xf32> to vector<1x16xf32>
    tpu.vector_store %arg10[%swap3A_482, %swap3A_483], %swap3A_486 {strides = array<i32>} : memref<16x128xf32, #tpu.memory_space<vmem>>, vector<1x16xf32>,
    %broadcast_in_dim3A_487 = arith.constant 0.000000e+00 : f32
    %broadcast_in_dim3A_488 = vector.broadcast %broadcast_in_dim3A_487 : f32 to vector<16xf32>
    %swap3A_489 = arith.constant 7 : i32
    %swap3A_490 = arith.index_cast %swap3A_489 : i32 to index
    %swap3A_491 = arith.constant 80 : index
    %swap3A_492 = tpu.vector_load %arg10[%swap3A_490, %swap3A_491] {strides = array<i32>} : memref<16x128xf32, #tpu.memory_space<vmem>>, vector<1x16xf32>,
    %swap3A_493 = vector.shape_cast %swap3A_492 : vector<1x16xf32> to vector<16xf32>
    %swap3A_494 = vector.shape_cast %broadcast_in_dim3A_488 : vector<16xf32> to vector<1x16xf32>
    tpu.vector_store %arg10[%swap3A_490, %swap3A_491], %swap3A_494 {strides = array<i32>} : memref<16x128xf32, #tpu.memory_space<vmem>>, vector<1x16xf32>,
    %broadcast_in_dim3A_495 = arith.constant 0.000000e+00 : f32
    %broadcast_in_dim3A_496 = vector.broadcast %broadcast_in_dim3A_495 : f32 to vector<16xf32>
    %swap3A_497 = arith.constant 7 : i32
    %swap3A_498 = arith.index_cast %swap3A_497 : i32 to index
    %swap3A_499 = arith.constant 96 : index
    %swap3A_500 = tpu.vector_load %arg10[%swap3A_498, %swap3A_499] {strides = array<i32>} : memref<16x128xf32, #tpu.memory_space<vmem>>, vector<1x16xf32>,
    %swap3A_501 = vector.shape_cast %swap3A_500 : vector<1x16xf32> to vector<16xf32>
    %swap3A_502 = vector.shape_cast %broadcast_in_dim3A_496 : vector<16xf32> to vector<1x16xf32>
    tpu.vector_store %arg10[%swap3A_498, %swap3A_499], %swap3A_502 {strides = array<i32>} : memref<16x128xf32, #tpu.memory_space<vmem>>, vector<1x16xf32>,
    %broadcast_in_dim3A_503 = arith.constant 0.000000e+00 : f32
    %broadcast_in_dim3A_504 = vector.broadcast %broadcast_in_dim3A_503 : f32 to vector<16xf32>
    %swap3A_505 = arith.constant 7 : i32
    %swap3A_506 = arith.index_cast %swap3A_505 : i32 to index
    %swap3A_507 = arith.constant 112 : index
    %swap3A_508 = tpu.vector_load %arg10[%swap3A_506, %swap3A_507] {strides = array<i32>} : memref<16x128xf32, #tpu.memory_space<vmem>>, vector<1x16xf32>,
    %swap3A_509 = vector.shape_cast %swap3A_508 : vector<1x16xf32> to vector<16xf32>
    %swap3A_510 = vector.shape_cast %broadcast_in_dim3A_504 : vector<16xf32> to vector<1x16xf32>
    tpu.vector_store %arg10[%swap3A_506, %swap3A_507], %swap3A_510 {strides = array<i32>} : memref<16x128xf32, #tpu.memory_space<vmem>>, vector<1x16xf32>,
    %broadcast_in_dim3A_511 = arith.constant 0.000000e+00 : f32
    %broadcast_in_dim3A_512 = vector.broadcast %broadcast_in_dim3A_511 : f32 to vector<16xf32>
    %swap3A_513 = arith.constant 8 : i32
    %swap3A_514 = arith.index_cast %swap3A_513 : i32 to index
    %swap3A_515 = arith.constant 0 : index
    %swap3A_516 = tpu.vector_load %arg10[%swap3A_514, %swap3A_515] {strides = array<i32>} : memref<16x128xf32, #tpu.memory_space<vmem>>, vector<1x16xf32>,
    %swap3A_517 = vector.shape_cast %swap3A_516 : vector<1x16xf32> to vector<16xf32>
    %swap3A_518 = vector.shape_cast %broadcast_in_dim3A_512 : vector<16xf32> to vector<1x16xf32>
    tpu.vector_store %arg10[%swap3A_514, %swap3A_515], %swap3A_518 {strides = array<i32>} : memref<16x128xf32, #tpu.memory_space<vmem>>, vector<1x16xf32>,
    %broadcast_in_dim3A_519 = arith.constant 0.000000e+00 : f32
    %broadcast_in_dim3A_520 = vector.broadcast %broadcast_in_dim3A_519 : f32 to vector<16xf32>
    %swap3A_521 = arith.constant 8 : i32
    %swap3A_522 = arith.index_cast %swap3A_521 : i32 to index
    %swap3A_523 = arith.constant 16 : index
    %swap3A_524 = tpu.vector_load %arg10[%swap3A_522, %swap3A_523] {strides = array<i32>} : memref<16x128xf32, #tpu.memory_space<vmem>>, vector<1x16xf32>,
    %swap3A_525 = vector.shape_cast %swap3A_524 : vector<1x16xf32> to vector<16xf32>
    %swap3A_526 = vector.shape_cast %broadcast_in_dim3A_520 : vector<16xf32> to vector<1x16xf32>
    tpu.vector_store %arg10[%swap3A_522, %swap3A_523], %swap3A_526 {strides = array<i32>} : memref<16x128xf32, #tpu.memory_space<vmem>>, vector<1x16xf32>,
    %broadcast_in_dim3A_527 = arith.constant 0.000000e+00 : f32
    %broadcast_in_dim3A_528 = vector.broadcast %broadcast_in_dim3A_527 : f32 to vector<16xf32>
    %swap3A_529 = arith.constant 8 : i32
    %swap3A_530 = arith.index_cast %swap3A_529 : i32 to index
    %swap3A_531 = arith.constant 32 : index
    %swap3A_532 = tpu.vector_load %arg10[%swap3A_530, %swap3A_531] {strides = array<i32>} : memref<16x128xf32, #tpu.memory_space<vmem>>, vector<1x16xf32>,
    %swap3A_533 = vector.shape_cast %swap3A_532 : vector<1x16xf32> to vector<16xf32>
    %swap3A_534 = vector.shape_cast %broadcast_in_dim3A_528 : vector<16xf32> to vector<1x16xf32>
    tpu.vector_store %arg10[%swap3A_530, %swap3A_531], %swap3A_534 {strides = array<i32>} : memref<16x128xf32, #tpu.memory_space<vmem>>, vector<1x16xf32>,
    %broadcast_in_dim3A_535 = arith.constant 0.000000e+00 : f32
    %broadcast_in_dim3A_536 = vector.broadcast %broadcast_in_dim3A_535 : f32 to vector<16xf32>
    %swap3A_537 = arith.constant 8 : i32
    %swap3A_538 = arith.index_cast %swap3A_537 : i32 to index
    %swap3A_539 = arith.constant 48 : index
    %swap3A_540 = tpu.vector_load %arg10[%swap3A_538, %swap3A_539] {strides = array<i32>} : memref<16x128xf32, #tpu.memory_space<vmem>>, vector<1x16xf32>,
    %swap3A_541 = vector.shape_cast %swap3A_540 : vector<1x16xf32> to vector<16xf32>
    %swap3A_542 = vector.shape_cast %broadcast_in_dim3A_536 : vector<16xf32> to vector<1x16xf32>
    tpu.vector_store %arg10[%swap3A_538, %swap3A_539], %swap3A_542 {strides = array<i32>} : memref<16x128xf32, #tpu.memory_space<vmem>>, vector<1x16xf32>,
    %broadcast_in_dim3A_543 = arith.constant 0.000000e+00 : f32
    %broadcast_in_dim3A_544 = vector.broadcast %broadcast_in_dim3A_543 : f32 to vector<16xf32>
    %swap3A_545 = arith.constant 8 : i32
    %swap3A_546 = arith.index_cast %swap3A_545 : i32 to index
    %swap3A_547 = arith.constant 64 : index
    %swap3A_548 = tpu.vector_load %arg10[%swap3A_546, %swap3A_547] {strides = array<i32>} : memref<16x128xf32, #tpu.memory_space<vmem>>, vector<1x16xf32>,
    %swap3A_549 = vector.shape_cast %swap3A_548 : vector<1x16xf32> to vector<16xf32>
    %swap3A_550 = vector.shape_cast %broadcast_in_dim3A_544 : vector<16xf32> to vector<1x16xf32>
    tpu.vector_store %arg10[%swap3A_546, %swap3A_547], %swap3A_550 {strides = array<i32>} : memref<16x128xf32, #tpu.memory_space<vmem>>, vector<1x16xf32>,
    %broadcast_in_dim3A_551 = arith.constant 0.000000e+00 : f32
    %broadcast_in_dim3A_552 = vector.broadcast %broadcast_in_dim3A_551 : f32 to vector<16xf32>
    %swap3A_553 = arith.constant 8 : i32
    %swap3A_554 = arith.index_cast %swap3A_553 : i32 to index
    %swap3A_555 = arith.constant 80 : index
    %swap3A_556 = tpu.vector_load %arg10[%swap3A_554, %swap3A_555] {strides = array<i32>} : memref<16x128xf32, #tpu.memory_space<vmem>>, vector<1x16xf32>,
    %swap3A_557 = vector.shape_cast %swap3A_556 : vector<1x16xf32> to vector<16xf32>
    %swap3A_558 = vector.shape_cast %broadcast_in_dim3A_552 : vector<16xf32> to vector<1x16xf32>
    tpu.vector_store %arg10[%swap3A_554, %swap3A_555], %swap3A_558 {strides = array<i32>} : memref<16x128xf32, #tpu.memory_space<vmem>>, vector<1x16xf32>,
    %broadcast_in_dim3A_559 = arith.constant 0.000000e+00 : f32
    %broadcast_in_dim3A_560 = vector.broadcast %broadcast_in_dim3A_559 : f32 to vector<16xf32>
    %swap3A_561 = arith.constant 8 : i32
    %swap3A_562 = arith.index_cast %swap3A_561 : i32 to index
    %swap3A_563 = arith.constant 96 : index
    %swap3A_564 = tpu.vector_load %arg10[%swap3A_562, %swap3A_563] {strides = array<i32>} : memref<16x128xf32, #tpu.memory_space<vmem>>, vector<1x16xf32>,
    %swap3A_565 = vector.shape_cast %swap3A_564 : vector<1x16xf32> to vector<16xf32>
    %swap3A_566 = vector.shape_cast %broadcast_in_dim3A_560 : vector<16xf32> to vector<1x16xf32>
    tpu.vector_store %arg10[%swap3A_562, %swap3A_563], %swap3A_566 {strides = array<i32>} : memref<16x128xf32, #tpu.memory_space<vmem>>, vector<1x16xf32>,
    %broadcast_in_dim3A_567 = arith.constant 0.000000e+00 : f32
    %broadcast_in_dim3A_568 = vector.broadcast %broadcast_in_dim3A_567 : f32 to vector<16xf32>
    %swap3A_569 = arith.constant 8 : i32
    %swap3A_570 = arith.index_cast %swap3A_569 : i32 to index
    %swap3A_571 = arith.constant 112 : index
    %swap3A_572 = tpu.vector_load %arg10[%swap3A_570, %swap3A_571] {strides = array<i32>} : memref<16x128xf32, #tpu.memory_space<vmem>>, vector<1x16xf32>,
    %swap3A_573 = vector.shape_cast %swap3A_572 : vector<1x16xf32> to vector<16xf32>
    %swap3A_574 = vector.shape_cast %broadcast_in_dim3A_568 : vector<16xf32> to vector<1x16xf32>
    tpu.vector_store %arg10[%swap3A_570, %swap3A_571], %swap3A_574 {strides = array<i32>} : memref<16x128xf32, #tpu.memory_space<vmem>>, vector<1x16xf32>,
    %broadcast_in_dim3A_575 = arith.constant 0.000000e+00 : f32
    %broadcast_in_dim3A_576 = vector.broadcast %broadcast_in_dim3A_575 : f32 to vector<16xf32>
    %swap3A_577 = arith.constant 9 : i32
    %swap3A_578 = arith.index_cast %swap3A_577 : i32 to index
    %swap3A_579 = arith.constant 0 : index
    %swap3A_580 = tpu.vector_load %arg10[%swap3A_578, %swap3A_579] {strides = array<i32>} : memref<16x128xf32, #tpu.memory_space<vmem>>, vector<1x16xf32>,
    %swap3A_581 = vector.shape_cast %swap3A_580 : vector<1x16xf32> to vector<16xf32>
    %swap3A_582 = vector.shape_cast %broadcast_in_dim3A_576 : vector<16xf32> to vector<1x16xf32>
    tpu.vector_store %arg10[%swap3A_578, %swap3A_579], %swap3A_582 {strides = array<i32>} : memref<16x128xf32, #tpu.memory_space<vmem>>, vector<1x16xf32>,
    %broadcast_in_dim3A_583 = arith.constant 0.000000e+00 : f32
    %broadcast_in_dim3A_584 = vector.broadcast %broadcast_in_dim3A_583 : f32 to vector<16xf32>
    %swap3A_585 = arith.constant 9 : i32
    %swap3A_586 = arith.index_cast %swap3A_585 : i32 to index
    %swap3A_587 = arith.constant 16 : index
    %swap3A_588 = tpu.vector_load %arg10[%swap3A_586, %swap3A_587] {strides = array<i32>} : memref<16x128xf32, #tpu.memory_space<vmem>>, vector<1x16xf32>,
    %swap3A_589 = vector.shape_cast %swap3A_588 : vector<1x16xf32> to vector<16xf32>
    %swap3A_590 = vector.shape_cast %broadcast_in_dim3A_584 : vector<16xf32> to vector<1x16xf32>
    tpu.vector_store %arg10[%swap3A_586, %swap3A_587], %swap3A_590 {strides = array<i32>} : memref<16x128xf32, #tpu.memory_space<vmem>>, vector<1x16xf32>,
    %broadcast_in_dim3A_591 = arith.constant 0.000000e+00 : f32
    %broadcast_in_dim3A_592 = vector.broadcast %broadcast_in_dim3A_591 : f32 to vector<16xf32>
    %swap3A_593 = arith.constant 9 : i32
    %swap3A_594 = arith.index_cast %swap3A_593 : i32 to index
    %swap3A_595 = arith.constant 32 : index
    %swap3A_596 = tpu.vector_load %arg10[%swap3A_594, %swap3A_595] {strides = array<i32>} : memref<16x128xf32, #tpu.memory_space<vmem>>, vector<1x16xf32>,
    %swap3A_597 = vector.shape_cast %swap3A_596 : vector<1x16xf32> to vector<16xf32>
    %swap3A_598 = vector.shape_cast %broadcast_in_dim3A_592 : vector<16xf32> to vector<1x16xf32>
    tpu.vector_store %arg10[%swap3A_594, %swap3A_595], %swap3A_598 {strides = array<i32>} : memref<16x128xf32, #tpu.memory_space<vmem>>, vector<1x16xf32>,
    %broadcast_in_dim3A_599 = arith.constant 0.000000e+00 : f32
    %broadcast_in_dim3A_600 = vector.broadcast %broadcast_in_dim3A_599 : f32 to vector<16xf32>
    %swap3A_601 = arith.constant 9 : i32
    %swap3A_602 = arith.index_cast %swap3A_601 : i32 to index
    %swap3A_603 = arith.constant 48 : index
    %swap3A_604 = tpu.vector_load %arg10[%swap3A_602, %swap3A_603] {strides = array<i32>} : memref<16x128xf32, #tpu.memory_space<vmem>>, vector<1x16xf32>,
    %swap3A_605 = vector.shape_cast %swap3A_604 : vector<1x16xf32> to vector<16xf32>
    %swap3A_606 = vector.shape_cast %broadcast_in_dim3A_600 : vector<16xf32> to vector<1x16xf32>
    tpu.vector_store %arg10[%swap3A_602, %swap3A_603], %swap3A_606 {strides = array<i32>} : memref<16x128xf32, #tpu.memory_space<vmem>>, vector<1x16xf32>,
    %broadcast_in_dim3A_607 = arith.constant 0.000000e+00 : f32
    %broadcast_in_dim3A_608 = vector.broadcast %broadcast_in_dim3A_607 : f32 to vector<16xf32>
    %swap3A_609 = arith.constant 9 : i32
    %swap3A_610 = arith.index_cast %swap3A_609 : i32 to index
    %swap3A_611 = arith.constant 64 : index
    %swap3A_612 = tpu.vector_load %arg10[%swap3A_610, %swap3A_611] {strides = array<i32>} : memref<16x128xf32, #tpu.memory_space<vmem>>, vector<1x16xf32>,
    %swap3A_613 = vector.shape_cast %swap3A_612 : vector<1x16xf32> to vector<16xf32>
    %swap3A_614 = vector.shape_cast %broadcast_in_dim3A_608 : vector<16xf32> to vector<1x16xf32>
    tpu.vector_store %arg10[%swap3A_610, %swap3A_611], %swap3A_614 {strides = array<i32>} : memref<16x128xf32, #tpu.memory_space<vmem>>, vector<1x16xf32>,
    %broadcast_in_dim3A_615 = arith.constant 0.000000e+00 : f32
    %broadcast_in_dim3A_616 = vector.broadcast %broadcast_in_dim3A_615 : f32 to vector<16xf32>
    %swap3A_617 = arith.constant 9 : i32
    %swap3A_618 = arith.index_cast %swap3A_617 : i32 to index
    %swap3A_619 = arith.constant 80 : index
    %swap3A_620 = tpu.vector_load %arg10[%swap3A_618, %swap3A_619] {strides = array<i32>} : memref<16x128xf32, #tpu.memory_space<vmem>>, vector<1x16xf32>,
    %swap3A_621 = vector.shape_cast %swap3A_620 : vector<1x16xf32> to vector<16xf32>
    %swap3A_622 = vector.shape_cast %broadcast_in_dim3A_616 : vector<16xf32> to vector<1x16xf32>
    tpu.vector_store %arg10[%swap3A_618, %swap3A_619], %swap3A_622 {strides = array<i32>} : memref<16x128xf32, #tpu.memory_space<vmem>>, vector<1x16xf32>,
    %broadcast_in_dim3A_623 = arith.constant 0.000000e+00 : f32
    %broadcast_in_dim3A_624 = vector.broadcast %broadcast_in_dim3A_623 : f32 to vector<16xf32>
    %swap3A_625 = arith.constant 9 : i32
    %swap3A_626 = arith.index_cast %swap3A_625 : i32 to index
    %swap3A_627 = arith.constant 96 : index
    %swap3A_628 = tpu.vector_load %arg10[%swap3A_626, %swap3A_627] {strides = array<i32>} : memref<16x128xf32, #tpu.memory_space<vmem>>, vector<1x16xf32>,
    %swap3A_629 = vector.shape_cast %swap3A_628 : vector<1x16xf32> to vector<16xf32>
    %swap3A_630 = vector.shape_cast %broadcast_in_dim3A_624 : vector<16xf32> to vector<1x16xf32>
    tpu.vector_store %arg10[%swap3A_626, %swap3A_627], %swap3A_630 {strides = array<i32>} : memref<16x128xf32, #tpu.memory_space<vmem>>, vector<1x16xf32>,
    %broadcast_in_dim3A_631 = arith.constant 0.000000e+00 : f32
    %broadcast_in_dim3A_632 = vector.broadcast %broadcast_in_dim3A_631 : f32 to vector<16xf32>
    %swap3A_633 = arith.constant 9 : i32
    %swap3A_634 = arith.index_cast %swap3A_633 : i32 to index
    %swap3A_635 = arith.constant 112 : index
    %swap3A_636 = tpu.vector_load %arg10[%swap3A_634, %swap3A_635] {strides = array<i32>} : memref<16x128xf32, #tpu.memory_space<vmem>>, vector<1x16xf32>,
    %swap3A_637 = vector.shape_cast %swap3A_636 : vector<1x16xf32> to vector<16xf32>
    %swap3A_638 = vector.shape_cast %broadcast_in_dim3A_632 : vector<16xf32> to vector<1x16xf32>
    tpu.vector_store %arg10[%swap3A_634, %swap3A_635], %swap3A_638 {strides = array<i32>} : memref<16x128xf32, #tpu.memory_space<vmem>>, vector<1x16xf32>,
    %broadcast_in_dim3A_639 = arith.constant 0.000000e+00 : f32
    %broadcast_in_dim3A_640 = vector.broadcast %broadcast_in_dim3A_639 : f32 to vector<16xf32>
    %swap3A_641 = arith.constant 10 : i32
    %swap3A_642 = arith.index_cast %swap3A_641 : i32 to index
    %swap3A_643 = arith.constant 0 : index
    %swap3A_644 = tpu.vector_load %arg10[%swap3A_642, %swap3A_643] {strides = array<i32>} : memref<16x128xf32, #tpu.memory_space<vmem>>, vector<1x16xf32>,
    %swap3A_645 = vector.shape_cast %swap3A_644 : vector<1x16xf32> to vector<16xf32>
    %swap3A_646 = vector.shape_cast %broadcast_in_dim3A_640 : vector<16xf32> to vector<1x16xf32>
    tpu.vector_store %arg10[%swap3A_642, %swap3A_643], %swap3A_646 {strides = array<i32>} : memref<16x128xf32, #tpu.memory_space<vmem>>, vector<1x16xf32>,
    %broadcast_in_dim3A_647 = arith.constant 0.000000e+00 : f32
    %broadcast_in_dim3A_648 = vector.broadcast %broadcast_in_dim3A_647 : f32 to vector<16xf32>
    %swap3A_649 = arith.constant 10 : i32
    %swap3A_650 = arith.index_cast %swap3A_649 : i32 to index
    %swap3A_651 = arith.constant 16 : index
    %swap3A_652 = tpu.vector_load %arg10[%swap3A_650, %swap3A_651] {strides = array<i32>} : memref<16x128xf32, #tpu.memory_space<vmem>>, vector<1x16xf32>,
    %swap3A_653 = vector.shape_cast %swap3A_652 : vector<1x16xf32> to vector<16xf32>
    %swap3A_654 = vector.shape_cast %broadcast_in_dim3A_648 : vector<16xf32> to vector<1x16xf32>
    tpu.vector_store %arg10[%swap3A_650, %swap3A_651], %swap3A_654 {strides = array<i32>} : memref<16x128xf32, #tpu.memory_space<vmem>>, vector<1x16xf32>,
    %broadcast_in_dim3A_655 = arith.constant 0.000000e+00 : f32
    %broadcast_in_dim3A_656 = vector.broadcast %broadcast_in_dim3A_655 : f32 to vector<16xf32>
    %swap3A_657 = arith.constant 10 : i32
    %swap3A_658 = arith.index_cast %swap3A_657 : i32 to index
    %swap3A_659 = arith.constant 32 : index
    %swap3A_660 = tpu.vector_load %arg10[%swap3A_658, %swap3A_659] {strides = array<i32>} : memref<16x128xf32, #tpu.memory_space<vmem>>, vector<1x16xf32>,
    %swap3A_661 = vector.shape_cast %swap3A_660 : vector<1x16xf32> to vector<16xf32>
    %swap3A_662 = vector.shape_cast %broadcast_in_dim3A_656 : vector<16xf32> to vector<1x16xf32>
    tpu.vector_store %arg10[%swap3A_658, %swap3A_659], %swap3A_662 {strides = array<i32>} : memref<16x128xf32, #tpu.memory_space<vmem>>, vector<1x16xf32>,
    %broadcast_in_dim3A_663 = arith.constant 0.000000e+00 : f32
    %broadcast_in_dim3A_664 = vector.broadcast %broadcast_in_dim3A_663 : f32 to vector<16xf32>
    %swap3A_665 = arith.constant 10 : i32
    %swap3A_666 = arith.index_cast %swap3A_665 : i32 to index
    %swap3A_667 = arith.constant 48 : index
    %swap3A_668 = tpu.vector_load %arg10[%swap3A_666, %swap3A_667] {strides = array<i32>} : memref<16x128xf32, #tpu.memory_space<vmem>>, vector<1x16xf32>,
    %swap3A_669 = vector.shape_cast %swap3A_668 : vector<1x16xf32> to vector<16xf32>
    %swap3A_670 = vector.shape_cast %broadcast_in_dim3A_664 : vector<16xf32> to vector<1x16xf32>
    tpu.vector_store %arg10[%swap3A_666, %swap3A_667], %swap3A_670 {strides = array<i32>} : memref<16x128xf32, #tpu.memory_space<vmem>>, vector<1x16xf32>,
    %broadcast_in_dim3A_671 = arith.constant 0.000000e+00 : f32
    %broadcast_in_dim3A_672 = vector.broadcast %broadcast_in_dim3A_671 : f32 to vector<16xf32>
    %swap3A_673 = arith.constant 10 : i32
    %swap3A_674 = arith.index_cast %swap3A_673 : i32 to index
    %swap3A_675 = arith.constant 64 : index
    %swap3A_676 = tpu.vector_load %arg10[%swap3A_674, %swap3A_675] {strides = array<i32>} : memref<16x128xf32, #tpu.memory_space<vmem>>, vector<1x16xf32>,
    %swap3A_677 = vector.shape_cast %swap3A_676 : vector<1x16xf32> to vector<16xf32>
    %swap3A_678 = vector.shape_cast %broadcast_in_dim3A_672 : vector<16xf32> to vector<1x16xf32>
    tpu.vector_store %arg10[%swap3A_674, %swap3A_675], %swap3A_678 {strides = array<i32>} : memref<16x128xf32, #tpu.memory_space<vmem>>, vector<1x16xf32>,
    %broadcast_in_dim3A_679 = arith.constant 0.000000e+00 : f32
    %broadcast_in_dim3A_680 = vector.broadcast %broadcast_in_dim3A_679 : f32 to vector<16xf32>
    %swap3A_681 = arith.constant 10 : i32
    %swap3A_682 = arith.index_cast %swap3A_681 : i32 to index
    %swap3A_683 = arith.constant 80 : index
    %swap3A_684 = tpu.vector_load %arg10[%swap3A_682, %swap3A_683] {strides = array<i32>} : memref<16x128xf32, #tpu.memory_space<vmem>>, vector<1x16xf32>,
    %swap3A_685 = vector.shape_cast %swap3A_684 : vector<1x16xf32> to vector<16xf32>
    %swap3A_686 = vector.shape_cast %broadcast_in_dim3A_680 : vector<16xf32> to vector<1x16xf32>
    tpu.vector_store %arg10[%swap3A_682, %swap3A_683], %swap3A_686 {strides = array<i32>} : memref<16x128xf32, #tpu.memory_space<vmem>>, vector<1x16xf32>,
    %broadcast_in_dim3A_687 = arith.constant 0.000000e+00 : f32
    %broadcast_in_dim3A_688 = vector.broadcast %broadcast_in_dim3A_687 : f32 to vector<16xf32>
    %swap3A_689 = arith.constant 10 : i32
    %swap3A_690 = arith.index_cast %swap3A_689 : i32 to index
    %swap3A_691 = arith.constant 96 : index
    %swap3A_692 = tpu.vector_load %arg10[%swap3A_690, %swap3A_691] {strides = array<i32>} : memref<16x128xf32, #tpu.memory_space<vmem>>, vector<1x16xf32>,
    %swap3A_693 = vector.shape_cast %swap3A_692 : vector<1x16xf32> to vector<16xf32>
    %swap3A_694 = vector.shape_cast %broadcast_in_dim3A_688 : vector<16xf32> to vector<1x16xf32>
    tpu.vector_store %arg10[%swap3A_690, %swap3A_691], %swap3A_694 {strides = array<i32>} : memref<16x128xf32, #tpu.memory_space<vmem>>, vector<1x16xf32>,
    %broadcast_in_dim3A_695 = arith.constant 0.000000e+00 : f32
    %broadcast_in_dim3A_696 = vector.broadcast %broadcast_in_dim3A_695 : f32 to vector<16xf32>
    %swap3A_697 = arith.constant 10 : i32
    %swap3A_698 = arith.index_cast %swap3A_697 : i32 to index
    %swap3A_699 = arith.constant 112 : index
    %swap3A_700 = tpu.vector_load %arg10[%swap3A_698, %swap3A_699] {strides = array<i32>} : memref<16x128xf32, #tpu.memory_space<vmem>>, vector<1x16xf32>,
    %swap3A_701 = vector.shape_cast %swap3A_700 : vector<1x16xf32> to vector<16xf32>
    %swap3A_702 = vector.shape_cast %broadcast_in_dim3A_696 : vector<16xf32> to vector<1x16xf32>
    tpu.vector_store %arg10[%swap3A_698, %swap3A_699], %swap3A_702 {strides = array<i32>} : memref<16x128xf32, #tpu.memory_space<vmem>>, vector<1x16xf32>,
    %broadcast_in_dim3A_703 = arith.constant 0.000000e+00 : f32
    %broadcast_in_dim3A_704 = vector.broadcast %broadcast_in_dim3A_703 : f32 to vector<16xf32>
    %swap3A_705 = arith.constant 11 : i32
    %swap3A_706 = arith.index_cast %swap3A_705 : i32 to index
    %swap3A_707 = arith.constant 0 : index
    %swap3A_708 = tpu.vector_load %arg10[%swap3A_706, %swap3A_707] {strides = array<i32>} : memref<16x128xf32, #tpu.memory_space<vmem>>, vector<1x16xf32>,
    %swap3A_709 = vector.shape_cast %swap3A_708 : vector<1x16xf32> to vector<16xf32>
    %swap3A_710 = vector.shape_cast %broadcast_in_dim3A_704 : vector<16xf32> to vector<1x16xf32>
    tpu.vector_store %arg10[%swap3A_706, %swap3A_707], %swap3A_710 {strides = array<i32>} : memref<16x128xf32, #tpu.memory_space<vmem>>, vector<1x16xf32>,
    %broadcast_in_dim3A_711 = arith.constant 0.000000e+00 : f32
    %broadcast_in_dim3A_712 = vector.broadcast %broadcast_in_dim3A_711 : f32 to vector<16xf32>
    %swap3A_713 = arith.constant 11 : i32
    %swap3A_714 = arith.index_cast %swap3A_713 : i32 to index
    %swap3A_715 = arith.constant 16 : index
    %swap3A_716 = tpu.vector_load %arg10[%swap3A_714, %swap3A_715] {strides = array<i32>} : memref<16x128xf32, #tpu.memory_space<vmem>>, vector<1x16xf32>,
    %swap3A_717 = vector.shape_cast %swap3A_716 : vector<1x16xf32> to vector<16xf32>
    %swap3A_718 = vector.shape_cast %broadcast_in_dim3A_712 : vector<16xf32> to vector<1x16xf32>
    tpu.vector_store %arg10[%swap3A_714, %swap3A_715], %swap3A_718 {strides = array<i32>} : memref<16x128xf32, #tpu.memory_space<vmem>>, vector<1x16xf32>,
    %broadcast_in_dim3A_719 = arith.constant 0.000000e+00 : f32
    %broadcast_in_dim3A_720 = vector.broadcast %broadcast_in_dim3A_719 : f32 to vector<16xf32>
    %swap3A_721 = arith.constant 11 : i32
    %swap3A_722 = arith.index_cast %swap3A_721 : i32 to index
    %swap3A_723 = arith.constant 32 : index
    %swap3A_724 = tpu.vector_load %arg10[%swap3A_722, %swap3A_723] {strides = array<i32>} : memref<16x128xf32, #tpu.memory_space<vmem>>, vector<1x16xf32>,
    %swap3A_725 = vector.shape_cast %swap3A_724 : vector<1x16xf32> to vector<16xf32>
    %swap3A_726 = vector.shape_cast %broadcast_in_dim3A_720 : vector<16xf32> to vector<1x16xf32>
    tpu.vector_store %arg10[%swap3A_722, %swap3A_723], %swap3A_726 {strides = array<i32>} : memref<16x128xf32, #tpu.memory_space<vmem>>, vector<1x16xf32>,
    %broadcast_in_dim3A_727 = arith.constant 0.000000e+00 : f32
    %broadcast_in_dim3A_728 = vector.broadcast %broadcast_in_dim3A_727 : f32 to vector<16xf32>
    %swap3A_729 = arith.constant 11 : i32
    %swap3A_730 = arith.index_cast %swap3A_729 : i32 to index
    %swap3A_731 = arith.constant 48 : index
    %swap3A_732 = tpu.vector_load %arg10[%swap3A_730, %swap3A_731] {strides = array<i32>} : memref<16x128xf32, #tpu.memory_space<vmem>>, vector<1x16xf32>,
    %swap3A_733 = vector.shape_cast %swap3A_732 : vector<1x16xf32> to vector<16xf32>
    %swap3A_734 = vector.shape_cast %broadcast_in_dim3A_728 : vector<16xf32> to vector<1x16xf32>
    tpu.vector_store %arg10[%swap3A_730, %swap3A_731], %swap3A_734 {strides = array<i32>} : memref<16x128xf32, #tpu.memory_space<vmem>>, vector<1x16xf32>,
    %broadcast_in_dim3A_735 = arith.constant 0.000000e+00 : f32
    %broadcast_in_dim3A_736 = vector.broadcast %broadcast_in_dim3A_735 : f32 to vector<16xf32>
    %swap3A_737 = arith.constant 11 : i32
    %swap3A_738 = arith.index_cast %swap3A_737 : i32 to index
    %swap3A_739 = arith.constant 64 : index
    %swap3A_740 = tpu.vector_load %arg10[%swap3A_738, %swap3A_739] {strides = array<i32>} : memref<16x128xf32, #tpu.memory_space<vmem>>, vector<1x16xf32>,
    %swap3A_741 = vector.shape_cast %swap3A_740 : vector<1x16xf32> to vector<16xf32>
    %swap3A_742 = vector.shape_cast %broadcast_in_dim3A_736 : vector<16xf32> to vector<1x16xf32>
    tpu.vector_store %arg10[%swap3A_738, %swap3A_739], %swap3A_742 {strides = array<i32>} : memref<16x128xf32, #tpu.memory_space<vmem>>, vector<1x16xf32>,
    %broadcast_in_dim3A_743 = arith.constant 0.000000e+00 : f32
    %broadcast_in_dim3A_744 = vector.broadcast %broadcast_in_dim3A_743 : f32 to vector<16xf32>
    %swap3A_745 = arith.constant 11 : i32
    %swap3A_746 = arith.index_cast %swap3A_745 : i32 to index
    %swap3A_747 = arith.constant 80 : index
    %swap3A_748 = tpu.vector_load %arg10[%swap3A_746, %swap3A_747] {strides = array<i32>} : memref<16x128xf32, #tpu.memory_space<vmem>>, vector<1x16xf32>,
    %swap3A_749 = vector.shape_cast %swap3A_748 : vector<1x16xf32> to vector<16xf32>
    %swap3A_750 = vector.shape_cast %broadcast_in_dim3A_744 : vector<16xf32> to vector<1x16xf32>
    tpu.vector_store %arg10[%swap3A_746, %swap3A_747], %swap3A_750 {strides = array<i32>} : memref<16x128xf32, #tpu.memory_space<vmem>>, vector<1x16xf32>,
    %broadcast_in_dim3A_751 = arith.constant 0.000000e+00 : f32
    %broadcast_in_dim3A_752 = vector.broadcast %broadcast_in_dim3A_751 : f32 to vector<16xf32>
    %swap3A_753 = arith.constant 11 : i32
    %swap3A_754 = arith.index_cast %swap3A_753 : i32 to index
    %swap3A_755 = arith.constant 96 : index
    %swap3A_756 = tpu.vector_load %arg10[%swap3A_754, %swap3A_755] {strides = array<i32>} : memref<16x128xf32, #tpu.memory_space<vmem>>, vector<1x16xf32>,
    %swap3A_757 = vector.shape_cast %swap3A_756 : vector<1x16xf32> to vector<16xf32>
    %swap3A_758 = vector.shape_cast %broadcast_in_dim3A_752 : vector<16xf32> to vector<1x16xf32>
    tpu.vector_store %arg10[%swap3A_754, %swap3A_755], %swap3A_758 {strides = array<i32>} : memref<16x128xf32, #tpu.memory_space<vmem>>, vector<1x16xf32>,
    %broadcast_in_dim3A_759 = arith.constant 0.000000e+00 : f32
    %broadcast_in_dim3A_760 = vector.broadcast %broadcast_in_dim3A_759 : f32 to vector<16xf32>
    %swap3A_761 = arith.constant 11 : i32
    %swap3A_762 = arith.index_cast %swap3A_761 : i32 to index
    %swap3A_763 = arith.constant 112 : index
    %swap3A_764 = tpu.vector_load %arg10[%swap3A_762, %swap3A_763] {strides = array<i32>} : memref<16x128xf32, #tpu.memory_space<vmem>>, vector<1x16xf32>,
    %swap3A_765 = vector.shape_cast %swap3A_764 : vector<1x16xf32> to vector<16xf32>
    %swap3A_766 = vector.shape_cast %broadcast_in_dim3A_760 : vector<16xf32> to vector<1x16xf32>
    tpu.vector_store %arg10[%swap3A_762, %swap3A_763], %swap3A_766 {strides = array<i32>} : memref<16x128xf32, #tpu.memory_space<vmem>>, vector<1x16xf32>,
    %broadcast_in_dim3A_767 = arith.constant 0.000000e+00 : f32
    %broadcast_in_dim3A_768 = vector.broadcast %broadcast_in_dim3A_767 : f32 to vector<16xf32>
    %swap3A_769 = arith.constant 12 : i32
    %swap3A_770 = arith.index_cast %swap3A_769 : i32 to index
    %swap3A_771 = arith.constant 0 : index
    %swap3A_772 = tpu.vector_load %arg10[%swap3A_770, %swap3A_771] {strides = array<i32>} : memref<16x128xf32, #tpu.memory_space<vmem>>, vector<1x16xf32>,
    %swap3A_773 = vector.shape_cast %swap3A_772 : vector<1x16xf32> to vector<16xf32>
    %swap3A_774 = vector.shape_cast %broadcast_in_dim3A_768 : vector<16xf32> to vector<1x16xf32>
    tpu.vector_store %arg10[%swap3A_770, %swap3A_771], %swap3A_774 {strides = array<i32>} : memref<16x128xf32, #tpu.memory_space<vmem>>, vector<1x16xf32>,
    %broadcast_in_dim3A_775 = arith.constant 0.000000e+00 : f32
    %broadcast_in_dim3A_776 = vector.broadcast %broadcast_in_dim3A_775 : f32 to vector<16xf32>
    %swap3A_777 = arith.constant 12 : i32
    %swap3A_778 = arith.index_cast %swap3A_777 : i32 to index
    %swap3A_779 = arith.constant 16 : index
    %swap3A_780 = tpu.vector_load %arg10[%swap3A_778, %swap3A_779] {strides = array<i32>} : memref<16x128xf32, #tpu.memory_space<vmem>>, vector<1x16xf32>,
    %swap3A_781 = vector.shape_cast %swap3A_780 : vector<1x16xf32> to vector<16xf32>
    %swap3A_782 = vector.shape_cast %broadcast_in_dim3A_776 : vector<16xf32> to vector<1x16xf32>
    tpu.vector_store %arg10[%swap3A_778, %swap3A_779], %swap3A_782 {strides = array<i32>} : memref<16x128xf32, #tpu.memory_space<vmem>>, vector<1x16xf32>,
    %broadcast_in_dim3A_783 = arith.constant 0.000000e+00 : f32
    %broadcast_in_dim3A_784 = vector.broadcast %broadcast_in_dim3A_783 : f32 to vector<16xf32>
    %swap3A_785 = arith.constant 12 : i32
    %swap3A_786 = arith.index_cast %swap3A_785 : i32 to index
    %swap3A_787 = arith.constant 32 : index
    %swap3A_788 = tpu.vector_load %arg10[%swap3A_786, %swap3A_787] {strides = array<i32>} : memref<16x128xf32, #tpu.memory_space<vmem>>, vector<1x16xf32>,
    %swap3A_789 = vector.shape_cast %swap3A_788 : vector<1x16xf32> to vector<16xf32>
    %swap3A_790 = vector.shape_cast %broadcast_in_dim3A_784 : vector<16xf32> to vector<1x16xf32>
    tpu.vector_store %arg10[%swap3A_786, %swap3A_787], %swap3A_790 {strides = array<i32>} : memref<16x128xf32, #tpu.memory_space<vmem>>, vector<1x16xf32>,
    %broadcast_in_dim3A_791 = arith.constant 0.000000e+00 : f32
    %broadcast_in_dim3A_792 = vector.broadcast %broadcast_in_dim3A_791 : f32 to vector<16xf32>
    %swap3A_793 = arith.constant 12 : i32
    %swap3A_794 = arith.index_cast %swap3A_793 : i32 to index
    %swap3A_795 = arith.constant 48 : index
    %swap3A_796 = tpu.vector_load %arg10[%swap3A_794, %swap3A_795] {strides = array<i32>} : memref<16x128xf32, #tpu.memory_space<vmem>>, vector<1x16xf32>,
    %swap3A_797 = vector.shape_cast %swap3A_796 : vector<1x16xf32> to vector<16xf32>
    %swap3A_798 = vector.shape_cast %broadcast_in_dim3A_792 : vector<16xf32> to vector<1x16xf32>
    tpu.vector_store %arg10[%swap3A_794, %swap3A_795], %swap3A_798 {strides = array<i32>} : memref<16x128xf32, #tpu.memory_space<vmem>>, vector<1x16xf32>,
    %broadcast_in_dim3A_799 = arith.constant 0.000000e+00 : f32
    %broadcast_in_dim3A_800 = vector.broadcast %broadcast_in_dim3A_799 : f32 to vector<16xf32>
    %swap3A_801 = arith.constant 12 : i32
    %swap3A_802 = arith.index_cast %swap3A_801 : i32 to index
    %swap3A_803 = arith.constant 64 : index
    %swap3A_804 = tpu.vector_load %arg10[%swap3A_802, %swap3A_803] {strides = array<i32>} : memref<16x128xf32, #tpu.memory_space<vmem>>, vector<1x16xf32>,
    %swap3A_805 = vector.shape_cast %swap3A_804 : vector<1x16xf32> to vector<16xf32>
    %swap3A_806 = vector.shape_cast %broadcast_in_dim3A_800 : vector<16xf32> to vector<1x16xf32>
    tpu.vector_store %arg10[%swap3A_802, %swap3A_803], %swap3A_806 {strides = array<i32>} : memref<16x128xf32, #tpu.memory_space<vmem>>, vector<1x16xf32>,
    %broadcast_in_dim3A_807 = arith.constant 0.000000e+00 : f32
    %broadcast_in_dim3A_808 = vector.broadcast %broadcast_in_dim3A_807 : f32 to vector<16xf32>
    %swap3A_809 = arith.constant 12 : i32
    %swap3A_810 = arith.index_cast %swap3A_809 : i32 to index
    %swap3A_811 = arith.constant 80 : index
    %swap3A_812 = tpu.vector_load %arg10[%swap3A_810, %swap3A_811] {strides = array<i32>} : memref<16x128xf32, #tpu.memory_space<vmem>>, vector<1x16xf32>,
    %swap3A_813 = vector.shape_cast %swap3A_812 : vector<1x16xf32> to vector<16xf32>
    %swap3A_814 = vector.shape_cast %broadcast_in_dim3A_808 : vector<16xf32> to vector<1x16xf32>
    tpu.vector_store %arg10[%swap3A_810, %swap3A_811], %swap3A_814 {strides = array<i32>} : memref<16x128xf32, #tpu.memory_space<vmem>>, vector<1x16xf32>,
    %broadcast_in_dim3A_815 = arith.constant 0.000000e+00 : f32
    %broadcast_in_dim3A_816 = vector.broadcast %broadcast_in_dim3A_815 : f32 to vector<16xf32>
    %swap3A_817 = arith.constant 12 : i32
    %swap3A_818 = arith.index_cast %swap3A_817 : i32 to index
    %swap3A_819 = arith.constant 96 : index
    %swap3A_820 = tpu.vector_load %arg10[%swap3A_818, %swap3A_819] {strides = array<i32>} : memref<16x128xf32, #tpu.memory_space<vmem>>, vector<1x16xf32>,
    %swap3A_821 = vector.shape_cast %swap3A_820 : vector<1x16xf32> to vector<16xf32>
    %swap3A_822 = vector.shape_cast %broadcast_in_dim3A_816 : vector<16xf32> to vector<1x16xf32>
    tpu.vector_store %arg10[%swap3A_818, %swap3A_819], %swap3A_822 {strides = array<i32>} : memref<16x128xf32, #tpu.memory_space<vmem>>, vector<1x16xf32>,
    %broadcast_in_dim3A_823 = arith.constant 0.000000e+00 : f32
    %broadcast_in_dim3A_824 = vector.broadcast %broadcast_in_dim3A_823 : f32 to vector<16xf32>
    %swap3A_825 = arith.constant 12 : i32
    %swap3A_826 = arith.index_cast %swap3A_825 : i32 to index
    %swap3A_827 = arith.constant 112 : index
    %swap3A_828 = tpu.vector_load %arg10[%swap3A_826, %swap3A_827] {strides = array<i32>} : memref<16x128xf32, #tpu.memory_space<vmem>>, vector<1x16xf32>,
    %swap3A_829 = vector.shape_cast %swap3A_828 : vector<1x16xf32> to vector<16xf32>
    %swap3A_830 = vector.shape_cast %broadcast_in_dim3A_824 : vector<16xf32> to vector<1x16xf32>
    tpu.vector_store %arg10[%swap3A_826, %swap3A_827], %swap3A_830 {strides = array<i32>} : memref<16x128xf32, #tpu.memory_space<vmem>>, vector<1x16xf32>,
    %broadcast_in_dim3A_831 = arith.constant 0.000000e+00 : f32
    %broadcast_in_dim3A_832 = vector.broadcast %broadcast_in_dim3A_831 : f32 to vector<16xf32>
    %swap3A_833 = arith.constant 13 : i32
    %swap3A_834 = arith.index_cast %swap3A_833 : i32 to index
    %swap3A_835 = arith.constant 0 : index
    %swap3A_836 = tpu.vector_load %arg10[%swap3A_834, %swap3A_835] {strides = array<i32>} : memref<16x128xf32, #tpu.memory_space<vmem>>, vector<1x16xf32>,
    %swap3A_837 = vector.shape_cast %swap3A_836 : vector<1x16xf32> to vector<16xf32>
    %swap3A_838 = vector.shape_cast %broadcast_in_dim3A_832 : vector<16xf32> to vector<1x16xf32>
    tpu.vector_store %arg10[%swap3A_834, %swap3A_835], %swap3A_838 {strides = array<i32>} : memref<16x128xf32, #tpu.memory_space<vmem>>, vector<1x16xf32>,
    %broadcast_in_dim3A_839 = arith.constant 0.000000e+00 : f32
    %broadcast_in_dim3A_840 = vector.broadcast %broadcast_in_dim3A_839 : f32 to vector<16xf32>
    %swap3A_841 = arith.constant 13 : i32
    %swap3A_842 = arith.index_cast %swap3A_841 : i32 to index
    %swap3A_843 = arith.constant 16 : index
    %swap3A_844 = tpu.vector_load %arg10[%swap3A_842, %swap3A_843] {strides = array<i32>} : memref<16x128xf32, #tpu.memory_space<vmem>>, vector<1x16xf32>,
    %swap3A_845 = vector.shape_cast %swap3A_844 : vector<1x16xf32> to vector<16xf32>
    %swap3A_846 = vector.shape_cast %broadcast_in_dim3A_840 : vector<16xf32> to vector<1x16xf32>
    tpu.vector_store %arg10[%swap3A_842, %swap3A_843], %swap3A_846 {strides = array<i32>} : memref<16x128xf32, #tpu.memory_space<vmem>>, vector<1x16xf32>,
    %broadcast_in_dim3A_847 = arith.constant 0.000000e+00 : f32
    %broadcast_in_dim3A_848 = vector.broadcast %broadcast_in_dim3A_847 : f32 to vector<16xf32>
    %swap3A_849 = arith.constant 13 : i32
    %swap3A_850 = arith.index_cast %swap3A_849 : i32 to index
    %swap3A_851 = arith.constant 32 : index
    %swap3A_852 = tpu.vector_load %arg10[%swap3A_850, %swap3A_851] {strides = array<i32>} : memref<16x128xf32, #tpu.memory_space<vmem>>, vector<1x16xf32>,
    %swap3A_853 = vector.shape_cast %swap3A_852 : vector<1x16xf32> to vector<16xf32>
    %swap3A_854 = vector.shape_cast %broadcast_in_dim3A_848 : vector<16xf32> to vector<1x16xf32>
    tpu.vector_store %arg10[%swap3A_850, %swap3A_851], %swap3A_854 {strides = array<i32>} : memref<16x128xf32, #tpu.memory_space<vmem>>, vector<1x16xf32>,
    %broadcast_in_dim3A_855 = arith.constant 0.000000e+00 : f32
    %broadcast_in_dim3A_856 = vector.broadcast %broadcast_in_dim3A_855 : f32 to vector<16xf32>
    %swap3A_857 = arith.constant 13 : i32
    %swap3A_858 = arith.index_cast %swap3A_857 : i32 to index
    %swap3A_859 = arith.constant 48 : index
    %swap3A_860 = tpu.vector_load %arg10[%swap3A_858, %swap3A_859] {strides = array<i32>} : memref<16x128xf32, #tpu.memory_space<vmem>>, vector<1x16xf32>,
    %swap3A_861 = vector.shape_cast %swap3A_860 : vector<1x16xf32> to vector<16xf32>
    %swap3A_862 = vector.shape_cast %broadcast_in_dim3A_856 : vector<16xf32> to vector<1x16xf32>
    tpu.vector_store %arg10[%swap3A_858, %swap3A_859], %swap3A_862 {strides = array<i32>} : memref<16x128xf32, #tpu.memory_space<vmem>>, vector<1x16xf32>,
    %broadcast_in_dim3A_863 = arith.constant 0.000000e+00 : f32
    %broadcast_in_dim3A_864 = vector.broadcast %broadcast_in_dim3A_863 : f32 to vector<16xf32>
    %swap3A_865 = arith.constant 13 : i32
    %swap3A_866 = arith.index_cast %swap3A_865 : i32 to index
    %swap3A_867 = arith.constant 64 : index
    %swap3A_868 = tpu.vector_load %arg10[%swap3A_866, %swap3A_867] {strides = array<i32>} : memref<16x128xf32, #tpu.memory_space<vmem>>, vector<1x16xf32>,
    %swap3A_869 = vector.shape_cast %swap3A_868 : vector<1x16xf32> to vector<16xf32>
    %swap3A_870 = vector.shape_cast %broadcast_in_dim3A_864 : vector<16xf32> to vector<1x16xf32>
    tpu.vector_store %arg10[%swap3A_866, %swap3A_867], %swap3A_870 {strides = array<i32>} : memref<16x128xf32, #tpu.memory_space<vmem>>, vector<1x16xf32>,
    %broadcast_in_dim3A_871 = arith.constant 0.000000e+00 : f32
    %broadcast_in_dim3A_872 = vector.broadcast %broadcast_in_dim3A_871 : f32 to vector<16xf32>
    %swap3A_873 = arith.constant 13 : i32
    %swap3A_874 = arith.index_cast %swap3A_873 : i32 to index
    %swap3A_875 = arith.constant 80 : index
    %swap3A_876 = tpu.vector_load %arg10[%swap3A_874, %swap3A_875] {strides = array<i32>} : memref<16x128xf32, #tpu.memory_space<vmem>>, vector<1x16xf32>,
    %swap3A_877 = vector.shape_cast %swap3A_876 : vector<1x16xf32> to vector<16xf32>
    %swap3A_878 = vector.shape_cast %broadcast_in_dim3A_872 : vector<16xf32> to vector<1x16xf32>
    tpu.vector_store %arg10[%swap3A_874, %swap3A_875], %swap3A_878 {strides = array<i32>} : memref<16x128xf32, #tpu.memory_space<vmem>>, vector<1x16xf32>,
    %broadcast_in_dim3A_879 = arith.constant 0.000000e+00 : f32
    %broadcast_in_dim3A_880 = vector.broadcast %broadcast_in_dim3A_879 : f32 to vector<16xf32>
    %swap3A_881 = arith.constant 13 : i32
    %swap3A_882 = arith.index_cast %swap3A_881 : i32 to index
    %swap3A_883 = arith.constant 96 : index
    %swap3A_884 = tpu.vector_load %arg10[%swap3A_882, %swap3A_883] {strides = array<i32>} : memref<16x128xf32, #tpu.memory_space<vmem>>, vector<1x16xf32>,
    %swap3A_885 = vector.shape_cast %swap3A_884 : vector<1x16xf32> to vector<16xf32>
    %swap3A_886 = vector.shape_cast %broadcast_in_dim3A_880 : vector<16xf32> to vector<1x16xf32>
    tpu.vector_store %arg10[%swap3A_882, %swap3A_883], %swap3A_886 {strides = array<i32>} : memref<16x128xf32, #tpu.memory_space<vmem>>, vector<1x16xf32>,
    %broadcast_in_dim3A_887 = arith.constant 0.000000e+00 : f32
    %broadcast_in_dim3A_888 = vector.broadcast %broadcast_in_dim3A_887 : f32 to vector<16xf32>
    %swap3A_889 = arith.constant 13 : i32
    %swap3A_890 = arith.index_cast %swap3A_889 : i32 to index
    %swap3A_891 = arith.constant 112 : index
    %swap3A_892 = tpu.vector_load %arg10[%swap3A_890, %swap3A_891] {strides = array<i32>} : memref<16x128xf32, #tpu.memory_space<vmem>>, vector<1x16xf32>,
    %swap3A_893 = vector.shape_cast %swap3A_892 : vector<1x16xf32> to vector<16xf32>
    %swap3A_894 = vector.shape_cast %broadcast_in_dim3A_888 : vector<16xf32> to vector<1x16xf32>
    tpu.vector_store %arg10[%swap3A_890, %swap3A_891], %swap3A_894 {strides = array<i32>} : memref<16x128xf32, #tpu.memory_space<vmem>>, vector<1x16xf32>,
    %broadcast_in_dim3A_895 = arith.constant 0.000000e+00 : f32
    %broadcast_in_dim3A_896 = vector.broadcast %broadcast_in_dim3A_895 : f32 to vector<16xf32>
    %swap3A_897 = arith.constant 14 : i32
    %swap3A_898 = arith.index_cast %swap3A_897 : i32 to index
    %swap3A_899 = arith.constant 0 : index
    %swap3A_900 = tpu.vector_load %arg10[%swap3A_898, %swap3A_899] {strides = array<i32>} : memref<16x128xf32, #tpu.memory_space<vmem>>, vector<1x16xf32>,
    %swap3A_901 = vector.shape_cast %swap3A_900 : vector<1x16xf32> to vector<16xf32>
    %swap3A_902 = vector.shape_cast %broadcast_in_dim3A_896 : vector<16xf32> to vector<1x16xf32>
    tpu.vector_store %arg10[%swap3A_898, %swap3A_899], %swap3A_902 {strides = array<i32>} : memref<16x128xf32, #tpu.memory_space<vmem>>, vector<1x16xf32>,
    %broadcast_in_dim3A_903 = arith.constant 0.000000e+00 : f32
    %broadcast_in_dim3A_904 = vector.broadcast %broadcast_in_dim3A_903 : f32 to vector<16xf32>
    %swap3A_905 = arith.constant 14 : i32
    %swap3A_906 = arith.index_cast %swap3A_905 : i32 to index
    %swap3A_907 = arith.constant 16 : index
    %swap3A_908 = tpu.vector_load %arg10[%swap3A_906, %swap3A_907] {strides = array<i32>} : memref<16x128xf32, #tpu.memory_space<vmem>>, vector<1x16xf32>,
    %swap3A_909 = vector.shape_cast %swap3A_908 : vector<1x16xf32> to vector<16xf32>
    %swap3A_910 = vector.shape_cast %broadcast_in_dim3A_904 : vector<16xf32> to vector<1x16xf32>
    tpu.vector_store %arg10[%swap3A_906, %swap3A_907], %swap3A_910 {strides = array<i32>} : memref<16x128xf32, #tpu.memory_space<vmem>>, vector<1x16xf32>,
    %broadcast_in_dim3A_911 = arith.constant 0.000000e+00 : f32
    %broadcast_in_dim3A_912 = vector.broadcast %broadcast_in_dim3A_911 : f32 to vector<16xf32>
    %swap3A_913 = arith.constant 14 : i32
    %swap3A_914 = arith.index_cast %swap3A_913 : i32 to index
    %swap3A_915 = arith.constant 32 : index
    %swap3A_916 = tpu.vector_load %arg10[%swap3A_914, %swap3A_915] {strides = array<i32>} : memref<16x128xf32, #tpu.memory_space<vmem>>, vector<1x16xf32>,
    %swap3A_917 = vector.shape_cast %swap3A_916 : vector<1x16xf32> to vector<16xf32>
    %swap3A_918 = vector.shape_cast %broadcast_in_dim3A_912 : vector<16xf32> to vector<1x16xf32>
    tpu.vector_store %arg10[%swap3A_914, %swap3A_915], %swap3A_918 {strides = array<i32>} : memref<16x128xf32, #tpu.memory_space<vmem>>, vector<1x16xf32>,
    %broadcast_in_dim3A_919 = arith.constant 0.000000e+00 : f32
    %broadcast_in_dim3A_920 = vector.broadcast %broadcast_in_dim3A_919 : f32 to vector<16xf32>
    %swap3A_921 = arith.constant 14 : i32
    %swap3A_922 = arith.index_cast %swap3A_921 : i32 to index
    %swap3A_923 = arith.constant 48 : index
    %swap3A_924 = tpu.vector_load %arg10[%swap3A_922, %swap3A_923] {strides = array<i32>} : memref<16x128xf32, #tpu.memory_space<vmem>>, vector<1x16xf32>,
    %swap3A_925 = vector.shape_cast %swap3A_924 : vector<1x16xf32> to vector<16xf32>
    %swap3A_926 = vector.shape_cast %broadcast_in_dim3A_920 : vector<16xf32> to vector<1x16xf32>
    tpu.vector_store %arg10[%swap3A_922, %swap3A_923], %swap3A_926 {strides = array<i32>} : memref<16x128xf32, #tpu.memory_space<vmem>>, vector<1x16xf32>,
    %broadcast_in_dim3A_927 = arith.constant 0.000000e+00 : f32
    %broadcast_in_dim3A_928 = vector.broadcast %broadcast_in_dim3A_927 : f32 to vector<16xf32>
    %swap3A_929 = arith.constant 14 : i32
    %swap3A_930 = arith.index_cast %swap3A_929 : i32 to index
    %swap3A_931 = arith.constant 64 : index
    %swap3A_932 = tpu.vector_load %arg10[%swap3A_930, %swap3A_931] {strides = array<i32>} : memref<16x128xf32, #tpu.memory_space<vmem>>, vector<1x16xf32>,
    %swap3A_933 = vector.shape_cast %swap3A_932 : vector<1x16xf32> to vector<16xf32>
    %swap3A_934 = vector.shape_cast %broadcast_in_dim3A_928 : vector<16xf32> to vector<1x16xf32>
    tpu.vector_store %arg10[%swap3A_930, %swap3A_931], %swap3A_934 {strides = array<i32>} : memref<16x128xf32, #tpu.memory_space<vmem>>, vector<1x16xf32>,
    %broadcast_in_dim3A_935 = arith.constant 0.000000e+00 : f32
    %broadcast_in_dim3A_936 = vector.broadcast %broadcast_in_dim3A_935 : f32 to vector<16xf32>
    %swap3A_937 = arith.constant 14 : i32
    %swap3A_938 = arith.index_cast %swap3A_937 : i32 to index
    %swap3A_939 = arith.constant 80 : index
    %swap3A_940 = tpu.vector_load %arg10[%swap3A_938, %swap3A_939] {strides = array<i32>} : memref<16x128xf32, #tpu.memory_space<vmem>>, vector<1x16xf32>,
    %swap3A_941 = vector.shape_cast %swap3A_940 : vector<1x16xf32> to vector<16xf32>
    %swap3A_942 = vector.shape_cast %broadcast_in_dim3A_936 : vector<16xf32> to vector<1x16xf32>
    tpu.vector_store %arg10[%swap3A_938, %swap3A_939], %swap3A_942 {strides = array<i32>} : memref<16x128xf32, #tpu.memory_space<vmem>>, vector<1x16xf32>,
    %broadcast_in_dim3A_943 = arith.constant 0.000000e+00 : f32
    %broadcast_in_dim3A_944 = vector.broadcast %broadcast_in_dim3A_943 : f32 to vector<16xf32>
    %swap3A_945 = arith.constant 14 : i32
    %swap3A_946 = arith.index_cast %swap3A_945 : i32 to index
    %swap3A_947 = arith.constant 96 : index
    %swap3A_948 = tpu.vector_load %arg10[%swap3A_946, %swap3A_947] {strides = array<i32>} : memref<16x128xf32, #tpu.memory_space<vmem>>, vector<1x16xf32>,
    %swap3A_949 = vector.shape_cast %swap3A_948 : vector<1x16xf32> to vector<16xf32>
    %swap3A_950 = vector.shape_cast %broadcast_in_dim3A_944 : vector<16xf32> to vector<1x16xf32>
    tpu.vector_store %arg10[%swap3A_946, %swap3A_947], %swap3A_950 {strides = array<i32>} : memref<16x128xf32, #tpu.memory_space<vmem>>, vector<1x16xf32>,
    %broadcast_in_dim3A_951 = arith.constant 0.000000e+00 : f32
    %broadcast_in_dim3A_952 = vector.broadcast %broadcast_in_dim3A_951 : f32 to vector<16xf32>
    %swap3A_953 = arith.constant 14 : i32
    %swap3A_954 = arith.index_cast %swap3A_953 : i32 to index
    %swap3A_955 = arith.constant 112 : index
    %swap3A_956 = tpu.vector_load %arg10[%swap3A_954, %swap3A_955] {strides = array<i32>} : memref<16x128xf32, #tpu.memory_space<vmem>>, vector<1x16xf32>,
    %swap3A_957 = vector.shape_cast %swap3A_956 : vector<1x16xf32> to vector<16xf32>
    %swap3A_958 = vector.shape_cast %broadcast_in_dim3A_952 : vector<16xf32> to vector<1x16xf32>
    tpu.vector_store %arg10[%swap3A_954, %swap3A_955], %swap3A_958 {strides = array<i32>} : memref<16x128xf32, #tpu.memory_space<vmem>>, vector<1x16xf32>,
    %broadcast_in_dim3A_959 = arith.constant 0.000000e+00 : f32
    %broadcast_in_dim3A_960 = vector.broadcast %broadcast_in_dim3A_959 : f32 to vector<16xf32>
    %swap3A_961 = arith.constant 15 : i32
    %swap3A_962 = arith.index_cast %swap3A_961 : i32 to index
    %swap3A_963 = arith.constant 0 : index
    %swap3A_964 = tpu.vector_load %arg10[%swap3A_962, %swap3A_963] {strides = array<i32>} : memref<16x128xf32, #tpu.memory_space<vmem>>, vector<1x16xf32>,
    %swap3A_965 = vector.shape_cast %swap3A_964 : vector<1x16xf32> to vector<16xf32>
    %swap3A_966 = vector.shape_cast %broadcast_in_dim3A_960 : vector<16xf32> to vector<1x16xf32>
    tpu.vector_store %arg10[%swap3A_962, %swap3A_963], %swap3A_966 {strides = array<i32>} : memref<16x128xf32, #tpu.memory_space<vmem>>, vector<1x16xf32>,
    %broadcast_in_dim3A_967 = arith.constant 0.000000e+00 : f32
    %broadcast_in_dim3A_968 = vector.broadcast %broadcast_in_dim3A_967 : f32 to vector<16xf32>
    %swap3A_969 = arith.constant 15 : i32
    %swap3A_970 = arith.index_cast %swap3A_969 : i32 to index
    %swap3A_971 = arith.constant 16 : index
    %swap3A_972 = tpu.vector_load %arg10[%swap3A_970, %swap3A_971] {strides = array<i32>} : memref<16x128xf32, #tpu.memory_space<vmem>>, vector<1x16xf32>,
    %swap3A_973 = vector.shape_cast %swap3A_972 : vector<1x16xf32> to vector<16xf32>
    %swap3A_974 = vector.shape_cast %broadcast_in_dim3A_968 : vector<16xf32> to vector<1x16xf32>
    tpu.vector_store %arg10[%swap3A_970, %swap3A_971], %swap3A_974 {strides = array<i32>} : memref<16x128xf32, #tpu.memory_space<vmem>>, vector<1x16xf32>,
    %broadcast_in_dim3A_975 = arith.constant 0.000000e+00 : f32
    %broadcast_in_dim3A_976 = vector.broadcast %broadcast_in_dim3A_975 : f32 to vector<16xf32>
    %swap3A_977 = arith.constant 15 : i32
    %swap3A_978 = arith.index_cast %swap3A_977 : i32 to index
    %swap3A_979 = arith.constant 32 : index
    %swap3A_980 = tpu.vector_load %arg10[%swap3A_978, %swap3A_979] {strides = array<i32>} : memref<16x128xf32, #tpu.memory_space<vmem>>, vector<1x16xf32>,
    %swap3A_981 = vector.shape_cast %swap3A_980 : vector<1x16xf32> to vector<16xf32>
    %swap3A_982 = vector.shape_cast %broadcast_in_dim3A_976 : vector<16xf32> to vector<1x16xf32>
    tpu.vector_store %arg10[%swap3A_978, %swap3A_979], %swap3A_982 {strides = array<i32>} : memref<16x128xf32, #tpu.memory_space<vmem>>, vector<1x16xf32>,
    %broadcast_in_dim3A_983 = arith.constant 0.000000e+00 : f32
    %broadcast_in_dim3A_984 = vector.broadcast %broadcast_in_dim3A_983 : f32 to vector<16xf32>
    %swap3A_985 = arith.constant 15 : i32
    %swap3A_986 = arith.index_cast %swap3A_985 : i32 to index
    %swap3A_987 = arith.constant 48 : index
    %swap3A_988 = tpu.vector_load %arg10[%swap3A_986, %swap3A_987] {strides = array<i32>} : memref<16x128xf32, #tpu.memory_space<vmem>>, vector<1x16xf32>,
    %swap3A_989 = vector.shape_cast %swap3A_988 : vector<1x16xf32> to vector<16xf32>
    %swap3A_990 = vector.shape_cast %broadcast_in_dim3A_984 : vector<16xf32> to vector<1x16xf32>
    tpu.vector_store %arg10[%swap3A_986, %swap3A_987], %swap3A_990 {strides = array<i32>} : memref<16x128xf32, #tpu.memory_space<vmem>>, vector<1x16xf32>,
    %broadcast_in_dim3A_991 = arith.constant 0.000000e+00 : f32
    %broadcast_in_dim3A_992 = vector.broadcast %broadcast_in_dim3A_991 : f32 to vector<16xf32>
    %swap3A_993 = arith.constant 15 : i32
    %swap3A_994 = arith.index_cast %swap3A_993 : i32 to index
    %swap3A_995 = arith.constant 64 : index
    %swap3A_996 = tpu.vector_load %arg10[%swap3A_994, %swap3A_995] {strides = array<i32>} : memref<16x128xf32, #tpu.memory_space<vmem>>, vector<1x16xf32>,
    %swap3A_997 = vector.shape_cast %swap3A_996 : vector<1x16xf32> to vector<16xf32>
    %swap3A_998 = vector.shape_cast %broadcast_in_dim3A_992 : vector<16xf32> to vector<1x16xf32>
    tpu.vector_store %arg10[%swap3A_994, %swap3A_995], %swap3A_998 {strides = array<i32>} : memref<16x128xf32, #tpu.memory_space<vmem>>, vector<1x16xf32>,
    %broadcast_in_dim3A_999 = arith.constant 0.000000e+00 : f32
    %broadcast_in_dim3A_1000 = vector.broadcast %broadcast_in_dim3A_999 : f32 to vector<16xf32>
    %swap3A_1001 = arith.constant 15 : i32
    %swap3A_1002 = arith.index_cast %swap3A_1001 : i32 to index
    %swap3A_1003 = arith.constant 80 : index
    %swap3A_1004 = tpu.vector_load %arg10[%swap3A_1002, %swap3A_1003] {strides = array<i32>} : memref<16x128xf32, #tpu.memory_space<vmem>>, vector<1x16xf32>,
    %swap3A_1005 = vector.shape_cast %swap3A_1004 : vector<1x16xf32> to vector<16xf32>
    %swap3A_1006 = vector.shape_cast %broadcast_in_dim3A_1000 : vector<16xf32> to vector<1x16xf32>
    tpu.vector_store %arg10[%swap3A_1002, %swap3A_1003], %swap3A_1006 {strides = array<i32>} : memref<16x128xf32, #tpu.memory_space<vmem>>, vector<1x16xf32>,
    %broadcast_in_dim3A_1007 = arith.constant 0.000000e+00 : f32
    %broadcast_in_dim3A_1008 = vector.broadcast %broadcast_in_dim3A_1007 : f32 to vector<16xf32>
    %swap3A_1009 = arith.constant 15 : i32
    %swap3A_1010 = arith.index_cast %swap3A_1009 : i32 to index
    %swap3A_1011 = arith.constant 96 : index
    %swap3A_1012 = tpu.vector_load %arg10[%swap3A_1010, %swap3A_1011] {strides = array<i32>} : memref<16x128xf32, #tpu.memory_space<vmem>>, vector<1x16xf32>,
    %swap3A_1013 = vector.shape_cast %swap3A_1012 : vector<1x16xf32> to vector<16xf32>
    %swap3A_1014 = vector.shape_cast %broadcast_in_dim3A_1008 : vector<16xf32> to vector<1x16xf32>
    tpu.vector_store %arg10[%swap3A_1010, %swap3A_1011], %swap3A_1014 {strides = array<i32>} : memref<16x128xf32, #tpu.memory_space<vmem>>, vector<1x16xf32>,
    %broadcast_in_dim3A_1015 = arith.constant 0.000000e+00 : f32
    %broadcast_in_dim3A_1016 = vector.broadcast %broadcast_in_dim3A_1015 : f32 to vector<16xf32>
    %swap3A_1017 = arith.constant 15 : i32
    %swap3A_1018 = arith.index_cast %swap3A_1017 : i32 to index
    %swap3A_1019 = arith.constant 112 : index
    %swap3A_1020 = tpu.vector_load %arg10[%swap3A_1018, %swap3A_1019] {strides = array<i32>} : memref<16x128xf32, #tpu.memory_space<vmem>>, vector<1x16xf32>,
    %swap3A_1021 = vector.shape_cast %swap3A_1020 : vector<1x16xf32> to vector<16xf32>
    %swap3A_1022 = vector.shape_cast %broadcast_in_dim3A_1016 : vector<16xf32> to vector<1x16xf32>
    tpu.vector_store %arg10[%swap3A_1018, %swap3A_1019], %swap3A_1022 {strides = array<i32>} : memref<16x128xf32, #tpu.memory_space<vmem>>, vector<1x16xf32>,
    %scan3A = arith.constant 0 : i32
    %scan3A_1023 = arith.constant 0 : i32
    %scan3A_1024 = arith.constant 40 : i32
    %scan3A_1025 = arith.addi %scan3A_1023, %scan3A_1024 : i32
    %scan3A_1026 = arith.constant 1 : i32
    scf.for %scan3A_1073 = %scan3A_1023 to %scan3A_1025 step %scan3A_1026  : i32 {
      %mul3A_1074 = arith.constant 640 : i32
      %mul3A_1075 = arith.muli %arg1, %mul3A_1074 : i32
      %mul3A_1076 = arith.constant 16 : i32
      %mul3A_1077 = arith.muli %scan3A_1073, %mul3A_1076 : i32
      %add3A_1078 = arith.addi %mul3A_1075, %mul3A_1077 : i32
      "tpu.region"() ({
        %run_scoped3A_1079 = tpu.sem_alloc : memref<!tpu.dma_semaphore, #tpu.memory_space<semaphore_mem>>
        %dma_start3A_1080 = arith.constant 0 : i32
        %dma_start3A_1081 = tpu.memref_slice %arg11[%add3A_1078, %dma_start3A_1080] : memref<10240x128xf32, #tpu.memory_space<vmem_shared>> -> memref<16x128xf32, #tpu.memory_space<vmem_shared>>
        %dma_start3A_1082 = arith.constant 0 : i32
        %dma_start3A_1083 = tpu.memref_slice %arg11[%add3A_1078, %dma_start3A_1082] : memref<10240x128xf32, #tpu.memory_space<vmem_shared>> -> memref<16x128xf32, #tpu.memory_space<vmem_shared>>
        tpu.enqueue_dma source(%arg10 : memref<16x128xf32, #tpu.memory_space<vmem>>) target(%dma_start3A_1083 : memref<16x128xf32, #tpu.memory_space<vmem_shared>>) target_semaphore(%run_scoped3A_1079 : memref<!tpu.dma_semaphore, #tpu.memory_space<semaphore_mem>>)
        %dma_wait3A_1084 = arith.constant 0 : i32
        %dma_wait3A_1085 = tpu.memref_slice %arg11[%add3A_1078, %dma_wait3A_1084] : memref<10240x128xf32, #tpu.memory_space<vmem_shared>> -> memref<16x128xf32, #tpu.memory_space<vmem_shared>>
        %dma_wait3A_1086 = arith.constant 0 : i32
        %dma_wait3A_1087 = tpu.memref_slice %arg11[%add3A_1078, %dma_wait3A_1086] : memref<10240x128xf32, #tpu.memory_space<vmem_shared>> -> memref<16x128xf32, #tpu.memory_space<vmem_shared>>
        tpu.wait_dma2 semaphore(%run_scoped3A_1079 : memref<!tpu.dma_semaphore, #tpu.memory_space<semaphore_mem>>) src(%arg10 : memref<16x128xf32, #tpu.memory_space<vmem>>) dst(%dma_wait3A_1087 : memref<16x128xf32, #tpu.memory_space<vmem_shared>>)
        tpu.yield
      }) : () -> ()
    }
    %scan3A_1027 = arith.constant 40 : i32
    %run_scoped3A = arith.constant 0 : i32
    "tpu.region"() ({
      %run_scoped3A_1073 = tpu.sem_alloc : memref<!tpu.dma_semaphore, #tpu.memory_space<semaphore_mem>>
      %dma_start3A_1074 = arith.constant 0 : i32
      %dma_start3A_1075 = arith.constant 0 : i32
      %dma_start3A_1076 = arith.constant 0 : i32
      %dma_start3A_1077 = tpu.memref_slice %arg3[%run_scoped3A, %add3A, %dma_start3A_1074, %dma_start3A_1075, %dma_start3A_1076] : memref<2x32x10x8x125xi32, #tpu.memory_space<hbm>> -> memref<1x1x10x8x125xi32, #tpu.memory_space<hbm>>
      %dma_start3A_1078 = tpu.memref_squeeze %dma_start3A_1077 : memref<1x1x10x8x125xi32, #tpu.memory_space<hbm>> -> memref<10x8x125xi32, #tpu.memory_space<hbm>>
      %dma_start3A_1079 = arith.constant 0 : i32
      %dma_start3A_1080 = arith.constant 0 : i32
      %dma_start3A_1081 = arith.constant 0 : i32
      %dma_start3A_1082 = tpu.memref_slice %arg3[%run_scoped3A, %add3A, %dma_start3A_1079, %dma_start3A_1080, %dma_start3A_1081] : memref<2x32x10x8x125xi32, #tpu.memory_space<hbm>> -> memref<1x1x10x8x125xi32, #tpu.memory_space<hbm>>
      %dma_start3A_1083 = tpu.memref_squeeze %dma_start3A_1082 : memref<1x1x10x8x125xi32, #tpu.memory_space<hbm>> -> memref<10x8x125xi32, #tpu.memory_space<hbm>>
      tpu.enqueue_dma source(%dma_start3A_1083 : memref<10x8x125xi32, #tpu.memory_space<hbm>>) target(%arg5 : memref<10x8x125xi32, #tpu.memory_space<vmem>>) target_semaphore(%run_scoped3A_1073 : memref<!tpu.dma_semaphore, #tpu.memory_space<semaphore_mem>>)
      %dma_wait3A_1084 = arith.constant 0 : i32
      %dma_wait3A_1085 = arith.constant 0 : i32
      %dma_wait3A_1086 = arith.constant 0 : i32
      %dma_wait3A_1087 = tpu.memref_slice %arg3[%run_scoped3A, %add3A, %dma_wait3A_1084, %dma_wait3A_1085, %dma_wait3A_1086] : memref<2x32x10x8x125xi32, #tpu.memory_space<hbm>> -> memref<1x1x10x8x125xi32, #tpu.memory_space<hbm>>
      %dma_wait3A_1088 = tpu.memref_squeeze %dma_wait3A_1087 : memref<1x1x10x8x125xi32, #tpu.memory_space<hbm>> -> memref<10x8x125xi32, #tpu.memory_space<hbm>>
      %dma_wait3A_1089 = arith.constant 0 : i32
      %dma_wait3A_1090 = arith.constant 0 : i32
      %dma_wait3A_1091 = arith.constant 0 : i32
      %dma_wait3A_1092 = tpu.memref_slice %arg3[%run_scoped3A, %add3A, %dma_wait3A_1089, %dma_wait3A_1090, %dma_wait3A_1091] : memref<2x32x10x8x125xi32, #tpu.memory_space<hbm>> -> memref<1x1x10x8x125xi32, #tpu.memory_space<hbm>>
      %dma_wait3A_1093 = tpu.memref_squeeze %dma_wait3A_1092 : memref<1x1x10x8x125xi32, #tpu.memory_space<hbm>> -> memref<10x8x125xi32, #tpu.memory_space<hbm>>
      tpu.wait_dma2 semaphore(%run_scoped3A_1073 : memref<!tpu.dma_semaphore, #tpu.memory_space<semaphore_mem>>) src(%dma_wait3A_1093 : memref<10x8x125xi32, #tpu.memory_space<hbm>>) dst(%arg5 : memref<10x8x125xi32, #tpu.memory_space<vmem>>)
      tpu.yield
    }) : () -> ()
    %barrier3A = arith.constant 0 : index
    tpu.barrier barrier_id(%barrier3A)
    %dma_start3A = arith.constant 1 : i32
    %dma_start3A_1028 = arith.constant 0 : i32
    %dma_start3A_1029 = arith.constant 0 : i32
    %dma_start3A_1030 = arith.constant 0 : i32
    %dma_start3A_1031 = tpu.memref_slice %arg3[%dma_start3A, %add3A, %dma_start3A_1028, %dma_start3A_1029, %dma_start3A_1030] : memref<2x32x10x8x125xi32, #tpu.memory_space<hbm>> -> memref<1x1x1x8x125xi32, #tpu.memory_space<hbm>>
    %dma_start3A_1032 = tpu.memref_squeeze %dma_start3A_1031 : memref<1x1x1x8x125xi32, #tpu.memory_space<hbm>> -> memref<8x125xi32, #tpu.memory_space<hbm>>
    %dma_start3A_1033 = arith.constant 0 : i32
    %dma_start3A_1034 = arith.constant 0 : i32
    %dma_start3A_1035 = tpu.memref_slice %arg3[%dma_start3A, %add3A, %dma_start3A_1028, %dma_start3A_1033, %dma_start3A_1034] : memref<2x32x10x8x125xi32, #tpu.memory_space<hbm>> -> memref<1x1x1x8x125xi32, #tpu.memory_space<hbm>>
    %dma_start3A_1036 = tpu.memref_squeeze %dma_start3A_1035 : memref<1x1x1x8x125xi32, #tpu.memory_space<hbm>> -> memref<8x125xi32, #tpu.memory_space<hbm>>
    tpu.enqueue_dma source(%dma_start3A_1036 : memref<8x125xi32, #tpu.memory_space<hbm>>) target(%arg6 : memref<8x125xi32, #tpu.memory_space<vmem>>) target_semaphore(%arg14 : memref<!tpu.dma_semaphore, #tpu.memory_space<semaphore_mem>>)
    %dma_wait3A = arith.constant 1 : i32
    %dma_wait3A_1037 = arith.constant 0 : i32
    %dma_wait3A_1038 = arith.constant 0 : i32
    %dma_wait3A_1039 = arith.constant 0 : i32
    %dma_wait3A_1040 = tpu.memref_slice %arg3[%dma_wait3A, %add3A, %dma_wait3A_1037, %dma_wait3A_1038, %dma_wait3A_1039] : memref<2x32x10x8x125xi32, #tpu.memory_space<hbm>> -> memref<1x1x1x8x125xi32, #tpu.memory_space<hbm>>
    %dma_wait3A_1041 = tpu.memref_squeeze %dma_wait3A_1040 : memref<1x1x1x8x125xi32, #tpu.memory_space<hbm>> -> memref<8x125xi32, #tpu.memory_space<hbm>>
    %dma_wait3A_1042 = arith.constant 0 : i32
    %dma_wait3A_1043 = arith.constant 0 : i32
    %dma_wait3A_1044 = tpu.memref_slice %arg3[%dma_wait3A, %add3A, %dma_wait3A_1037, %dma_wait3A_1042, %dma_wait3A_1043] : memref<2x32x10x8x125xi32, #tpu.memory_space<hbm>> -> memref<1x1x1x8x125xi32, #tpu.memory_space<hbm>>
    %dma_wait3A_1045 = tpu.memref_squeeze %dma_wait3A_1044 : memref<1x1x1x8x125xi32, #tpu.memory_space<hbm>> -> memref<8x125xi32, #tpu.memory_space<hbm>>
    tpu.wait_dma2 semaphore(%arg14 : memref<!tpu.dma_semaphore, #tpu.memory_space<semaphore_mem>>) src(%dma_wait3A_1045 : memref<8x125xi32, #tpu.memory_space<hbm>>) dst(%arg6 : memref<8x125xi32, #tpu.memory_space<vmem>>)
    %dma_start3A_1046 = arith.constant 0 : i32
    %dma_start3A_1047 = arith.constant 0 : i32
    %dma_start3A_1048 = arith.constant 0 : i32
    %dma_start3A_1049 = tpu.memref_slice %arg5[%dma_start3A_1046, %dma_start3A_1047, %dma_start3A_1048] : memref<10x8x125xi32, #tpu.memory_space<vmem>> -> memref<1x1x125xi32, #tpu.memory_space<vmem>>
    %dma_start3A_1050 = tpu.memref_squeeze %dma_start3A_1049 : memref<1x1x125xi32, #tpu.memory_space<vmem>> -> memref<125xi32, #tpu.memory_space<vmem>>
    %dma_start3A_1051 = arith.constant 0 : i32
    %dma_start3A_1052 = arith.constant 0 : i32
    %dma_start3A_1053 = tpu.memref_slice %arg2[%dma_start3A_1051, %dma_start3A_1052] : memref<10000x128xf32, #tpu.memory_space<hbm>> -> memref<10000x128xf32, #tpu.memory_space<hbm>>
    tpu.enqueue_indirect_dma source(%dma_start3A_1053 : memref<10000x128xf32, #tpu.memory_space<hbm>>) target(%arg8 : memref<125x128xf32, #tpu.memory_space<vmem>>) offsets(%dma_start3A_1050 : memref<125xi32, #tpu.memory_space<vmem>>) semaphore(%arg12 : memref<!tpu.dma_semaphore, #tpu.memory_space<semaphore_mem>>)
    %scan3A_1054 = arith.constant 0 : i32
    %scan3A_1055 = arith.constant 0 : i32
    %scan3A_1056 = arith.constant 5 : i32
    %scan3A_1057 = arith.addi %scan3A_1055, %scan3A_1056 : i32
    %scan3A_1058 = arith.constant 1 : i32
    scf.for %scan3A_1073 = %scan3A_1055 to %scan3A_1057 step %scan3A_1058  : i32 {
      %mul3A_1074 = arith.constant 2 : i32
      %mul3A_1075 = arith.muli %mul3A_1074, %scan3A_1073 : i32
      %add3A_1076 = arith.constant 1 : i32
      %add3A_1077 = arith.addi %mul3A_1075, %add3A_1076 : i32
      %dma_start3A_1078 = arith.constant 1 : i32
      %dma_start3A_1079 = arith.constant 0 : i32
      %dma_start3A_1080 = arith.constant 0 : i32
      %dma_start3A_1081 = tpu.memref_slice %arg3[%dma_start3A_1078, %add3A, %add3A_1077, %dma_start3A_1079, %dma_start3A_1080] : memref<2x32x10x8x125xi32, #tpu.memory_space<hbm>> -> memref<1x1x1x8x125xi32, #tpu.memory_space<hbm>>
      %dma_start3A_1082 = tpu.memref_squeeze %dma_start3A_1081 : memref<1x1x1x8x125xi32, #tpu.memory_space<hbm>> -> memref<8x125xi32, #tpu.memory_space<hbm>>
      %dma_start3A_1083 = arith.constant 0 : i32
      %dma_start3A_1084 = arith.constant 0 : i32
      %dma_start3A_1085 = tpu.memref_slice %arg3[%dma_start3A_1078, %add3A, %add3A_1077, %dma_start3A_1083, %dma_start3A_1084] : memref<2x32x10x8x125xi32, #tpu.memory_space<hbm>> -> memref<1x1x1x8x125xi32, #tpu.memory_space<hbm>>
      %dma_start3A_1086 = tpu.memref_squeeze %dma_start3A_1085 : memref<1x1x1x8x125xi32, #tpu.memory_space<hbm>> -> memref<8x125xi32, #tpu.memory_space<hbm>>
      tpu.enqueue_dma source(%dma_start3A_1086 : memref<8x125xi32, #tpu.memory_space<hbm>>) target(%arg7 : memref<8x125xi32, #tpu.memory_space<vmem>>) target_semaphore(%arg15 : memref<!tpu.dma_semaphore, #tpu.memory_space<semaphore_mem>>)
      %dma_start3A_1087 = arith.constant 1 : i32
      %dma_start3A_1088 = arith.constant 0 : i32
      %dma_start3A_1089 = tpu.memref_slice %arg5[%mul3A_1075, %dma_start3A_1087, %dma_start3A_1088] : memref<10x8x125xi32, #tpu.memory_space<vmem>> -> memref<1x1x125xi32, #tpu.memory_space<vmem>>
      %dma_start3A_1090 = tpu.memref_squeeze %dma_start3A_1089 : memref<1x1x125xi32, #tpu.memory_space<vmem>> -> memref<125xi32, #tpu.memory_space<vmem>>
      %dma_start3A_1091 = arith.constant 0 : i32
      %dma_start3A_1092 = arith.constant 0 : i32
      %dma_start3A_1093 = tpu.memref_slice %arg2[%dma_start3A_1091, %dma_start3A_1092] : memref<10000x128xf32, #tpu.memory_space<hbm>> -> memref<10000x128xf32, #tpu.memory_space<hbm>>
      tpu.enqueue_indirect_dma source(%dma_start3A_1093 : memref<10000x128xf32, #tpu.memory_space<hbm>>) target(%arg9 : memref<125x128xf32, #tpu.memory_space<vmem>>) offsets(%dma_start3A_1090 : memref<125xi32, #tpu.memory_space<vmem>>) semaphore(%arg13 : memref<!tpu.dma_semaphore, #tpu.memory_space<semaphore_mem>>)
      %dma_wait3A_1094 = arith.constant 0 : i32
      %dma_wait3A_1095 = arith.constant 0 : i32
      %dma_wait3A_1096 = tpu.memref_slice %arg5[%mul3A_1075, %dma_wait3A_1094, %dma_wait3A_1095] : memref<10x8x125xi32, #tpu.memory_space<vmem>> -> memref<1x1x125xi32, #tpu.memory_space<vmem>>
      %dma_wait3A_1097 = tpu.memref_squeeze %dma_wait3A_1096 : memref<1x1x125xi32, #tpu.memory_space<vmem>> -> memref<125xi32, #tpu.memory_space<vmem>>
      %dma_wait3A_1098 = arith.constant 0 : i32
      %dma_wait3A_1099 = arith.constant 0 : i32
      %dma_wait3A_1100 = tpu.memref_slice %arg2[%dma_wait3A_1098, %dma_wait3A_1099] : memref<10000x128xf32, #tpu.memory_space<hbm>> -> memref<10000x128xf32, #tpu.memory_space<hbm>>
      tpu.wait_indirect_dma semaphore(%arg12 : memref<!tpu.dma_semaphore, #tpu.memory_space<semaphore_mem>>) src(%dma_wait3A_1100 : memref<10000x128xf32, #tpu.memory_space<hbm>>) dst(%arg8 : memref<125x128xf32, #tpu.memory_space<vmem>>)
      %run_scoped3A_1101 = arith.constant 0 : i32
      "tpu.region"() ({
        %run_scoped3A_1373 = tpu.sem_alloc : memref<!tpu.dma_semaphore, #tpu.memory_space<semaphore_mem>>
        %dma_start3A_1374 = arith.constant 0 : i32
        %dma_start3A_1375 = tpu.memref_slice %arg6[%run_scoped3A_1101, %dma_start3A_1374] : memref<8x125xi32, #tpu.memory_space<vmem>> -> memref<1x125xi32, #tpu.memory_space<vmem>>
        %dma_start3A_1376 = tpu.memref_squeeze %dma_start3A_1375 : memref<1x125xi32, #tpu.memory_space<vmem>> -> memref<125xi32, #tpu.memory_space<vmem>>
        %dma_start3A_1377 = arith.constant 0 : i32
        %dma_start3A_1378 = arith.constant 0 : i32
        %dma_start3A_1379 = tpu.memref_slice %arg11[%dma_start3A_1377, %dma_start3A_1378] : memref<10240x128xf32, #tpu.memory_space<vmem_shared>> -> memref<10240x128xf32, #tpu.memory_space<vmem_shared>>
        tpu.enqueue_indirect_dma source(%arg8 : memref<125x128xf32, #tpu.memory_space<vmem>>) target(%dma_start3A_1379 : memref<10240x128xf32, #tpu.memory_space<vmem_shared>>) offsets(%dma_start3A_1376 : memref<125xi32, #tpu.memory_space<vmem>>) semaphore(%run_scoped3A_1373 : memref<!tpu.dma_semaphore, #tpu.memory_space<semaphore_mem>>) {add = true}
        %dma_wait3A_1380 = arith.constant 0 : i32
        %dma_wait3A_1381 = tpu.memref_slice %arg6[%run_scoped3A_1101, %dma_wait3A_1380] : memref<8x125xi32, #tpu.memory_space<vmem>> -> memref<1x125xi32, #tpu.memory_space<vmem>>
        %dma_wait3A_1382 = tpu.memref_squeeze %dma_wait3A_1381 : memref<1x125xi32, #tpu.memory_space<vmem>> -> memref<125xi32, #tpu.memory_space<vmem>>
        %dma_wait3A_1383 = arith.constant 0 : i32
        %dma_wait3A_1384 = arith.constant 0 : i32
        %dma_wait3A_1385 = tpu.memref_slice %arg11[%dma_wait3A_1383, %dma_wait3A_1384] : memref<10240x128xf32, #tpu.memory_space<vmem_shared>> -> memref<10240x128xf32, #tpu.memory_space<vmem_shared>>
        tpu.wait_indirect_dma semaphore(%run_scoped3A_1373 : memref<!tpu.dma_semaphore, #tpu.memory_space<semaphore_mem>>) src(%arg8 : memref<125x128xf32, #tpu.memory_space<vmem>>) dst(%dma_wait3A_1385 : memref<10240x128xf32, #tpu.memory_space<vmem_shared>>)
        tpu.yield
      }) : () -> ()
      %dma_start3A_1102 = arith.constant 2 : i32
      %dma_start3A_1103 = arith.constant 0 : i32
      %dma_start3A_1104 = tpu.memref_slice %arg5[%mul3A_1075, %dma_start3A_1102, %dma_start3A_1103] : memref<10x8x125xi32, #tpu.memory_space<vmem>> -> memref<1x1x125xi32, #tpu.memory_space<vmem>>
      %dma_start3A_1105 = tpu.memref_squeeze %dma_start3A_1104 : memref<1x1x125xi32, #tpu.memory_space<vmem>> -> memref<125xi32, #tpu.memory_space<vmem>>
      %dma_start3A_1106 = arith.constant 0 : i32
      %dma_start3A_1107 = arith.constant 0 : i32
      %dma_start3A_1108 = tpu.memref_slice %arg2[%dma_start3A_1106, %dma_start3A_1107] : memref<10000x128xf32, #tpu.memory_space<hbm>> -> memref<10000x128xf32, #tpu.memory_space<hbm>>
      tpu.enqueue_indirect_dma source(%dma_start3A_1108 : memref<10000x128xf32, #tpu.memory_space<hbm>>) target(%arg8 : memref<125x128xf32, #tpu.memory_space<vmem>>) offsets(%dma_start3A_1105 : memref<125xi32, #tpu.memory_space<vmem>>) semaphore(%arg12 : memref<!tpu.dma_semaphore, #tpu.memory_space<semaphore_mem>>)
      %dma_wait3A_1109 = arith.constant 1 : i32
      %dma_wait3A_1110 = arith.constant 0 : i32
      %dma_wait3A_1111 = tpu.memref_slice %arg5[%mul3A_1075, %dma_wait3A_1109, %dma_wait3A_1110] : memref<10x8x125xi32, #tpu.memory_space<vmem>> -> memref<1x1x125xi32, #tpu.memory_space<vmem>>
      %dma_wait3A_1112 = tpu.memref_squeeze %dma_wait3A_1111 : memref<1x1x125xi32, #tpu.memory_space<vmem>> -> memref<125xi32, #tpu.memory_space<vmem>>
      %dma_wait3A_1113 = arith.constant 0 : i32
      %dma_wait3A_1114 = arith.constant 0 : i32
      %dma_wait3A_1115 = tpu.memref_slice %arg2[%dma_wait3A_1113, %dma_wait3A_1114] : memref<10000x128xf32, #tpu.memory_space<hbm>> -> memref<10000x128xf32, #tpu.memory_space<hbm>>
      tpu.wait_indirect_dma semaphore(%arg13 : memref<!tpu.dma_semaphore, #tpu.memory_space<semaphore_mem>>) src(%dma_wait3A_1115 : memref<10000x128xf32, #tpu.memory_space<hbm>>) dst(%arg9 : memref<125x128xf32, #tpu.memory_space<vmem>>)
      %run_scoped3A_1116 = arith.constant 1 : i32
      "tpu.region"() ({
        %run_scoped3A_1373 = tpu.sem_alloc : memref<!tpu.dma_semaphore, #tpu.memory_space<semaphore_mem>>
        %dma_start3A_1374 = arith.constant 0 : i32
        %dma_start3A_1375 = tpu.memref_slice %arg6[%run_scoped3A_1116, %dma_start3A_1374] : memref<8x125xi32, #tpu.memory_space<vmem>> -> memref<1x125xi32, #tpu.memory_space<vmem>>
        %dma_start3A_1376 = tpu.memref_squeeze %dma_start3A_1375 : memref<1x125xi32, #tpu.memory_space<vmem>> -> memref<125xi32, #tpu.memory_space<vmem>>
        %dma_start3A_1377 = arith.constant 0 : i32
        %dma_start3A_1378 = arith.constant 0 : i32
        %dma_start3A_1379 = tpu.memref_slice %arg11[%dma_start3A_1377, %dma_start3A_1378] : memref<10240x128xf32, #tpu.memory_space<vmem_shared>> -> memref<10240x128xf32, #tpu.memory_space<vmem_shared>>
        tpu.enqueue_indirect_dma source(%arg9 : memref<125x128xf32, #tpu.memory_space<vmem>>) target(%dma_start3A_1379 : memref<10240x128xf32, #tpu.memory_space<vmem_shared>>) offsets(%dma_start3A_1376 : memref<125xi32, #tpu.memory_space<vmem>>) semaphore(%run_scoped3A_1373 : memref<!tpu.dma_semaphore, #tpu.memory_space<semaphore_mem>>) {add = true}
        %dma_wait3A_1380 = arith.constant 0 : i32
        %dma_wait3A_1381 = tpu.memref_slice %arg6[%run_scoped3A_1116, %dma_wait3A_1380] : memref<8x125xi32, #tpu.memory_space<vmem>> -> memref<1x125xi32, #tpu.memory_space<vmem>>
        %dma_wait3A_1382 = tpu.memref_squeeze %dma_wait3A_1381 : memref<1x125xi32, #tpu.memory_space<vmem>> -> memref<125xi32, #tpu.memory_space<vmem>>
        %dma_wait3A_1383 = arith.constant 0 : i32
        %dma_wait3A_1384 = arith.constant 0 : i32
        %dma_wait3A_1385 = tpu.memref_slice %arg11[%dma_wait3A_1383, %dma_wait3A_1384] : memref<10240x128xf32, #tpu.memory_space<vmem_shared>> -> memref<10240x128xf32, #tpu.memory_space<vmem_shared>>
        tpu.wait_indirect_dma semaphore(%run_scoped3A_1373 : memref<!tpu.dma_semaphore, #tpu.memory_space<semaphore_mem>>) src(%arg9 : memref<125x128xf32, #tpu.memory_space<vmem>>) dst(%dma_wait3A_1385 : memref<10240x128xf32, #tpu.memory_space<vmem_shared>>)
        tpu.yield
      }) : () -> ()
      %dma_start3A_1117 = arith.constant 3 : i32
      %dma_start3A_1118 = arith.constant 0 : i32
      %dma_start3A_1119 = tpu.memref_slice %arg5[%mul3A_1075, %dma_start3A_1117, %dma_start3A_1118] : memref<10x8x125xi32, #tpu.memory_space<vmem>> -> memref<1x1x125xi32, #tpu.memory_space<vmem>>
      %dma_start3A_1120 = tpu.memref_squeeze %dma_start3A_1119 : memref<1x1x125xi32, #tpu.memory_space<vmem>> -> memref<125xi32, #tpu.memory_space<vmem>>
      %dma_start3A_1121 = arith.constant 0 : i32
      %dma_start3A_1122 = arith.constant 0 : i32
      %dma_start3A_1123 = tpu.memref_slice %arg2[%dma_start3A_1121, %dma_start3A_1122] : memref<10000x128xf32, #tpu.memory_space<hbm>> -> memref<10000x128xf32, #tpu.memory_space<hbm>>
      tpu.enqueue_indirect_dma source(%dma_start3A_1123 : memref<10000x128xf32, #tpu.memory_space<hbm>>) target(%arg9 : memref<125x128xf32, #tpu.memory_space<vmem>>) offsets(%dma_start3A_1120 : memref<125xi32, #tpu.memory_space<vmem>>) semaphore(%arg13 : memref<!tpu.dma_semaphore, #tpu.memory_space<semaphore_mem>>)
      %dma_wait3A_1124 = arith.constant 2 : i32
      %dma_wait3A_1125 = arith.constant 0 : i32
      %dma_wait3A_1126 = tpu.memref_slice %arg5[%mul3A_1075, %dma_wait3A_1124, %dma_wait3A_1125] : memref<10x8x125xi32, #tpu.memory_space<vmem>> -> memref<1x1x125xi32, #tpu.memory_space<vmem>>
      %dma_wait3A_1127 = tpu.memref_squeeze %dma_wait3A_1126 : memref<1x1x125xi32, #tpu.memory_space<vmem>> -> memref<125xi32, #tpu.memory_space<vmem>>
      %dma_wait3A_1128 = arith.constant 0 : i32
      %dma_wait3A_1129 = arith.constant 0 : i32
      %dma_wait3A_1130 = tpu.memref_slice %arg2[%dma_wait3A_1128, %dma_wait3A_1129] : memref<10000x128xf32, #tpu.memory_space<hbm>> -> memref<10000x128xf32, #tpu.memory_space<hbm>>
      tpu.wait_indirect_dma semaphore(%arg12 : memref<!tpu.dma_semaphore, #tpu.memory_space<semaphore_mem>>) src(%dma_wait3A_1130 : memref<10000x128xf32, #tpu.memory_space<hbm>>) dst(%arg8 : memref<125x128xf32, #tpu.memory_space<vmem>>)
      %run_scoped3A_1131 = arith.constant 2 : i32
      "tpu.region"() ({
        %run_scoped3A_1373 = tpu.sem_alloc : memref<!tpu.dma_semaphore, #tpu.memory_space<semaphore_mem>>
        %dma_start3A_1374 = arith.constant 0 : i32
        %dma_start3A_1375 = tpu.memref_slice %arg6[%run_scoped3A_1131, %dma_start3A_1374] : memref<8x125xi32, #tpu.memory_space<vmem>> -> memref<1x125xi32, #tpu.memory_space<vmem>>
        %dma_start3A_1376 = tpu.memref_squeeze %dma_start3A_1375 : memref<1x125xi32, #tpu.memory_space<vmem>> -> memref<125xi32, #tpu.memory_space<vmem>>
        %dma_start3A_1377 = arith.constant 0 : i32
        %dma_start3A_1378 = arith.constant 0 : i32
        %dma_start3A_1379 = tpu.memref_slice %arg11[%dma_start3A_1377, %dma_start3A_1378] : memref<10240x128xf32, #tpu.memory_space<vmem_shared>> -> memref<10240x128xf32, #tpu.memory_space<vmem_shared>>
        tpu.enqueue_indirect_dma source(%arg8 : memref<125x128xf32, #tpu.memory_space<vmem>>) target(%dma_start3A_1379 : memref<10240x128xf32, #tpu.memory_space<vmem_shared>>) offsets(%dma_start3A_1376 : memref<125xi32, #tpu.memory_space<vmem>>) semaphore(%run_scoped3A_1373 : memref<!tpu.dma_semaphore, #tpu.memory_space<semaphore_mem>>) {add = true}
        %dma_wait3A_1380 = arith.constant 0 : i32
        %dma_wait3A_1381 = tpu.memref_slice %arg6[%run_scoped3A_1131, %dma_wait3A_1380] : memref<8x125xi32, #tpu.memory_space<vmem>> -> memref<1x125xi32, #tpu.memory_space<vmem>>
        %dma_wait3A_1382 = tpu.memref_squeeze %dma_wait3A_1381 : memref<1x125xi32, #tpu.memory_space<vmem>> -> memref<125xi32, #tpu.memory_space<vmem>>
        %dma_wait3A_1383 = arith.constant 0 : i32
        %dma_wait3A_1384 = arith.constant 0 : i32
        %dma_wait3A_1385 = tpu.memref_slice %arg11[%dma_wait3A_1383, %dma_wait3A_1384] : memref<10240x128xf32, #tpu.memory_space<vmem_shared>> -> memref<10240x128xf32, #tpu.memory_space<vmem_shared>>
        tpu.wait_indirect_dma semaphore(%run_scoped3A_1373 : memref<!tpu.dma_semaphore, #tpu.memory_space<semaphore_mem>>) src(%arg8 : memref<125x128xf32, #tpu.memory_space<vmem>>) dst(%dma_wait3A_1385 : memref<10240x128xf32, #tpu.memory_space<vmem_shared>>)
        tpu.yield
      }) : () -> ()
      %dma_start3A_1132 = arith.constant 4 : i32
      %dma_start3A_1133 = arith.constant 0 : i32
      %dma_start3A_1134 = tpu.memref_slice %arg5[%mul3A_1075, %dma_start3A_1132, %dma_start3A_1133] : memref<10x8x125xi32, #tpu.memory_space<vmem>> -> memref<1x1x125xi32, #tpu.memory_space<vmem>>
      %dma_start3A_1135 = tpu.memref_squeeze %dma_start3A_1134 : memref<1x1x125xi32, #tpu.memory_space<vmem>> -> memref<125xi32, #tpu.memory_space<vmem>>
      %dma_start3A_1136 = arith.constant 0 : i32
      %dma_start3A_1137 = arith.constant 0 : i32
      %dma_start3A_1138 = tpu.memref_slice %arg2[%dma_start3A_1136, %dma_start3A_1137] : memref<10000x128xf32, #tpu.memory_space<hbm>> -> memref<10000x128xf32, #tpu.memory_space<hbm>>
      tpu.enqueue_indirect_dma source(%dma_start3A_1138 : memref<10000x128xf32, #tpu.memory_space<hbm>>) target(%arg8 : memref<125x128xf32, #tpu.memory_space<vmem>>) offsets(%dma_start3A_1135 : memref<125xi32, #tpu.memory_space<vmem>>) semaphore(%arg12 : memref<!tpu.dma_semaphore, #tpu.memory_space<semaphore_mem>>)
      %dma_wait3A_1139 = arith.constant 3 : i32
      %dma_wait3A_1140 = arith.constant 0 : i32
      %dma_wait3A_1141 = tpu.memref_slice %arg5[%mul3A_1075, %dma_wait3A_1139, %dma_wait3A_1140] : memref<10x8x125xi32, #tpu.memory_space<vmem>> -> memref<1x1x125xi32, #tpu.memory_space<vmem>>
      %dma_wait3A_1142 = tpu.memref_squeeze %dma_wait3A_1141 : memref<1x1x125xi32, #tpu.memory_space<vmem>> -> memref<125xi32, #tpu.memory_space<vmem>>
      %dma_wait3A_1143 = arith.constant 0 : i32
      %dma_wait3A_1144 = arith.constant 0 : i32
      %dma_wait3A_1145 = tpu.memref_slice %arg2[%dma_wait3A_1143, %dma_wait3A_1144] : memref<10000x128xf32, #tpu.memory_space<hbm>> -> memref<10000x128xf32, #tpu.memory_space<hbm>>
      tpu.wait_indirect_dma semaphore(%arg13 : memref<!tpu.dma_semaphore, #tpu.memory_space<semaphore_mem>>) src(%dma_wait3A_1145 : memref<10000x128xf32, #tpu.memory_space<hbm>>) dst(%arg9 : memref<125x128xf32, #tpu.memory_space<vmem>>)
      %run_scoped3A_1146 = arith.constant 3 : i32
      "tpu.region"() ({
        %run_scoped3A_1373 = tpu.sem_alloc : memref<!tpu.dma_semaphore, #tpu.memory_space<semaphore_mem>>
        %dma_start3A_1374 = arith.constant 0 : i32
        %dma_start3A_1375 = tpu.memref_slice %arg6[%run_scoped3A_1146, %dma_start3A_1374] : memref<8x125xi32, #tpu.memory_space<vmem>> -> memref<1x125xi32, #tpu.memory_space<vmem>>
        %dma_start3A_1376 = tpu.memref_squeeze %dma_start3A_1375 : memref<1x125xi32, #tpu.memory_space<vmem>> -> memref<125xi32, #tpu.memory_space<vmem>>
        %dma_start3A_1377 = arith.constant 0 : i32
        %dma_start3A_1378 = arith.constant 0 : i32
        %dma_start3A_1379 = tpu.memref_slice %arg11[%dma_start3A_1377, %dma_start3A_1378] : memref<10240x128xf32, #tpu.memory_space<vmem_shared>> -> memref<10240x128xf32, #tpu.memory_space<vmem_shared>>
        tpu.enqueue_indirect_dma source(%arg9 : memref<125x128xf32, #tpu.memory_space<vmem>>) target(%dma_start3A_1379 : memref<10240x128xf32, #tpu.memory_space<vmem_shared>>) offsets(%dma_start3A_1376 : memref<125xi32, #tpu.memory_space<vmem>>) semaphore(%run_scoped3A_1373 : memref<!tpu.dma_semaphore, #tpu.memory_space<semaphore_mem>>) {add = true}
        %dma_wait3A_1380 = arith.constant 0 : i32
        %dma_wait3A_1381 = tpu.memref_slice %arg6[%run_scoped3A_1146, %dma_wait3A_1380] : memref<8x125xi32, #tpu.memory_space<vmem>> -> memref<1x125xi32, #tpu.memory_space<vmem>>
        %dma_wait3A_1382 = tpu.memref_squeeze %dma_wait3A_1381 : memref<1x125xi32, #tpu.memory_space<vmem>> -> memref<125xi32, #tpu.memory_space<vmem>>
        %dma_wait3A_1383 = arith.constant 0 : i32
        %dma_wait3A_1384 = arith.constant 0 : i32
        %dma_wait3A_1385 = tpu.memref_slice %arg11[%dma_wait3A_1383, %dma_wait3A_1384] : memref<10240x128xf32, #tpu.memory_space<vmem_shared>> -> memref<10240x128xf32, #tpu.memory_space<vmem_shared>>
        tpu.wait_indirect_dma semaphore(%run_scoped3A_1373 : memref<!tpu.dma_semaphore, #tpu.memory_space<semaphore_mem>>) src(%arg9 : memref<125x128xf32, #tpu.memory_space<vmem>>) dst(%dma_wait3A_1385 : memref<10240x128xf32, #tpu.memory_space<vmem_shared>>)
        tpu.yield
      }) : () -> ()
      %dma_start3A_1147 = arith.constant 5 : i32
      %dma_start3A_1148 = arith.constant 0 : i32
      %dma_start3A_1149 = tpu.memref_slice %arg5[%mul3A_1075, %dma_start3A_1147, %dma_start3A_1148] : memref<10x8x125xi32, #tpu.memory_space<vmem>> -> memref<1x1x125xi32, #tpu.memory_space<vmem>>
      %dma_start3A_1150 = tpu.memref_squeeze %dma_start3A_1149 : memref<1x1x125xi32, #tpu.memory_space<vmem>> -> memref<125xi32, #tpu.memory_space<vmem>>
      %dma_start3A_1151 = arith.constant 0 : i32
      %dma_start3A_1152 = arith.constant 0 : i32
      %dma_start3A_1153 = tpu.memref_slice %arg2[%dma_start3A_1151, %dma_start3A_1152] : memref<10000x128xf32, #tpu.memory_space<hbm>> -> memref<10000x128xf32, #tpu.memory_space<hbm>>
      tpu.enqueue_indirect_dma source(%dma_start3A_1153 : memref<10000x128xf32, #tpu.memory_space<hbm>>) target(%arg9 : memref<125x128xf32, #tpu.memory_space<vmem>>) offsets(%dma_start3A_1150 : memref<125xi32, #tpu.memory_space<vmem>>) semaphore(%arg13 : memref<!tpu.dma_semaphore, #tpu.memory_space<semaphore_mem>>)
      %dma_wait3A_1154 = arith.constant 4 : i32
      %dma_wait3A_1155 = arith.constant 0 : i32
      %dma_wait3A_1156 = tpu.memref_slice %arg5[%mul3A_1075, %dma_wait3A_1154, %dma_wait3A_1155] : memref<10x8x125xi32, #tpu.memory_space<vmem>> -> memref<1x1x125xi32, #tpu.memory_space<vmem>>
      %dma_wait3A_1157 = tpu.memref_squeeze %dma_wait3A_1156 : memref<1x1x125xi32, #tpu.memory_space<vmem>> -> memref<125xi32, #tpu.memory_space<vmem>>
      %dma_wait3A_1158 = arith.constant 0 : i32
      %dma_wait3A_1159 = arith.constant 0 : i32
      %dma_wait3A_1160 = tpu.memref_slice %arg2[%dma_wait3A_1158, %dma_wait3A_1159] : memref<10000x128xf32, #tpu.memory_space<hbm>> -> memref<10000x128xf32, #tpu.memory_space<hbm>>
      tpu.wait_indirect_dma semaphore(%arg12 : memref<!tpu.dma_semaphore, #tpu.memory_space<semaphore_mem>>) src(%dma_wait3A_1160 : memref<10000x128xf32, #tpu.memory_space<hbm>>) dst(%arg8 : memref<125x128xf32, #tpu.memory_space<vmem>>)
      %run_scoped3A_1161 = arith.constant 4 : i32
      "tpu.region"() ({
        %run_scoped3A_1373 = tpu.sem_alloc : memref<!tpu.dma_semaphore, #tpu.memory_space<semaphore_mem>>
        %dma_start3A_1374 = arith.constant 0 : i32
        %dma_start3A_1375 = tpu.memref_slice %arg6[%run_scoped3A_1161, %dma_start3A_1374] : memref<8x125xi32, #tpu.memory_space<vmem>> -> memref<1x125xi32, #tpu.memory_space<vmem>>
        %dma_start3A_1376 = tpu.memref_squeeze %dma_start3A_1375 : memref<1x125xi32, #tpu.memory_space<vmem>> -> memref<125xi32, #tpu.memory_space<vmem>>
        %dma_start3A_1377 = arith.constant 0 : i32
        %dma_start3A_1378 = arith.constant 0 : i32
        %dma_start3A_1379 = tpu.memref_slice %arg11[%dma_start3A_1377, %dma_start3A_1378] : memref<10240x128xf32, #tpu.memory_space<vmem_shared>> -> memref<10240x128xf32, #tpu.memory_space<vmem_shared>>
        tpu.enqueue_indirect_dma source(%arg8 : memref<125x128xf32, #tpu.memory_space<vmem>>) target(%dma_start3A_1379 : memref<10240x128xf32, #tpu.memory_space<vmem_shared>>) offsets(%dma_start3A_1376 : memref<125xi32, #tpu.memory_space<vmem>>) semaphore(%run_scoped3A_1373 : memref<!tpu.dma_semaphore, #tpu.memory_space<semaphore_mem>>) {add = true}
        %dma_wait3A_1380 = arith.constant 0 : i32
        %dma_wait3A_1381 = tpu.memref_slice %arg6[%run_scoped3A_1161, %dma_wait3A_1380] : memref<8x125xi32, #tpu.memory_space<vmem>> -> memref<1x125xi32, #tpu.memory_space<vmem>>
        %dma_wait3A_1382 = tpu.memref_squeeze %dma_wait3A_1381 : memref<1x125xi32, #tpu.memory_space<vmem>> -> memref<125xi32, #tpu.memory_space<vmem>>
        %dma_wait3A_1383 = arith.constant 0 : i32
        %dma_wait3A_1384 = arith.constant 0 : i32
        %dma_wait3A_1385 = tpu.memref_slice %arg11[%dma_wait3A_1383, %dma_wait3A_1384] : memref<10240x128xf32, #tpu.memory_space<vmem_shared>> -> memref<10240x128xf32, #tpu.memory_space<vmem_shared>>
        tpu.wait_indirect_dma semaphore(%run_scoped3A_1373 : memref<!tpu.dma_semaphore, #tpu.memory_space<semaphore_mem>>) src(%arg8 : memref<125x128xf32, #tpu.memory_space<vmem>>) dst(%dma_wait3A_1385 : memref<10240x128xf32, #tpu.memory_space<vmem_shared>>)
        tpu.yield
      }) : () -> ()
      %dma_start3A_1162 = arith.constant 6 : i32
      %dma_start3A_1163 = arith.constant 0 : i32
      %dma_start3A_1164 = tpu.memref_slice %arg5[%mul3A_1075, %dma_start3A_1162, %dma_start3A_1163] : memref<10x8x125xi32, #tpu.memory_space<vmem>> -> memref<1x1x125xi32, #tpu.memory_space<vmem>>
      %dma_start3A_1165 = tpu.memref_squeeze %dma_start3A_1164 : memref<1x1x125xi32, #tpu.memory_space<vmem>> -> memref<125xi32, #tpu.memory_space<vmem>>
      %dma_start3A_1166 = arith.constant 0 : i32
      %dma_start3A_1167 = arith.constant 0 : i32
      %dma_start3A_1168 = tpu.memref_slice %arg2[%dma_start3A_1166, %dma_start3A_1167] : memref<10000x128xf32, #tpu.memory_space<hbm>> -> memref<10000x128xf32, #tpu.memory_space<hbm>>
      tpu.enqueue_indirect_dma source(%dma_start3A_1168 : memref<10000x128xf32, #tpu.memory_space<hbm>>) target(%arg8 : memref<125x128xf32, #tpu.memory_space<vmem>>) offsets(%dma_start3A_1165 : memref<125xi32, #tpu.memory_space<vmem>>) semaphore(%arg12 : memref<!tpu.dma_semaphore, #tpu.memory_space<semaphore_mem>>)
      %dma_wait3A_1169 = arith.constant 5 : i32
      %dma_wait3A_1170 = arith.constant 0 : i32
      %dma_wait3A_1171 = tpu.memref_slice %arg5[%mul3A_1075, %dma_wait3A_1169, %dma_wait3A_1170] : memref<10x8x125xi32, #tpu.memory_space<vmem>> -> memref<1x1x125xi32, #tpu.memory_space<vmem>>
      %dma_wait3A_1172 = tpu.memref_squeeze %dma_wait3A_1171 : memref<1x1x125xi32, #tpu.memory_space<vmem>> -> memref<125xi32, #tpu.memory_space<vmem>>
      %dma_wait3A_1173 = arith.constant 0 : i32
      %dma_wait3A_1174 = arith.constant 0 : i32
      %dma_wait3A_1175 = tpu.memref_slice %arg2[%dma_wait3A_1173, %dma_wait3A_1174] : memref<10000x128xf32, #tpu.memory_space<hbm>> -> memref<10000x128xf32, #tpu.memory_space<hbm>>
      tpu.wait_indirect_dma semaphore(%arg13 : memref<!tpu.dma_semaphore, #tpu.memory_space<semaphore_mem>>) src(%dma_wait3A_1175 : memref<10000x128xf32, #tpu.memory_space<hbm>>) dst(%arg9 : memref<125x128xf32, #tpu.memory_space<vmem>>)
      %run_scoped3A_1176 = arith.constant 5 : i32
      "tpu.region"() ({
        %run_scoped3A_1373 = tpu.sem_alloc : memref<!tpu.dma_semaphore, #tpu.memory_space<semaphore_mem>>
        %dma_start3A_1374 = arith.constant 0 : i32
        %dma_start3A_1375 = tpu.memref_slice %arg6[%run_scoped3A_1176, %dma_start3A_1374] : memref<8x125xi32, #tpu.memory_space<vmem>> -> memref<1x125xi32, #tpu.memory_space<vmem>>
        %dma_start3A_1376 = tpu.memref_squeeze %dma_start3A_1375 : memref<1x125xi32, #tpu.memory_space<vmem>> -> memref<125xi32, #tpu.memory_space<vmem>>
        %dma_start3A_1377 = arith.constant 0 : i32
        %dma_start3A_1378 = arith.constant 0 : i32
        %dma_start3A_1379 = tpu.memref_slice %arg11[%dma_start3A_1377, %dma_start3A_1378] : memref<10240x128xf32, #tpu.memory_space<vmem_shared>> -> memref<10240x128xf32, #tpu.memory_space<vmem_shared>>
        tpu.enqueue_indirect_dma source(%arg9 : memref<125x128xf32, #tpu.memory_space<vmem>>) target(%dma_start3A_1379 : memref<10240x128xf32, #tpu.memory_space<vmem_shared>>) offsets(%dma_start3A_1376 : memref<125xi32, #tpu.memory_space<vmem>>) semaphore(%run_scoped3A_1373 : memref<!tpu.dma_semaphore, #tpu.memory_space<semaphore_mem>>) {add = true}
        %dma_wait3A_1380 = arith.constant 0 : i32
        %dma_wait3A_1381 = tpu.memref_slice %arg6[%run_scoped3A_1176, %dma_wait3A_1380] : memref<8x125xi32, #tpu.memory_space<vmem>> -> memref<1x125xi32, #tpu.memory_space<vmem>>
        %dma_wait3A_1382 = tpu.memref_squeeze %dma_wait3A_1381 : memref<1x125xi32, #tpu.memory_space<vmem>> -> memref<125xi32, #tpu.memory_space<vmem>>
        %dma_wait3A_1383 = arith.constant 0 : i32
        %dma_wait3A_1384 = arith.constant 0 : i32
        %dma_wait3A_1385 = tpu.memref_slice %arg11[%dma_wait3A_1383, %dma_wait3A_1384] : memref<10240x128xf32, #tpu.memory_space<vmem_shared>> -> memref<10240x128xf32, #tpu.memory_space<vmem_shared>>
        tpu.wait_indirect_dma semaphore(%run_scoped3A_1373 : memref<!tpu.dma_semaphore, #tpu.memory_space<semaphore_mem>>) src(%arg9 : memref<125x128xf32, #tpu.memory_space<vmem>>) dst(%dma_wait3A_1385 : memref<10240x128xf32, #tpu.memory_space<vmem_shared>>)
        tpu.yield
      }) : () -> ()
      %dma_start3A_1177 = arith.constant 7 : i32
      %dma_start3A_1178 = arith.constant 0 : i32
      %dma_start3A_1179 = tpu.memref_slice %arg5[%mul3A_1075, %dma_start3A_1177, %dma_start3A_1178] : memref<10x8x125xi32, #tpu.memory_space<vmem>> -> memref<1x1x125xi32, #tpu.memory_space<vmem>>
      %dma_start3A_1180 = tpu.memref_squeeze %dma_start3A_1179 : memref<1x1x125xi32, #tpu.memory_space<vmem>> -> memref<125xi32, #tpu.memory_space<vmem>>
      %dma_start3A_1181 = arith.constant 0 : i32
      %dma_start3A_1182 = arith.constant 0 : i32
      %dma_start3A_1183 = tpu.memref_slice %arg2[%dma_start3A_1181, %dma_start3A_1182] : memref<10000x128xf32, #tpu.memory_space<hbm>> -> memref<10000x128xf32, #tpu.memory_space<hbm>>
      tpu.enqueue_indirect_dma source(%dma_start3A_1183 : memref<10000x128xf32, #tpu.memory_space<hbm>>) target(%arg9 : memref<125x128xf32, #tpu.memory_space<vmem>>) offsets(%dma_start3A_1180 : memref<125xi32, #tpu.memory_space<vmem>>) semaphore(%arg13 : memref<!tpu.dma_semaphore, #tpu.memory_space<semaphore_mem>>)
      %dma_wait3A_1184 = arith.constant 6 : i32
      %dma_wait3A_1185 = arith.constant 0 : i32
      %dma_wait3A_1186 = tpu.memref_slice %arg5[%mul3A_1075, %dma_wait3A_1184, %dma_wait3A_1185] : memref<10x8x125xi32, #tpu.memory_space<vmem>> -> memref<1x1x125xi32, #tpu.memory_space<vmem>>
      %dma_wait3A_1187 = tpu.memref_squeeze %dma_wait3A_1186 : memref<1x1x125xi32, #tpu.memory_space<vmem>> -> memref<125xi32, #tpu.memory_space<vmem>>
      %dma_wait3A_1188 = arith.constant 0 : i32
      %dma_wait3A_1189 = arith.constant 0 : i32
      %dma_wait3A_1190 = tpu.memref_slice %arg2[%dma_wait3A_1188, %dma_wait3A_1189] : memref<10000x128xf32, #tpu.memory_space<hbm>> -> memref<10000x128xf32, #tpu.memory_space<hbm>>
      tpu.wait_indirect_dma semaphore(%arg12 : memref<!tpu.dma_semaphore, #tpu.memory_space<semaphore_mem>>) src(%dma_wait3A_1190 : memref<10000x128xf32, #tpu.memory_space<hbm>>) dst(%arg8 : memref<125x128xf32, #tpu.memory_space<vmem>>)
      %run_scoped3A_1191 = arith.constant 6 : i32
      "tpu.region"() ({
        %run_scoped3A_1373 = tpu.sem_alloc : memref<!tpu.dma_semaphore, #tpu.memory_space<semaphore_mem>>
        %dma_start3A_1374 = arith.constant 0 : i32
        %dma_start3A_1375 = tpu.memref_slice %arg6[%run_scoped3A_1191, %dma_start3A_1374] : memref<8x125xi32, #tpu.memory_space<vmem>> -> memref<1x125xi32, #tpu.memory_space<vmem>>
        %dma_start3A_1376 = tpu.memref_squeeze %dma_start3A_1375 : memref<1x125xi32, #tpu.memory_space<vmem>> -> memref<125xi32, #tpu.memory_space<vmem>>
        %dma_start3A_1377 = arith.constant 0 : i32
        %dma_start3A_1378 = arith.constant 0 : i32
        %dma_start3A_1379 = tpu.memref_slice %arg11[%dma_start3A_1377, %dma_start3A_1378] : memref<10240x128xf32, #tpu.memory_space<vmem_shared>> -> memref<10240x128xf32, #tpu.memory_space<vmem_shared>>
        tpu.enqueue_indirect_dma source(%arg8 : memref<125x128xf32, #tpu.memory_space<vmem>>) target(%dma_start3A_1379 : memref<10240x128xf32, #tpu.memory_space<vmem_shared>>) offsets(%dma_start3A_1376 : memref<125xi32, #tpu.memory_space<vmem>>) semaphore(%run_scoped3A_1373 : memref<!tpu.dma_semaphore, #tpu.memory_space<semaphore_mem>>) {add = true}
        %dma_wait3A_1380 = arith.constant 0 : i32
        %dma_wait3A_1381 = tpu.memref_slice %arg6[%run_scoped3A_1191, %dma_wait3A_1380] : memref<8x125xi32, #tpu.memory_space<vmem>> -> memref<1x125xi32, #tpu.memory_space<vmem>>
        %dma_wait3A_1382 = tpu.memref_squeeze %dma_wait3A_1381 : memref<1x125xi32, #tpu.memory_space<vmem>> -> memref<125xi32, #tpu.memory_space<vmem>>
        %dma_wait3A_1383 = arith.constant 0 : i32
        %dma_wait3A_1384 = arith.constant 0 : i32
        %dma_wait3A_1385 = tpu.memref_slice %arg11[%dma_wait3A_1383, %dma_wait3A_1384] : memref<10240x128xf32, #tpu.memory_space<vmem_shared>> -> memref<10240x128xf32, #tpu.memory_space<vmem_shared>>
        tpu.wait_indirect_dma semaphore(%run_scoped3A_1373 : memref<!tpu.dma_semaphore, #tpu.memory_space<semaphore_mem>>) src(%arg8 : memref<125x128xf32, #tpu.memory_space<vmem>>) dst(%dma_wait3A_1385 : memref<10240x128xf32, #tpu.memory_space<vmem_shared>>)
        tpu.yield
      }) : () -> ()
      %add3A_1192 = arith.constant 1 : i32
      %add3A_1193 = arith.addi %mul3A_1075, %add3A_1192 : i32
      %min3A = arith.constant 9 : i32
      %min3A_1194 = arith.minsi %add3A_1193, %min3A : i32
      %dma_start3A_1195 = arith.constant 0 : i32
      %dma_start3A_1196 = arith.constant 0 : i32
      %dma_start3A_1197 = tpu.memref_slice %arg5[%min3A_1194, %dma_start3A_1195, %dma_start3A_1196] : memref<10x8x125xi32, #tpu.memory_space<vmem>> -> memref<1x1x125xi32, #tpu.memory_space<vmem>>
      %dma_start3A_1198 = tpu.memref_squeeze %dma_start3A_1197 : memref<1x1x125xi32, #tpu.memory_space<vmem>> -> memref<125xi32, #tpu.memory_space<vmem>>
      %dma_start3A_1199 = arith.constant 0 : i32
      %dma_start3A_1200 = arith.constant 0 : i32
      %dma_start3A_1201 = tpu.memref_slice %arg2[%dma_start3A_1199, %dma_start3A_1200] : memref<10000x128xf32, #tpu.memory_space<hbm>> -> memref<10000x128xf32, #tpu.memory_space<hbm>>
      tpu.enqueue_indirect_dma source(%dma_start3A_1201 : memref<10000x128xf32, #tpu.memory_space<hbm>>) target(%arg8 : memref<125x128xf32, #tpu.memory_space<vmem>>) offsets(%dma_start3A_1198 : memref<125xi32, #tpu.memory_space<vmem>>) semaphore(%arg12 : memref<!tpu.dma_semaphore, #tpu.memory_space<semaphore_mem>>)
      %dma_wait3A_1202 = arith.constant 7 : i32
      %dma_wait3A_1203 = arith.constant 0 : i32
      %dma_wait3A_1204 = tpu.memref_slice %arg5[%mul3A_1075, %dma_wait3A_1202, %dma_wait3A_1203] : memref<10x8x125xi32, #tpu.memory_space<vmem>> -> memref<1x1x125xi32, #tpu.memory_space<vmem>>
      %dma_wait3A_1205 = tpu.memref_squeeze %dma_wait3A_1204 : memref<1x1x125xi32, #tpu.memory_space<vmem>> -> memref<125xi32, #tpu.memory_space<vmem>>
      %dma_wait3A_1206 = arith.constant 0 : i32
      %dma_wait3A_1207 = arith.constant 0 : i32
      %dma_wait3A_1208 = tpu.memref_slice %arg2[%dma_wait3A_1206, %dma_wait3A_1207] : memref<10000x128xf32, #tpu.memory_space<hbm>> -> memref<10000x128xf32, #tpu.memory_space<hbm>>
      tpu.wait_indirect_dma semaphore(%arg13 : memref<!tpu.dma_semaphore, #tpu.memory_space<semaphore_mem>>) src(%dma_wait3A_1208 : memref<10000x128xf32, #tpu.memory_space<hbm>>) dst(%arg9 : memref<125x128xf32, #tpu.memory_space<vmem>>)
      %run_scoped3A_1209 = arith.constant 7 : i32
      "tpu.region"() ({
        %run_scoped3A_1373 = tpu.sem_alloc : memref<!tpu.dma_semaphore, #tpu.memory_space<semaphore_mem>>
        %dma_start3A_1374 = arith.constant 0 : i32
        %dma_start3A_1375 = tpu.memref_slice %arg6[%run_scoped3A_1209, %dma_start3A_1374] : memref<8x125xi32, #tpu.memory_space<vmem>> -> memref<1x125xi32, #tpu.memory_space<vmem>>
        %dma_start3A_1376 = tpu.memref_squeeze %dma_start3A_1375 : memref<1x125xi32, #tpu.memory_space<vmem>> -> memref<125xi32, #tpu.memory_space<vmem>>
        %dma_start3A_1377 = arith.constant 0 : i32
        %dma_start3A_1378 = arith.constant 0 : i32
        %dma_start3A_1379 = tpu.memref_slice %arg11[%dma_start3A_1377, %dma_start3A_1378] : memref<10240x128xf32, #tpu.memory_space<vmem_shared>> -> memref<10240x128xf32, #tpu.memory_space<vmem_shared>>
        tpu.enqueue_indirect_dma source(%arg9 : memref<125x128xf32, #tpu.memory_space<vmem>>) target(%dma_start3A_1379 : memref<10240x128xf32, #tpu.memory_space<vmem_shared>>) offsets(%dma_start3A_1376 : memref<125xi32, #tpu.memory_space<vmem>>) semaphore(%run_scoped3A_1373 : memref<!tpu.dma_semaphore, #tpu.memory_space<semaphore_mem>>) {add = true}
        %dma_wait3A_1380 = arith.constant 0 : i32
        %dma_wait3A_1381 = tpu.memref_slice %arg6[%run_scoped3A_1209, %dma_wait3A_1380] : memref<8x125xi32, #tpu.memory_space<vmem>> -> memref<1x125xi32, #tpu.memory_space<vmem>>
        %dma_wait3A_1382 = tpu.memref_squeeze %dma_wait3A_1381 : memref<1x125xi32, #tpu.memory_space<vmem>> -> memref<125xi32, #tpu.memory_space<vmem>>
        %dma_wait3A_1383 = arith.constant 0 : i32
        %dma_wait3A_1384 = arith.constant 0 : i32
        %dma_wait3A_1385 = tpu.memref_slice %arg11[%dma_wait3A_1383, %dma_wait3A_1384] : memref<10240x128xf32, #tpu.memory_space<vmem_shared>> -> memref<10240x128xf32, #tpu.memory_space<vmem_shared>>
        tpu.wait_indirect_dma semaphore(%run_scoped3A_1373 : memref<!tpu.dma_semaphore, #tpu.memory_space<semaphore_mem>>) src(%arg9 : memref<125x128xf32, #tpu.memory_space<vmem>>) dst(%dma_wait3A_1385 : memref<10240x128xf32, #tpu.memory_space<vmem_shared>>)
        tpu.yield
      }) : () -> ()
      %add3A_1210 = arith.constant 1 : i32
      %add3A_1211 = arith.addi %mul3A_1075, %add3A_1210 : i32
      %dma_wait3A_1212 = arith.constant 1 : i32
      %dma_wait3A_1213 = arith.constant 0 : i32
      %dma_wait3A_1214 = arith.constant 0 : i32
      %dma_wait3A_1215 = tpu.memref_slice %arg3[%dma_wait3A_1212, %add3A, %add3A_1211, %dma_wait3A_1213, %dma_wait3A_1214] : memref<2x32x10x8x125xi32, #tpu.memory_space<hbm>> -> memref<1x1x1x8x125xi32, #tpu.memory_space<hbm>>
      %dma_wait3A_1216 = tpu.memref_squeeze %dma_wait3A_1215 : memref<1x1x1x8x125xi32, #tpu.memory_space<hbm>> -> memref<8x125xi32, #tpu.memory_space<hbm>>
      %dma_wait3A_1217 = arith.constant 0 : i32
      %dma_wait3A_1218 = arith.constant 0 : i32
      %dma_wait3A_1219 = tpu.memref_slice %arg3[%dma_wait3A_1212, %add3A, %add3A_1211, %dma_wait3A_1217, %dma_wait3A_1218] : memref<2x32x10x8x125xi32, #tpu.memory_space<hbm>> -> memref<1x1x1x8x125xi32, #tpu.memory_space<hbm>>
      %dma_wait3A_1220 = tpu.memref_squeeze %dma_wait3A_1219 : memref<1x1x1x8x125xi32, #tpu.memory_space<hbm>> -> memref<8x125xi32, #tpu.memory_space<hbm>>
      tpu.wait_dma2 semaphore(%arg15 : memref<!tpu.dma_semaphore, #tpu.memory_space<semaphore_mem>>) src(%dma_wait3A_1220 : memref<8x125xi32, #tpu.memory_space<hbm>>) dst(%arg7 : memref<8x125xi32, #tpu.memory_space<vmem>>)
      %add3A_1221 = arith.constant 2 : i32
      %add3A_1222 = arith.addi %mul3A_1075, %add3A_1221 : i32
      %min3A_1223 = arith.constant 9 : i32
      %min3A_1224 = arith.minsi %add3A_1222, %min3A_1223 : i32
      %dma_start3A_1225 = arith.constant 1 : i32
      %dma_start3A_1226 = arith.constant 0 : i32
      %dma_start3A_1227 = arith.constant 0 : i32
      %dma_start3A_1228 = tpu.memref_slice %arg3[%dma_start3A_1225, %add3A, %min3A_1224, %dma_start3A_1226, %dma_start3A_1227] : memref<2x32x10x8x125xi32, #tpu.memory_space<hbm>> -> memref<1x1x1x8x125xi32, #tpu.memory_space<hbm>>
      %dma_start3A_1229 = tpu.memref_squeeze %dma_start3A_1228 : memref<1x1x1x8x125xi32, #tpu.memory_space<hbm>> -> memref<8x125xi32, #tpu.memory_space<hbm>>
      %dma_start3A_1230 = arith.constant 0 : i32
      %dma_start3A_1231 = arith.constant 0 : i32
      %dma_start3A_1232 = tpu.memref_slice %arg3[%dma_start3A_1225, %add3A, %min3A_1224, %dma_start3A_1230, %dma_start3A_1231] : memref<2x32x10x8x125xi32, #tpu.memory_space<hbm>> -> memref<1x1x1x8x125xi32, #tpu.memory_space<hbm>>
      %dma_start3A_1233 = tpu.memref_squeeze %dma_start3A_1232 : memref<1x1x1x8x125xi32, #tpu.memory_space<hbm>> -> memref<8x125xi32, #tpu.memory_space<hbm>>
      tpu.enqueue_dma source(%dma_start3A_1233 : memref<8x125xi32, #tpu.memory_space<hbm>>) target(%arg6 : memref<8x125xi32, #tpu.memory_space<vmem>>) target_semaphore(%arg14 : memref<!tpu.dma_semaphore, #tpu.memory_space<semaphore_mem>>)
      %add3A_1234 = arith.constant 1 : i32
      %add3A_1235 = arith.addi %mul3A_1075, %add3A_1234 : i32
      %dma_start3A_1236 = arith.constant 1 : i32
      %dma_start3A_1237 = arith.constant 0 : i32
      %dma_start3A_1238 = tpu.memref_slice %arg5[%add3A_1235, %dma_start3A_1236, %dma_start3A_1237] : memref<10x8x125xi32, #tpu.memory_space<vmem>> -> memref<1x1x125xi32, #tpu.memory_space<vmem>>
      %dma_start3A_1239 = tpu.memref_squeeze %dma_start3A_1238 : memref<1x1x125xi32, #tpu.memory_space<vmem>> -> memref<125xi32, #tpu.memory_space<vmem>>
      %dma_start3A_1240 = arith.constant 0 : i32
      %dma_start3A_1241 = arith.constant 0 : i32
      %dma_start3A_1242 = tpu.memref_slice %arg2[%dma_start3A_1240, %dma_start3A_1241] : memref<10000x128xf32, #tpu.memory_space<hbm>> -> memref<10000x128xf32, #tpu.memory_space<hbm>>
      tpu.enqueue_indirect_dma source(%dma_start3A_1242 : memref<10000x128xf32, #tpu.memory_space<hbm>>) target(%arg9 : memref<125x128xf32, #tpu.memory_space<vmem>>) offsets(%dma_start3A_1239 : memref<125xi32, #tpu.memory_space<vmem>>) semaphore(%arg13 : memref<!tpu.dma_semaphore, #tpu.memory_space<semaphore_mem>>)
      %dma_wait3A_1243 = arith.constant 0 : i32
      %dma_wait3A_1244 = arith.constant 0 : i32
      %dma_wait3A_1245 = tpu.memref_slice %arg5[%add3A_1235, %dma_wait3A_1243, %dma_wait3A_1244] : memref<10x8x125xi32, #tpu.memory_space<vmem>> -> memref<1x1x125xi32, #tpu.memory_space<vmem>>
      %dma_wait3A_1246 = tpu.memref_squeeze %dma_wait3A_1245 : memref<1x1x125xi32, #tpu.memory_space<vmem>> -> memref<125xi32, #tpu.memory_space<vmem>>
      %dma_wait3A_1247 = arith.constant 0 : i32
      %dma_wait3A_1248 = arith.constant 0 : i32
      %dma_wait3A_1249 = tpu.memref_slice %arg2[%dma_wait3A_1247, %dma_wait3A_1248] : memref<10000x128xf32, #tpu.memory_space<hbm>> -> memref<10000x128xf32, #tpu.memory_space<hbm>>
      tpu.wait_indirect_dma semaphore(%arg12 : memref<!tpu.dma_semaphore, #tpu.memory_space<semaphore_mem>>) src(%dma_wait3A_1249 : memref<10000x128xf32, #tpu.memory_space<hbm>>) dst(%arg8 : memref<125x128xf32, #tpu.memory_space<vmem>>)
      %run_scoped3A_1250 = arith.constant 0 : i32
      "tpu.region"() ({
        %run_scoped3A_1373 = tpu.sem_alloc : memref<!tpu.dma_semaphore, #tpu.memory_space<semaphore_mem>>
        %dma_start3A_1374 = arith.constant 0 : i32
        %dma_start3A_1375 = tpu.memref_slice %arg7[%run_scoped3A_1250, %dma_start3A_1374] : memref<8x125xi32, #tpu.memory_space<vmem>> -> memref<1x125xi32, #tpu.memory_space<vmem>>
        %dma_start3A_1376 = tpu.memref_squeeze %dma_start3A_1375 : memref<1x125xi32, #tpu.memory_space<vmem>> -> memref<125xi32, #tpu.memory_space<vmem>>
        %dma_start3A_1377 = arith.constant 0 : i32
        %dma_start3A_1378 = arith.constant 0 : i32
        %dma_start3A_1379 = tpu.memref_slice %arg11[%dma_start3A_1377, %dma_start3A_1378] : memref<10240x128xf32, #tpu.memory_space<vmem_shared>> -> memref<10240x128xf32, #tpu.memory_space<vmem_shared>>
        tpu.enqueue_indirect_dma source(%arg8 : memref<125x128xf32, #tpu.memory_space<vmem>>) target(%dma_start3A_1379 : memref<10240x128xf32, #tpu.memory_space<vmem_shared>>) offsets(%dma_start3A_1376 : memref<125xi32, #tpu.memory_space<vmem>>) semaphore(%run_scoped3A_1373 : memref<!tpu.dma_semaphore, #tpu.memory_space<semaphore_mem>>) {add = true}
        %dma_wait3A_1380 = arith.constant 0 : i32
        %dma_wait3A_1381 = tpu.memref_slice %arg7[%run_scoped3A_1250, %dma_wait3A_1380] : memref<8x125xi32, #tpu.memory_space<vmem>> -> memref<1x125xi32, #tpu.memory_space<vmem>>
        %dma_wait3A_1382 = tpu.memref_squeeze %dma_wait3A_1381 : memref<1x125xi32, #tpu.memory_space<vmem>> -> memref<125xi32, #tpu.memory_space<vmem>>
        %dma_wait3A_1383 = arith.constant 0 : i32
        %dma_wait3A_1384 = arith.constant 0 : i32
        %dma_wait3A_1385 = tpu.memref_slice %arg11[%dma_wait3A_1383, %dma_wait3A_1384] : memref<10240x128xf32, #tpu.memory_space<vmem_shared>> -> memref<10240x128xf32, #tpu.memory_space<vmem_shared>>
        tpu.wait_indirect_dma semaphore(%run_scoped3A_1373 : memref<!tpu.dma_semaphore, #tpu.memory_space<semaphore_mem>>) src(%arg8 : memref<125x128xf32, #tpu.memory_space<vmem>>) dst(%dma_wait3A_1385 : memref<10240x128xf32, #tpu.memory_space<vmem_shared>>)
        tpu.yield
      }) : () -> ()
      %dma_start3A_1251 = arith.constant 2 : i32
      %dma_start3A_1252 = arith.constant 0 : i32
      %dma_start3A_1253 = tpu.memref_slice %arg5[%add3A_1235, %dma_start3A_1251, %dma_start3A_1252] : memref<10x8x125xi32, #tpu.memory_space<vmem>> -> memref<1x1x125xi32, #tpu.memory_space<vmem>>
      %dma_start3A_1254 = tpu.memref_squeeze %dma_start3A_1253 : memref<1x1x125xi32, #tpu.memory_space<vmem>> -> memref<125xi32, #tpu.memory_space<vmem>>
      %dma_start3A_1255 = arith.constant 0 : i32
      %dma_start3A_1256 = arith.constant 0 : i32
      %dma_start3A_1257 = tpu.memref_slice %arg2[%dma_start3A_1255, %dma_start3A_1256] : memref<10000x128xf32, #tpu.memory_space<hbm>> -> memref<10000x128xf32, #tpu.memory_space<hbm>>
      tpu.enqueue_indirect_dma source(%dma_start3A_1257 : memref<10000x128xf32, #tpu.memory_space<hbm>>) target(%arg8 : memref<125x128xf32, #tpu.memory_space<vmem>>) offsets(%dma_start3A_1254 : memref<125xi32, #tpu.memory_space<vmem>>) semaphore(%arg12 : memref<!tpu.dma_semaphore, #tpu.memory_space<semaphore_mem>>)
      %dma_wait3A_1258 = arith.constant 1 : i32
      %dma_wait3A_1259 = arith.constant 0 : i32
      %dma_wait3A_1260 = tpu.memref_slice %arg5[%add3A_1235, %dma_wait3A_1258, %dma_wait3A_1259] : memref<10x8x125xi32, #tpu.memory_space<vmem>> -> memref<1x1x125xi32, #tpu.memory_space<vmem>>
      %dma_wait3A_1261 = tpu.memref_squeeze %dma_wait3A_1260 : memref<1x1x125xi32, #tpu.memory_space<vmem>> -> memref<125xi32, #tpu.memory_space<vmem>>
      %dma_wait3A_1262 = arith.constant 0 : i32
      %dma_wait3A_1263 = arith.constant 0 : i32
      %dma_wait3A_1264 = tpu.memref_slice %arg2[%dma_wait3A_1262, %dma_wait3A_1263] : memref<10000x128xf32, #tpu.memory_space<hbm>> -> memref<10000x128xf32, #tpu.memory_space<hbm>>
      tpu.wait_indirect_dma semaphore(%arg13 : memref<!tpu.dma_semaphore, #tpu.memory_space<semaphore_mem>>) src(%dma_wait3A_1264 : memref<10000x128xf32, #tpu.memory_space<hbm>>) dst(%arg9 : memref<125x128xf32, #tpu.memory_space<vmem>>)
      %run_scoped3A_1265 = arith.constant 1 : i32
      "tpu.region"() ({
        %run_scoped3A_1373 = tpu.sem_alloc : memref<!tpu.dma_semaphore, #tpu.memory_space<semaphore_mem>>
        %dma_start3A_1374 = arith.constant 0 : i32
        %dma_start3A_1375 = tpu.memref_slice %arg7[%run_scoped3A_1265, %dma_start3A_1374] : memref<8x125xi32, #tpu.memory_space<vmem>> -> memref<1x125xi32, #tpu.memory_space<vmem>>
        %dma_start3A_1376 = tpu.memref_squeeze %dma_start3A_1375 : memref<1x125xi32, #tpu.memory_space<vmem>> -> memref<125xi32, #tpu.memory_space<vmem>>
        %dma_start3A_1377 = arith.constant 0 : i32
        %dma_start3A_1378 = arith.constant 0 : i32
        %dma_start3A_1379 = tpu.memref_slice %arg11[%dma_start3A_1377, %dma_start3A_1378] : memref<10240x128xf32, #tpu.memory_space<vmem_shared>> -> memref<10240x128xf32, #tpu.memory_space<vmem_shared>>
        tpu.enqueue_indirect_dma source(%arg9 : memref<125x128xf32, #tpu.memory_space<vmem>>) target(%dma_start3A_1379 : memref<10240x128xf32, #tpu.memory_space<vmem_shared>>) offsets(%dma_start3A_1376 : memref<125xi32, #tpu.memory_space<vmem>>) semaphore(%run_scoped3A_1373 : memref<!tpu.dma_semaphore, #tpu.memory_space<semaphore_mem>>) {add = true}
        %dma_wait3A_1380 = arith.constant 0 : i32
        %dma_wait3A_1381 = tpu.memref_slice %arg7[%run_scoped3A_1265, %dma_wait3A_1380] : memref<8x125xi32, #tpu.memory_space<vmem>> -> memref<1x125xi32, #tpu.memory_space<vmem>>
        %dma_wait3A_1382 = tpu.memref_squeeze %dma_wait3A_1381 : memref<1x125xi32, #tpu.memory_space<vmem>> -> memref<125xi32, #tpu.memory_space<vmem>>
        %dma_wait3A_1383 = arith.constant 0 : i32
        %dma_wait3A_1384 = arith.constant 0 : i32
        %dma_wait3A_1385 = tpu.memref_slice %arg11[%dma_wait3A_1383, %dma_wait3A_1384] : memref<10240x128xf32, #tpu.memory_space<vmem_shared>> -> memref<10240x128xf32, #tpu.memory_space<vmem_shared>>
        tpu.wait_indirect_dma semaphore(%run_scoped3A_1373 : memref<!tpu.dma_semaphore, #tpu.memory_space<semaphore_mem>>) src(%arg9 : memref<125x128xf32, #tpu.memory_space<vmem>>) dst(%dma_wait3A_1385 : memref<10240x128xf32, #tpu.memory_space<vmem_shared>>)
        tpu.yield
      }) : () -> ()
      %dma_start3A_1266 = arith.constant 3 : i32
      %dma_start3A_1267 = arith.constant 0 : i32
      %dma_start3A_1268 = tpu.memref_slice %arg5[%add3A_1235, %dma_start3A_1266, %dma_start3A_1267] : memref<10x8x125xi32, #tpu.memory_space<vmem>> -> memref<1x1x125xi32, #tpu.memory_space<vmem>>
      %dma_start3A_1269 = tpu.memref_squeeze %dma_start3A_1268 : memref<1x1x125xi32, #tpu.memory_space<vmem>> -> memref<125xi32, #tpu.memory_space<vmem>>
      %dma_start3A_1270 = arith.constant 0 : i32
      %dma_start3A_1271 = arith.constant 0 : i32
      %dma_start3A_1272 = tpu.memref_slice %arg2[%dma_start3A_1270, %dma_start3A_1271] : memref<10000x128xf32, #tpu.memory_space<hbm>> -> memref<10000x128xf32, #tpu.memory_space<hbm>>
      tpu.enqueue_indirect_dma source(%dma_start3A_1272 : memref<10000x128xf32, #tpu.memory_space<hbm>>) target(%arg9 : memref<125x128xf32, #tpu.memory_space<vmem>>) offsets(%dma_start3A_1269 : memref<125xi32, #tpu.memory_space<vmem>>) semaphore(%arg13 : memref<!tpu.dma_semaphore, #tpu.memory_space<semaphore_mem>>)
      %dma_wait3A_1273 = arith.constant 2 : i32
      %dma_wait3A_1274 = arith.constant 0 : i32
      %dma_wait3A_1275 = tpu.memref_slice %arg5[%add3A_1235, %dma_wait3A_1273, %dma_wait3A_1274] : memref<10x8x125xi32, #tpu.memory_space<vmem>> -> memref<1x1x125xi32, #tpu.memory_space<vmem>>
      %dma_wait3A_1276 = tpu.memref_squeeze %dma_wait3A_1275 : memref<1x1x125xi32, #tpu.memory_space<vmem>> -> memref<125xi32, #tpu.memory_space<vmem>>
      %dma_wait3A_1277 = arith.constant 0 : i32
      %dma_wait3A_1278 = arith.constant 0 : i32
      %dma_wait3A_1279 = tpu.memref_slice %arg2[%dma_wait3A_1277, %dma_wait3A_1278] : memref<10000x128xf32, #tpu.memory_space<hbm>> -> memref<10000x128xf32, #tpu.memory_space<hbm>>
      tpu.wait_indirect_dma semaphore(%arg12 : memref<!tpu.dma_semaphore, #tpu.memory_space<semaphore_mem>>) src(%dma_wait3A_1279 : memref<10000x128xf32, #tpu.memory_space<hbm>>) dst(%arg8 : memref<125x128xf32, #tpu.memory_space<vmem>>)
      %run_scoped3A_1280 = arith.constant 2 : i32
      "tpu.region"() ({
        %run_scoped3A_1373 = tpu.sem_alloc : memref<!tpu.dma_semaphore, #tpu.memory_space<semaphore_mem>>
        %dma_start3A_1374 = arith.constant 0 : i32
        %dma_start3A_1375 = tpu.memref_slice %arg7[%run_scoped3A_1280, %dma_start3A_1374] : memref<8x125xi32, #tpu.memory_space<vmem>> -> memref<1x125xi32, #tpu.memory_space<vmem>>
        %dma_start3A_1376 = tpu.memref_squeeze %dma_start3A_1375 : memref<1x125xi32, #tpu.memory_space<vmem>> -> memref<125xi32, #tpu.memory_space<vmem>>
        %dma_start3A_1377 = arith.constant 0 : i32
        %dma_start3A_1378 = arith.constant 0 : i32
        %dma_start3A_1379 = tpu.memref_slice %arg11[%dma_start3A_1377, %dma_start3A_1378] : memref<10240x128xf32, #tpu.memory_space<vmem_shared>> -> memref<10240x128xf32, #tpu.memory_space<vmem_shared>>
        tpu.enqueue_indirect_dma source(%arg8 : memref<125x128xf32, #tpu.memory_space<vmem>>) target(%dma_start3A_1379 : memref<10240x128xf32, #tpu.memory_space<vmem_shared>>) offsets(%dma_start3A_1376 : memref<125xi32, #tpu.memory_space<vmem>>) semaphore(%run_scoped3A_1373 : memref<!tpu.dma_semaphore, #tpu.memory_space<semaphore_mem>>) {add = true}
        %dma_wait3A_1380 = arith.constant 0 : i32
        %dma_wait3A_1381 = tpu.memref_slice %arg7[%run_scoped3A_1280, %dma_wait3A_1380] : memref<8x125xi32, #tpu.memory_space<vmem>> -> memref<1x125xi32, #tpu.memory_space<vmem>>
        %dma_wait3A_1382 = tpu.memref_squeeze %dma_wait3A_1381 : memref<1x125xi32, #tpu.memory_space<vmem>> -> memref<125xi32, #tpu.memory_space<vmem>>
        %dma_wait3A_1383 = arith.constant 0 : i32
        %dma_wait3A_1384 = arith.constant 0 : i32
        %dma_wait3A_1385 = tpu.memref_slice %arg11[%dma_wait3A_1383, %dma_wait3A_1384] : memref<10240x128xf32, #tpu.memory_space<vmem_shared>> -> memref<10240x128xf32, #tpu.memory_space<vmem_shared>>
        tpu.wait_indirect_dma semaphore(%run_scoped3A_1373 : memref<!tpu.dma_semaphore, #tpu.memory_space<semaphore_mem>>) src(%arg8 : memref<125x128xf32, #tpu.memory_space<vmem>>) dst(%dma_wait3A_1385 : memref<10240x128xf32, #tpu.memory_space<vmem_shared>>)
        tpu.yield
      }) : () -> ()
      %dma_start3A_1281 = arith.constant 4 : i32
      %dma_start3A_1282 = arith.constant 0 : i32
      %dma_start3A_1283 = tpu.memref_slice %arg5[%add3A_1235, %dma_start3A_1281, %dma_start3A_1282] : memref<10x8x125xi32, #tpu.memory_space<vmem>> -> memref<1x1x125xi32, #tpu.memory_space<vmem>>
      %dma_start3A_1284 = tpu.memref_squeeze %dma_start3A_1283 : memref<1x1x125xi32, #tpu.memory_space<vmem>> -> memref<125xi32, #tpu.memory_space<vmem>>
      %dma_start3A_1285 = arith.constant 0 : i32
      %dma_start3A_1286 = arith.constant 0 : i32
      %dma_start3A_1287 = tpu.memref_slice %arg2[%dma_start3A_1285, %dma_start3A_1286] : memref<10000x128xf32, #tpu.memory_space<hbm>> -> memref<10000x128xf32, #tpu.memory_space<hbm>>
      tpu.enqueue_indirect_dma source(%dma_start3A_1287 : memref<10000x128xf32, #tpu.memory_space<hbm>>) target(%arg8 : memref<125x128xf32, #tpu.memory_space<vmem>>) offsets(%dma_start3A_1284 : memref<125xi32, #tpu.memory_space<vmem>>) semaphore(%arg12 : memref<!tpu.dma_semaphore, #tpu.memory_space<semaphore_mem>>)
      %dma_wait3A_1288 = arith.constant 3 : i32
      %dma_wait3A_1289 = arith.constant 0 : i32
      %dma_wait3A_1290 = tpu.memref_slice %arg5[%add3A_1235, %dma_wait3A_1288, %dma_wait3A_1289] : memref<10x8x125xi32, #tpu.memory_space<vmem>> -> memref<1x1x125xi32, #tpu.memory_space<vmem>>
      %dma_wait3A_1291 = tpu.memref_squeeze %dma_wait3A_1290 : memref<1x1x125xi32, #tpu.memory_space<vmem>> -> memref<125xi32, #tpu.memory_space<vmem>>
      %dma_wait3A_1292 = arith.constant 0 : i32
      %dma_wait3A_1293 = arith.constant 0 : i32
      %dma_wait3A_1294 = tpu.memref_slice %arg2[%dma_wait3A_1292, %dma_wait3A_1293] : memref<10000x128xf32, #tpu.memory_space<hbm>> -> memref<10000x128xf32, #tpu.memory_space<hbm>>
      tpu.wait_indirect_dma semaphore(%arg13 : memref<!tpu.dma_semaphore, #tpu.memory_space<semaphore_mem>>) src(%dma_wait3A_1294 : memref<10000x128xf32, #tpu.memory_space<hbm>>) dst(%arg9 : memref<125x128xf32, #tpu.memory_space<vmem>>)
      %run_scoped3A_1295 = arith.constant 3 : i32
      "tpu.region"() ({
        %run_scoped3A_1373 = tpu.sem_alloc : memref<!tpu.dma_semaphore, #tpu.memory_space<semaphore_mem>>
        %dma_start3A_1374 = arith.constant 0 : i32
        %dma_start3A_1375 = tpu.memref_slice %arg7[%run_scoped3A_1295, %dma_start3A_1374] : memref<8x125xi32, #tpu.memory_space<vmem>> -> memref<1x125xi32, #tpu.memory_space<vmem>>
        %dma_start3A_1376 = tpu.memref_squeeze %dma_start3A_1375 : memref<1x125xi32, #tpu.memory_space<vmem>> -> memref<125xi32, #tpu.memory_space<vmem>>
        %dma_start3A_1377 = arith.constant 0 : i32
        %dma_start3A_1378 = arith.constant 0 : i32
        %dma_start3A_1379 = tpu.memref_slice %arg11[%dma_start3A_1377, %dma_start3A_1378] : memref<10240x128xf32, #tpu.memory_space<vmem_shared>> -> memref<10240x128xf32, #tpu.memory_space<vmem_shared>>
        tpu.enqueue_indirect_dma source(%arg9 : memref<125x128xf32, #tpu.memory_space<vmem>>) target(%dma_start3A_1379 : memref<10240x128xf32, #tpu.memory_space<vmem_shared>>) offsets(%dma_start3A_1376 : memref<125xi32, #tpu.memory_space<vmem>>) semaphore(%run_scoped3A_1373 : memref<!tpu.dma_semaphore, #tpu.memory_space<semaphore_mem>>) {add = true}
        %dma_wait3A_1380 = arith.constant 0 : i32
        %dma_wait3A_1381 = tpu.memref_slice %arg7[%run_scoped3A_1295, %dma_wait3A_1380] : memref<8x125xi32, #tpu.memory_space<vmem>> -> memref<1x125xi32, #tpu.memory_space<vmem>>
        %dma_wait3A_1382 = tpu.memref_squeeze %dma_wait3A_1381 : memref<1x125xi32, #tpu.memory_space<vmem>> -> memref<125xi32, #tpu.memory_space<vmem>>
        %dma_wait3A_1383 = arith.constant 0 : i32
        %dma_wait3A_1384 = arith.constant 0 : i32
        %dma_wait3A_1385 = tpu.memref_slice %arg11[%dma_wait3A_1383, %dma_wait3A_1384] : memref<10240x128xf32, #tpu.memory_space<vmem_shared>> -> memref<10240x128xf32, #tpu.memory_space<vmem_shared>>
        tpu.wait_indirect_dma semaphore(%run_scoped3A_1373 : memref<!tpu.dma_semaphore, #tpu.memory_space<semaphore_mem>>) src(%arg9 : memref<125x128xf32, #tpu.memory_space<vmem>>) dst(%dma_wait3A_1385 : memref<10240x128xf32, #tpu.memory_space<vmem_shared>>)
        tpu.yield
      }) : () -> ()
      %dma_start3A_1296 = arith.constant 5 : i32
      %dma_start3A_1297 = arith.constant 0 : i32
      %dma_start3A_1298 = tpu.memref_slice %arg5[%add3A_1235, %dma_start3A_1296, %dma_start3A_1297] : memref<10x8x125xi32, #tpu.memory_space<vmem>> -> memref<1x1x125xi32, #tpu.memory_space<vmem>>
      %dma_start3A_1299 = tpu.memref_squeeze %dma_start3A_1298 : memref<1x1x125xi32, #tpu.memory_space<vmem>> -> memref<125xi32, #tpu.memory_space<vmem>>
      %dma_start3A_1300 = arith.constant 0 : i32
      %dma_start3A_1301 = arith.constant 0 : i32
      %dma_start3A_1302 = tpu.memref_slice %arg2[%dma_start3A_1300, %dma_start3A_1301] : memref<10000x128xf32, #tpu.memory_space<hbm>> -> memref<10000x128xf32, #tpu.memory_space<hbm>>
      tpu.enqueue_indirect_dma source(%dma_start3A_1302 : memref<10000x128xf32, #tpu.memory_space<hbm>>) target(%arg9 : memref<125x128xf32, #tpu.memory_space<vmem>>) offsets(%dma_start3A_1299 : memref<125xi32, #tpu.memory_space<vmem>>) semaphore(%arg13 : memref<!tpu.dma_semaphore, #tpu.memory_space<semaphore_mem>>)
      %dma_wait3A_1303 = arith.constant 4 : i32
      %dma_wait3A_1304 = arith.constant 0 : i32
      %dma_wait3A_1305 = tpu.memref_slice %arg5[%add3A_1235, %dma_wait3A_1303, %dma_wait3A_1304] : memref<10x8x125xi32, #tpu.memory_space<vmem>> -> memref<1x1x125xi32, #tpu.memory_space<vmem>>
      %dma_wait3A_1306 = tpu.memref_squeeze %dma_wait3A_1305 : memref<1x1x125xi32, #tpu.memory_space<vmem>> -> memref<125xi32, #tpu.memory_space<vmem>>
      %dma_wait3A_1307 = arith.constant 0 : i32
      %dma_wait3A_1308 = arith.constant 0 : i32
      %dma_wait3A_1309 = tpu.memref_slice %arg2[%dma_wait3A_1307, %dma_wait3A_1308] : memref<10000x128xf32, #tpu.memory_space<hbm>> -> memref<10000x128xf32, #tpu.memory_space<hbm>>
      tpu.wait_indirect_dma semaphore(%arg12 : memref<!tpu.dma_semaphore, #tpu.memory_space<semaphore_mem>>) src(%dma_wait3A_1309 : memref<10000x128xf32, #tpu.memory_space<hbm>>) dst(%arg8 : memref<125x128xf32, #tpu.memory_space<vmem>>)
      %run_scoped3A_1310 = arith.constant 4 : i32
      "tpu.region"() ({
        %run_scoped3A_1373 = tpu.sem_alloc : memref<!tpu.dma_semaphore, #tpu.memory_space<semaphore_mem>>
        %dma_start3A_1374 = arith.constant 0 : i32
        %dma_start3A_1375 = tpu.memref_slice %arg7[%run_scoped3A_1310, %dma_start3A_1374] : memref<8x125xi32, #tpu.memory_space<vmem>> -> memref<1x125xi32, #tpu.memory_space<vmem>>
        %dma_start3A_1376 = tpu.memref_squeeze %dma_start3A_1375 : memref<1x125xi32, #tpu.memory_space<vmem>> -> memref<125xi32, #tpu.memory_space<vmem>>
        %dma_start3A_1377 = arith.constant 0 : i32
        %dma_start3A_1378 = arith.constant 0 : i32
        %dma_start3A_1379 = tpu.memref_slice %arg11[%dma_start3A_1377, %dma_start3A_1378] : memref<10240x128xf32, #tpu.memory_space<vmem_shared>> -> memref<10240x128xf32, #tpu.memory_space<vmem_shared>>
        tpu.enqueue_indirect_dma source(%arg8 : memref<125x128xf32, #tpu.memory_space<vmem>>) target(%dma_start3A_1379 : memref<10240x128xf32, #tpu.memory_space<vmem_shared>>) offsets(%dma_start3A_1376 : memref<125xi32, #tpu.memory_space<vmem>>) semaphore(%run_scoped3A_1373 : memref<!tpu.dma_semaphore, #tpu.memory_space<semaphore_mem>>) {add = true}
        %dma_wait3A_1380 = arith.constant 0 : i32
        %dma_wait3A_1381 = tpu.memref_slice %arg7[%run_scoped3A_1310, %dma_wait3A_1380] : memref<8x125xi32, #tpu.memory_space<vmem>> -> memref<1x125xi32, #tpu.memory_space<vmem>>
        %dma_wait3A_1382 = tpu.memref_squeeze %dma_wait3A_1381 : memref<1x125xi32, #tpu.memory_space<vmem>> -> memref<125xi32, #tpu.memory_space<vmem>>
        %dma_wait3A_1383 = arith.constant 0 : i32
        %dma_wait3A_1384 = arith.constant 0 : i32
        %dma_wait3A_1385 = tpu.memref_slice %arg11[%dma_wait3A_1383, %dma_wait3A_1384] : memref<10240x128xf32, #tpu.memory_space<vmem_shared>> -> memref<10240x128xf32, #tpu.memory_space<vmem_shared>>
        tpu.wait_indirect_dma semaphore(%run_scoped3A_1373 : memref<!tpu.dma_semaphore, #tpu.memory_space<semaphore_mem>>) src(%arg8 : memref<125x128xf32, #tpu.memory_space<vmem>>) dst(%dma_wait3A_1385 : memref<10240x128xf32, #tpu.memory_space<vmem_shared>>)
        tpu.yield
      }) : () -> ()
      %dma_start3A_1311 = arith.constant 6 : i32
      %dma_start3A_1312 = arith.constant 0 : i32
      %dma_start3A_1313 = tpu.memref_slice %arg5[%add3A_1235, %dma_start3A_1311, %dma_start3A_1312] : memref<10x8x125xi32, #tpu.memory_space<vmem>> -> memref<1x1x125xi32, #tpu.memory_space<vmem>>
      %dma_start3A_1314 = tpu.memref_squeeze %dma_start3A_1313 : memref<1x1x125xi32, #tpu.memory_space<vmem>> -> memref<125xi32, #tpu.memory_space<vmem>>
      %dma_start3A_1315 = arith.constant 0 : i32
      %dma_start3A_1316 = arith.constant 0 : i32
      %dma_start3A_1317 = tpu.memref_slice %arg2[%dma_start3A_1315, %dma_start3A_1316] : memref<10000x128xf32, #tpu.memory_space<hbm>> -> memref<10000x128xf32, #tpu.memory_space<hbm>>
      tpu.enqueue_indirect_dma source(%dma_start3A_1317 : memref<10000x128xf32, #tpu.memory_space<hbm>>) target(%arg8 : memref<125x128xf32, #tpu.memory_space<vmem>>) offsets(%dma_start3A_1314 : memref<125xi32, #tpu.memory_space<vmem>>) semaphore(%arg12 : memref<!tpu.dma_semaphore, #tpu.memory_space<semaphore_mem>>)
      %dma_wait3A_1318 = arith.constant 5 : i32
      %dma_wait3A_1319 = arith.constant 0 : i32
      %dma_wait3A_1320 = tpu.memref_slice %arg5[%add3A_1235, %dma_wait3A_1318, %dma_wait3A_1319] : memref<10x8x125xi32, #tpu.memory_space<vmem>> -> memref<1x1x125xi32, #tpu.memory_space<vmem>>
      %dma_wait3A_1321 = tpu.memref_squeeze %dma_wait3A_1320 : memref<1x1x125xi32, #tpu.memory_space<vmem>> -> memref<125xi32, #tpu.memory_space<vmem>>
      %dma_wait3A_1322 = arith.constant 0 : i32
      %dma_wait3A_1323 = arith.constant 0 : i32
      %dma_wait3A_1324 = tpu.memref_slice %arg2[%dma_wait3A_1322, %dma_wait3A_1323] : memref<10000x128xf32, #tpu.memory_space<hbm>> -> memref<10000x128xf32, #tpu.memory_space<hbm>>
      tpu.wait_indirect_dma semaphore(%arg13 : memref<!tpu.dma_semaphore, #tpu.memory_space<semaphore_mem>>) src(%dma_wait3A_1324 : memref<10000x128xf32, #tpu.memory_space<hbm>>) dst(%arg9 : memref<125x128xf32, #tpu.memory_space<vmem>>)
      %run_scoped3A_1325 = arith.constant 5 : i32
      "tpu.region"() ({
        %run_scoped3A_1373 = tpu.sem_alloc : memref<!tpu.dma_semaphore, #tpu.memory_space<semaphore_mem>>
        %dma_start3A_1374 = arith.constant 0 : i32
        %dma_start3A_1375 = tpu.memref_slice %arg7[%run_scoped3A_1325, %dma_start3A_1374] : memref<8x125xi32, #tpu.memory_space<vmem>> -> memref<1x125xi32, #tpu.memory_space<vmem>>
        %dma_start3A_1376 = tpu.memref_squeeze %dma_start3A_1375 : memref<1x125xi32, #tpu.memory_space<vmem>> -> memref<125xi32, #tpu.memory_space<vmem>>
        %dma_start3A_1377 = arith.constant 0 : i32
        %dma_start3A_1378 = arith.constant 0 : i32
        %dma_start3A_1379 = tpu.memref_slice %arg11[%dma_start3A_1377, %dma_start3A_1378] : memref<10240x128xf32, #tpu.memory_space<vmem_shared>> -> memref<10240x128xf32, #tpu.memory_space<vmem_shared>>
        tpu.enqueue_indirect_dma source(%arg9 : memref<125x128xf32, #tpu.memory_space<vmem>>) target(%dma_start3A_1379 : memref<10240x128xf32, #tpu.memory_space<vmem_shared>>) offsets(%dma_start3A_1376 : memref<125xi32, #tpu.memory_space<vmem>>) semaphore(%run_scoped3A_1373 : memref<!tpu.dma_semaphore, #tpu.memory_space<semaphore_mem>>) {add = true}
        %dma_wait3A_1380 = arith.constant 0 : i32
        %dma_wait3A_1381 = tpu.memref_slice %arg7[%run_scoped3A_1325, %dma_wait3A_1380] : memref<8x125xi32, #tpu.memory_space<vmem>> -> memref<1x125xi32, #tpu.memory_space<vmem>>
        %dma_wait3A_1382 = tpu.memref_squeeze %dma_wait3A_1381 : memref<1x125xi32, #tpu.memory_space<vmem>> -> memref<125xi32, #tpu.memory_space<vmem>>
        %dma_wait3A_1383 = arith.constant 0 : i32
        %dma_wait3A_1384 = arith.constant 0 : i32
        %dma_wait3A_1385 = tpu.memref_slice %arg11[%dma_wait3A_1383, %dma_wait3A_1384] : memref<10240x128xf32, #tpu.memory_space<vmem_shared>> -> memref<10240x128xf32, #tpu.memory_space<vmem_shared>>
        tpu.wait_indirect_dma semaphore(%run_scoped3A_1373 : memref<!tpu.dma_semaphore, #tpu.memory_space<semaphore_mem>>) src(%arg9 : memref<125x128xf32, #tpu.memory_space<vmem>>) dst(%dma_wait3A_1385 : memref<10240x128xf32, #tpu.memory_space<vmem_shared>>)
        tpu.yield
      }) : () -> ()
      %dma_start3A_1326 = arith.constant 7 : i32
      %dma_start3A_1327 = arith.constant 0 : i32
      %dma_start3A_1328 = tpu.memref_slice %arg5[%add3A_1235, %dma_start3A_1326, %dma_start3A_1327] : memref<10x8x125xi32, #tpu.memory_space<vmem>> -> memref<1x1x125xi32, #tpu.memory_space<vmem>>
      %dma_start3A_1329 = tpu.memref_squeeze %dma_start3A_1328 : memref<1x1x125xi32, #tpu.memory_space<vmem>> -> memref<125xi32, #tpu.memory_space<vmem>>
      %dma_start3A_1330 = arith.constant 0 : i32
      %dma_start3A_1331 = arith.constant 0 : i32
      %dma_start3A_1332 = tpu.memref_slice %arg2[%dma_start3A_1330, %dma_start3A_1331] : memref<10000x128xf32, #tpu.memory_space<hbm>> -> memref<10000x128xf32, #tpu.memory_space<hbm>>
      tpu.enqueue_indirect_dma source(%dma_start3A_1332 : memref<10000x128xf32, #tpu.memory_space<hbm>>) target(%arg9 : memref<125x128xf32, #tpu.memory_space<vmem>>) offsets(%dma_start3A_1329 : memref<125xi32, #tpu.memory_space<vmem>>) semaphore(%arg13 : memref<!tpu.dma_semaphore, #tpu.memory_space<semaphore_mem>>)
      %dma_wait3A_1333 = arith.constant 6 : i32
      %dma_wait3A_1334 = arith.constant 0 : i32
      %dma_wait3A_1335 = tpu.memref_slice %arg5[%add3A_1235, %dma_wait3A_1333, %dma_wait3A_1334] : memref<10x8x125xi32, #tpu.memory_space<vmem>> -> memref<1x1x125xi32, #tpu.memory_space<vmem>>
      %dma_wait3A_1336 = tpu.memref_squeeze %dma_wait3A_1335 : memref<1x1x125xi32, #tpu.memory_space<vmem>> -> memref<125xi32, #tpu.memory_space<vmem>>
      %dma_wait3A_1337 = arith.constant 0 : i32
      %dma_wait3A_1338 = arith.constant 0 : i32
      %dma_wait3A_1339 = tpu.memref_slice %arg2[%dma_wait3A_1337, %dma_wait3A_1338] : memref<10000x128xf32, #tpu.memory_space<hbm>> -> memref<10000x128xf32, #tpu.memory_space<hbm>>
      tpu.wait_indirect_dma semaphore(%arg12 : memref<!tpu.dma_semaphore, #tpu.memory_space<semaphore_mem>>) src(%dma_wait3A_1339 : memref<10000x128xf32, #tpu.memory_space<hbm>>) dst(%arg8 : memref<125x128xf32, #tpu.memory_space<vmem>>)
      %run_scoped3A_1340 = arith.constant 6 : i32
      "tpu.region"() ({
        %run_scoped3A_1373 = tpu.sem_alloc : memref<!tpu.dma_semaphore, #tpu.memory_space<semaphore_mem>>
        %dma_start3A_1374 = arith.constant 0 : i32
        %dma_start3A_1375 = tpu.memref_slice %arg7[%run_scoped3A_1340, %dma_start3A_1374] : memref<8x125xi32, #tpu.memory_space<vmem>> -> memref<1x125xi32, #tpu.memory_space<vmem>>
        %dma_start3A_1376 = tpu.memref_squeeze %dma_start3A_1375 : memref<1x125xi32, #tpu.memory_space<vmem>> -> memref<125xi32, #tpu.memory_space<vmem>>
        %dma_start3A_1377 = arith.constant 0 : i32
        %dma_start3A_1378 = arith.constant 0 : i32
        %dma_start3A_1379 = tpu.memref_slice %arg11[%dma_start3A_1377, %dma_start3A_1378] : memref<10240x128xf32, #tpu.memory_space<vmem_shared>> -> memref<10240x128xf32, #tpu.memory_space<vmem_shared>>
        tpu.enqueue_indirect_dma source(%arg8 : memref<125x128xf32, #tpu.memory_space<vmem>>) target(%dma_start3A_1379 : memref<10240x128xf32, #tpu.memory_space<vmem_shared>>) offsets(%dma_start3A_1376 : memref<125xi32, #tpu.memory_space<vmem>>) semaphore(%run_scoped3A_1373 : memref<!tpu.dma_semaphore, #tpu.memory_space<semaphore_mem>>) {add = true}
        %dma_wait3A_1380 = arith.constant 0 : i32
        %dma_wait3A_1381 = tpu.memref_slice %arg7[%run_scoped3A_1340, %dma_wait3A_1380] : memref<8x125xi32, #tpu.memory_space<vmem>> -> memref<1x125xi32, #tpu.memory_space<vmem>>
        %dma_wait3A_1382 = tpu.memref_squeeze %dma_wait3A_1381 : memref<1x125xi32, #tpu.memory_space<vmem>> -> memref<125xi32, #tpu.memory_space<vmem>>
        %dma_wait3A_1383 = arith.constant 0 : i32
        %dma_wait3A_1384 = arith.constant 0 : i32
        %dma_wait3A_1385 = tpu.memref_slice %arg11[%dma_wait3A_1383, %dma_wait3A_1384] : memref<10240x128xf32, #tpu.memory_space<vmem_shared>> -> memref<10240x128xf32, #tpu.memory_space<vmem_shared>>
        tpu.wait_indirect_dma semaphore(%run_scoped3A_1373 : memref<!tpu.dma_semaphore, #tpu.memory_space<semaphore_mem>>) src(%arg8 : memref<125x128xf32, #tpu.memory_space<vmem>>) dst(%dma_wait3A_1385 : memref<10240x128xf32, #tpu.memory_space<vmem_shared>>)
        tpu.yield
      }) : () -> ()
      %add3A_1341 = arith.constant 1 : i32
      %add3A_1342 = arith.addi %add3A_1235, %add3A_1341 : i32
      %min3A_1343 = arith.constant 9 : i32
      %min3A_1344 = arith.minsi %add3A_1342, %min3A_1343 : i32
      %dma_start3A_1345 = arith.constant 0 : i32
      %dma_start3A_1346 = arith.constant 0 : i32
      %dma_start3A_1347 = tpu.memref_slice %arg5[%min3A_1344, %dma_start3A_1345, %dma_start3A_1346] : memref<10x8x125xi32, #tpu.memory_space<vmem>> -> memref<1x1x125xi32, #tpu.memory_space<vmem>>
      %dma_start3A_1348 = tpu.memref_squeeze %dma_start3A_1347 : memref<1x1x125xi32, #tpu.memory_space<vmem>> -> memref<125xi32, #tpu.memory_space<vmem>>
      %dma_start3A_1349 = arith.constant 0 : i32
      %dma_start3A_1350 = arith.constant 0 : i32
      %dma_start3A_1351 = tpu.memref_slice %arg2[%dma_start3A_1349, %dma_start3A_1350] : memref<10000x128xf32, #tpu.memory_space<hbm>> -> memref<10000x128xf32, #tpu.memory_space<hbm>>
      tpu.enqueue_indirect_dma source(%dma_start3A_1351 : memref<10000x128xf32, #tpu.memory_space<hbm>>) target(%arg8 : memref<125x128xf32, #tpu.memory_space<vmem>>) offsets(%dma_start3A_1348 : memref<125xi32, #tpu.memory_space<vmem>>) semaphore(%arg12 : memref<!tpu.dma_semaphore, #tpu.memory_space<semaphore_mem>>)
      %dma_wait3A_1352 = arith.constant 7 : i32
      %dma_wait3A_1353 = arith.constant 0 : i32
      %dma_wait3A_1354 = tpu.memref_slice %arg5[%add3A_1235, %dma_wait3A_1352, %dma_wait3A_1353] : memref<10x8x125xi32, #tpu.memory_space<vmem>> -> memref<1x1x125xi32, #tpu.memory_space<vmem>>
      %dma_wait3A_1355 = tpu.memref_squeeze %dma_wait3A_1354 : memref<1x1x125xi32, #tpu.memory_space<vmem>> -> memref<125xi32, #tpu.memory_space<vmem>>
      %dma_wait3A_1356 = arith.constant 0 : i32
      %dma_wait3A_1357 = arith.constant 0 : i32
      %dma_wait3A_1358 = tpu.memref_slice %arg2[%dma_wait3A_1356, %dma_wait3A_1357] : memref<10000x128xf32, #tpu.memory_space<hbm>> -> memref<10000x128xf32, #tpu.memory_space<hbm>>
      tpu.wait_indirect_dma semaphore(%arg13 : memref<!tpu.dma_semaphore, #tpu.memory_space<semaphore_mem>>) src(%dma_wait3A_1358 : memref<10000x128xf32, #tpu.memory_space<hbm>>) dst(%arg9 : memref<125x128xf32, #tpu.memory_space<vmem>>)
      %run_scoped3A_1359 = arith.constant 7 : i32
      "tpu.region"() ({
        %run_scoped3A_1373 = tpu.sem_alloc : memref<!tpu.dma_semaphore, #tpu.memory_space<semaphore_mem>>
        %dma_start3A_1374 = arith.constant 0 : i32
        %dma_start3A_1375 = tpu.memref_slice %arg7[%run_scoped3A_1359, %dma_start3A_1374] : memref<8x125xi32, #tpu.memory_space<vmem>> -> memref<1x125xi32, #tpu.memory_space<vmem>>
        %dma_start3A_1376 = tpu.memref_squeeze %dma_start3A_1375 : memref<1x125xi32, #tpu.memory_space<vmem>> -> memref<125xi32, #tpu.memory_space<vmem>>
        %dma_start3A_1377 = arith.constant 0 : i32
        %dma_start3A_1378 = arith.constant 0 : i32
        %dma_start3A_1379 = tpu.memref_slice %arg11[%dma_start3A_1377, %dma_start3A_1378] : memref<10240x128xf32, #tpu.memory_space<vmem_shared>> -> memref<10240x128xf32, #tpu.memory_space<vmem_shared>>
        tpu.enqueue_indirect_dma source(%arg9 : memref<125x128xf32, #tpu.memory_space<vmem>>) target(%dma_start3A_1379 : memref<10240x128xf32, #tpu.memory_space<vmem_shared>>) offsets(%dma_start3A_1376 : memref<125xi32, #tpu.memory_space<vmem>>) semaphore(%run_scoped3A_1373 : memref<!tpu.dma_semaphore, #tpu.memory_space<semaphore_mem>>) {add = true}
        %dma_wait3A_1380 = arith.constant 0 : i32
        %dma_wait3A_1381 = tpu.memref_slice %arg7[%run_scoped3A_1359, %dma_wait3A_1380] : memref<8x125xi32, #tpu.memory_space<vmem>> -> memref<1x125xi32, #tpu.memory_space<vmem>>
        %dma_wait3A_1382 = tpu.memref_squeeze %dma_wait3A_1381 : memref<1x125xi32, #tpu.memory_space<vmem>> -> memref<125xi32, #tpu.memory_space<vmem>>
        %dma_wait3A_1383 = arith.constant 0 : i32
        %dma_wait3A_1384 = arith.constant 0 : i32
        %dma_wait3A_1385 = tpu.memref_slice %arg11[%dma_wait3A_1383, %dma_wait3A_1384] : memref<10240x128xf32, #tpu.memory_space<vmem_shared>> -> memref<10240x128xf32, #tpu.memory_space<vmem_shared>>
        tpu.wait_indirect_dma semaphore(%run_scoped3A_1373 : memref<!tpu.dma_semaphore, #tpu.memory_space<semaphore_mem>>) src(%arg9 : memref<125x128xf32, #tpu.memory_space<vmem>>) dst(%dma_wait3A_1385 : memref<10240x128xf32, #tpu.memory_space<vmem_shared>>)
        tpu.yield
      }) : () -> ()
      %add3A_1360 = arith.constant 2 : i32
      %add3A_1361 = arith.addi %mul3A_1075, %add3A_1360 : i32
      %min3A_1362 = arith.constant 9 : i32
      %min3A_1363 = arith.minsi %add3A_1361, %min3A_1362 : i32
      %dma_wait3A_1364 = arith.constant 1 : i32
      %dma_wait3A_1365 = arith.constant 0 : i32
      %dma_wait3A_1366 = arith.constant 0 : i32
      %dma_wait3A_1367 = tpu.memref_slice %arg3[%dma_wait3A_1364, %add3A, %min3A_1363, %dma_wait3A_1365, %dma_wait3A_1366] : memref<2x32x10x8x125xi32, #tpu.memory_space<hbm>> -> memref<1x1x1x8x125xi32, #tpu.memory_space<hbm>>
      %dma_wait3A_1368 = tpu.memref_squeeze %dma_wait3A_1367 : memref<1x1x1x8x125xi32, #tpu.memory_space<hbm>> -> memref<8x125xi32, #tpu.memory_space<hbm>>
      %dma_wait3A_1369 = arith.constant 0 : i32
      %dma_wait3A_1370 = arith.constant 0 : i32
      %dma_wait3A_1371 = tpu.memref_slice %arg3[%dma_wait3A_1364, %add3A, %min3A_1363, %dma_wait3A_1369, %dma_wait3A_1370] : memref<2x32x10x8x125xi32, #tpu.memory_space<hbm>> -> memref<1x1x1x8x125xi32, #tpu.memory_space<hbm>>
      %dma_wait3A_1372 = tpu.memref_squeeze %dma_wait3A_1371 : memref<1x1x1x8x125xi32, #tpu.memory_space<hbm>> -> memref<8x125xi32, #tpu.memory_space<hbm>>
      tpu.wait_dma2 semaphore(%arg14 : memref<!tpu.dma_semaphore, #tpu.memory_space<semaphore_mem>>) src(%dma_wait3A_1372 : memref<8x125xi32, #tpu.memory_space<hbm>>) dst(%arg6 : memref<8x125xi32, #tpu.memory_space<vmem>>)
    }
    %scan3A_1059 = arith.constant 5 : i32
    %dma_wait3A_1060 = arith.constant 9 : i32
    %dma_wait3A_1061 = arith.constant 0 : i32
    %dma_wait3A_1062 = arith.constant 0 : i32
    %dma_wait3A_1063 = tpu.memref_slice %arg5[%dma_wait3A_1060, %dma_wait3A_1061, %dma_wait3A_1062] : memref<10x8x125xi32, #tpu.memory_space<vmem>> -> memref<1x1x125xi32, #tpu.memory_space<vmem>>
    %dma_wait3A_1064 = tpu.memref_squeeze %dma_wait3A_1063 : memref<1x1x125xi32, #tpu.memory_space<vmem>> -> memref<125xi32, #tpu.memory_space<vmem>>
    %dma_wait3A_1065 = arith.constant 0 : i32
    %dma_wait3A_1066 = arith.constant 0 : i32
    %dma_wait3A_1067 = tpu.memref_slice %arg2[%dma_wait3A_1065, %dma_wait3A_1066] : memref<10000x128xf32, #tpu.memory_space<hbm>> -> memref<10000x128xf32, #tpu.memory_space<hbm>>
    tpu.wait_indirect_dma semaphore(%arg12 : memref<!tpu.dma_semaphore, #tpu.memory_space<semaphore_mem>>) src(%dma_wait3A_1067 : memref<10000x128xf32, #tpu.memory_space<hbm>>) dst(%arg8 : memref<125x128xf32, #tpu.memory_space<vmem>>)
    %barrier3A_1068 = arith.constant 0 : index
    tpu.barrier barrier_id(%barrier3A_1068)
    %mul3A_1069 = arith.constant 640 : i32
    %mul3A_1070 = arith.muli %arg1, %mul3A_1069 : i32
    %mul3A_1071 = arith.constant 640 : i32
    %mul3A_1072 = arith.muli %arg1, %mul3A_1071 : i32
    "tpu.region"() ({
      %run_scoped3A_1073 = tpu.sem_alloc : memref<!tpu.dma_semaphore, #tpu.memory_space<semaphore_mem>>
      %dma_start3A_1074 = arith.constant 0 : i32
      %dma_start3A_1075 = tpu.memref_slice %arg4[%arg0, %mul3A_1072, %dma_start3A_1074] : memref<2x10240x128xf32, #tpu.memory_space<hbm>> -> memref<1x640x128xf32, #tpu.memory_space<hbm>>
      %dma_start3A_1076 = tpu.memref_squeeze %dma_start3A_1075 : memref<1x640x128xf32, #tpu.memory_space<hbm>> -> memref<640x128xf32, #tpu.memory_space<hbm>>
      %dma_start3A_1077 = arith.constant 0 : i32
      %dma_start3A_1078 = tpu.memref_slice %arg11[%mul3A_1070, %dma_start3A_1077] : memref<10240x128xf32, #tpu.memory_space<vmem_shared>> -> memref<640x128xf32, #tpu.memory_space<vmem_shared>>
      tpu.enqueue_dma source(%dma_start3A_1078 : memref<640x128xf32, #tpu.memory_space<vmem_shared>>) target(%dma_start3A_1076 : memref<640x128xf32, #tpu.memory_space<hbm>>) target_semaphore(%run_scoped3A_1073 : memref<!tpu.dma_semaphore, #tpu.memory_space<semaphore_mem>>)
      %dma_wait3A_1079 = arith.constant 0 : i32
      %dma_wait3A_1080 = tpu.memref_slice %arg4[%arg0, %mul3A_1072, %dma_wait3A_1079] : memref<2x10240x128xf32, #tpu.memory_space<hbm>> -> memref<1x640x128xf32, #tpu.memory_space<hbm>>
      %dma_wait3A_1081 = tpu.memref_squeeze %dma_wait3A_1080 : memref<1x640x128xf32, #tpu.memory_space<hbm>> -> memref<640x128xf32, #tpu.memory_space<hbm>>
      %dma_wait3A_1082 = arith.constant 0 : i32
      %dma_wait3A_1083 = tpu.memref_slice %arg11[%mul3A_1070, %dma_wait3A_1082] : memref<10240x128xf32, #tpu.memory_space<vmem_shared>> -> memref<640x128xf32, #tpu.memory_space<vmem_shared>>
      tpu.wait_dma2 semaphore(%run_scoped3A_1073 : memref<!tpu.dma_semaphore, #tpu.memory_space<semaphore_mem>>) src(%dma_wait3A_1083 : memref<640x128xf32, #tpu.memory_space<vmem_shared>>) dst(%dma_wait3A_1081 : memref<640x128xf32, #tpu.memory_space<hbm>>)
      tpu.yield
    }) : () -> ()
    return
  }
}

#map = affine_map<(d0, d1) -> (0, 0, 0, 0, 0)>
#map1 = affine_map<(d0, d1) -> (0, 0)>
module attributes {stable_mosaic.version = 14 : i64} {
  func.func @_deg_sc(%arg0: i32, %arg1: i32, %arg2: memref<2x32x10x8x125xi32, #tpu.memory_space<hbm>>, %arg3: memref<2x10240xf32, #tpu.memory_space<hbm>>, %arg4: memref<10x8x125xi32, #tpu.memory_space<vmem>>, %arg5: memref<128xf32, #tpu.memory_space<vmem>>, %arg6: memref<640xf32, #tpu.memory_space<vmem>>, %arg7: memref<10240xf32, #tpu.memory_space<vmem_shared>>) attributes {dimension_semantics = [#tpu.dimension_semantics<core_parallel>, #tpu.dimension_semantics<subcore_parallel>], iteration_bounds = array<i64: 2, 16>, scalar_prefetch = 0 : i64, scratch_operands = 4 : i64, tpu.core_type = #tpu.core_type<sc_vector_subcore>, window_params = [{transform_indices = #map}, {transform_indices = #map1}]} {
    %mul3A = arith.constant 2 : i32
    %mul3A_0 = arith.muli %arg1, %mul3A : i32
    %add3A = arith.addi %mul3A_0, %arg0 : i32
    %scan3A = arith.constant 0 : i32
    %scan3A_1 = arith.constant 0 : i32
    %scan3A_2 = arith.constant 8 : i32
    %scan3A_3 = arith.addi %scan3A_1, %scan3A_2 : i32
    %scan3A_4 = arith.constant 1 : i32
    scf.for %scan3A_25 = %scan3A_1 to %scan3A_3 step %scan3A_4  : i32 {
      %broadcast_in_dim3A = arith.constant 1.000000e+00 : f32
      %broadcast_in_dim3A_26 = vector.broadcast %broadcast_in_dim3A : f32 to vector<16xf32>
      %mul3A_27 = arith.constant 16 : i32
      %mul3A_28 = arith.muli %scan3A_25, %mul3A_27 : i32
      %swap3A = arith.index_cast %mul3A_28 : i32 to index
      %swap3A_29 = tpu.vector_load %arg5[%swap3A] {strides = array<i32>} : memref<128xf32, #tpu.memory_space<vmem>>, vector<16xf32>,
      %swap3A_30 = vector.shape_cast %swap3A_29 : vector<16xf32> to vector<16xf32>
      %swap3A_31 = vector.shape_cast %broadcast_in_dim3A_26 : vector<16xf32> to vector<16xf32>
      tpu.vector_store %arg5[%swap3A], %swap3A_31 {strides = array<i32>} : memref<128xf32, #tpu.memory_space<vmem>>, vector<16xf32>,
    }
    %scan3A_5 = arith.constant 8 : i32
    %scan3A_6 = arith.constant 0 : i32
    %scan3A_7 = arith.constant 0 : i32
    %scan3A_8 = arith.constant 40 : i32
    %scan3A_9 = arith.addi %scan3A_7, %scan3A_8 : i32
    %scan3A_10 = arith.constant 1 : i32
    scf.for %scan3A_25 = %scan3A_7 to %scan3A_9 step %scan3A_10  : i32 {
      %broadcast_in_dim3A = arith.constant 0.000000e+00 : f32
      %broadcast_in_dim3A_26 = vector.broadcast %broadcast_in_dim3A : f32 to vector<16xf32>
      %mul3A_27 = arith.constant 16 : i32
      %mul3A_28 = arith.muli %scan3A_25, %mul3A_27 : i32
      %swap3A = arith.index_cast %mul3A_28 : i32 to index
      %swap3A_29 = tpu.vector_load %arg6[%swap3A] {strides = array<i32>} : memref<640xf32, #tpu.memory_space<vmem>>, vector<16xf32>,
      %swap3A_30 = vector.shape_cast %swap3A_29 : vector<16xf32> to vector<16xf32>
      %swap3A_31 = vector.shape_cast %broadcast_in_dim3A_26 : vector<16xf32> to vector<16xf32>
      tpu.vector_store %arg6[%swap3A], %swap3A_31 {strides = array<i32>} : memref<640xf32, #tpu.memory_space<vmem>>, vector<16xf32>,
    }
    %scan3A_11 = arith.constant 40 : i32
    %mul3A_12 = arith.constant 640 : i32
    %mul3A_13 = arith.muli %arg1, %mul3A_12 : i32
    "tpu.region"() ({
      %run_scoped3A_25 = tpu.sem_alloc : memref<!tpu.dma_semaphore, #tpu.memory_space<semaphore_mem>>
      %dma_start3A = tpu.memref_slice %arg7[%mul3A_13] : memref<10240xf32, #tpu.memory_space<vmem_shared>> -> memref<640xf32, #tpu.memory_space<vmem_shared>>
      %dma_start3A_26 = tpu.memref_slice %arg7[%mul3A_13] : memref<10240xf32, #tpu.memory_space<vmem_shared>> -> memref<640xf32, #tpu.memory_space<vmem_shared>>
      tpu.enqueue_dma source(%arg6 : memref<640xf32, #tpu.memory_space<vmem>>) target(%dma_start3A_26 : memref<640xf32, #tpu.memory_space<vmem_shared>>) target_semaphore(%run_scoped3A_25 : memref<!tpu.dma_semaphore, #tpu.memory_space<semaphore_mem>>)
      %dma_wait3A = tpu.memref_slice %arg7[%mul3A_13] : memref<10240xf32, #tpu.memory_space<vmem_shared>> -> memref<640xf32, #tpu.memory_space<vmem_shared>>
      %dma_wait3A_27 = tpu.memref_slice %arg7[%mul3A_13] : memref<10240xf32, #tpu.memory_space<vmem_shared>> -> memref<640xf32, #tpu.memory_space<vmem_shared>>
      tpu.wait_dma2 semaphore(%run_scoped3A_25 : memref<!tpu.dma_semaphore, #tpu.memory_space<semaphore_mem>>) src(%arg6 : memref<640xf32, #tpu.memory_space<vmem>>) dst(%dma_wait3A_27 : memref<640xf32, #tpu.memory_space<vmem_shared>>)
      tpu.yield
    }) : () -> ()
    %run_scoped3A = arith.constant 1 : i32
    "tpu.region"() ({
      %run_scoped3A_25 = tpu.sem_alloc : memref<!tpu.dma_semaphore, #tpu.memory_space<semaphore_mem>>
      %dma_start3A = arith.constant 0 : i32
      %dma_start3A_26 = arith.constant 0 : i32
      %dma_start3A_27 = arith.constant 0 : i32
      %dma_start3A_28 = tpu.memref_slice %arg2[%run_scoped3A, %add3A, %dma_start3A, %dma_start3A_26, %dma_start3A_27] : memref<2x32x10x8x125xi32, #tpu.memory_space<hbm>> -> memref<1x1x10x8x125xi32, #tpu.memory_space<hbm>>
      %dma_start3A_29 = tpu.memref_squeeze %dma_start3A_28 : memref<1x1x10x8x125xi32, #tpu.memory_space<hbm>> -> memref<10x8x125xi32, #tpu.memory_space<hbm>>
      %dma_start3A_30 = arith.constant 0 : i32
      %dma_start3A_31 = arith.constant 0 : i32
      %dma_start3A_32 = arith.constant 0 : i32
      %dma_start3A_33 = tpu.memref_slice %arg2[%run_scoped3A, %add3A, %dma_start3A_30, %dma_start3A_31, %dma_start3A_32] : memref<2x32x10x8x125xi32, #tpu.memory_space<hbm>> -> memref<1x1x10x8x125xi32, #tpu.memory_space<hbm>>
      %dma_start3A_34 = tpu.memref_squeeze %dma_start3A_33 : memref<1x1x10x8x125xi32, #tpu.memory_space<hbm>> -> memref<10x8x125xi32, #tpu.memory_space<hbm>>
      tpu.enqueue_dma source(%dma_start3A_34 : memref<10x8x125xi32, #tpu.memory_space<hbm>>) target(%arg4 : memref<10x8x125xi32, #tpu.memory_space<vmem>>) target_semaphore(%run_scoped3A_25 : memref<!tpu.dma_semaphore, #tpu.memory_space<semaphore_mem>>)
      %dma_wait3A = arith.constant 0 : i32
      %dma_wait3A_35 = arith.constant 0 : i32
      %dma_wait3A_36 = arith.constant 0 : i32
      %dma_wait3A_37 = tpu.memref_slice %arg2[%run_scoped3A, %add3A, %dma_wait3A, %dma_wait3A_35, %dma_wait3A_36] : memref<2x32x10x8x125xi32, #tpu.memory_space<hbm>> -> memref<1x1x10x8x125xi32, #tpu.memory_space<hbm>>
      %dma_wait3A_38 = tpu.memref_squeeze %dma_wait3A_37 : memref<1x1x10x8x125xi32, #tpu.memory_space<hbm>> -> memref<10x8x125xi32, #tpu.memory_space<hbm>>
      %dma_wait3A_39 = arith.constant 0 : i32
      %dma_wait3A_40 = arith.constant 0 : i32
      %dma_wait3A_41 = arith.constant 0 : i32
      %dma_wait3A_42 = tpu.memref_slice %arg2[%run_scoped3A, %add3A, %dma_wait3A_39, %dma_wait3A_40, %dma_wait3A_41] : memref<2x32x10x8x125xi32, #tpu.memory_space<hbm>> -> memref<1x1x10x8x125xi32, #tpu.memory_space<hbm>>
      %dma_wait3A_43 = tpu.memref_squeeze %dma_wait3A_42 : memref<1x1x10x8x125xi32, #tpu.memory_space<hbm>> -> memref<10x8x125xi32, #tpu.memory_space<hbm>>
      tpu.wait_dma2 semaphore(%run_scoped3A_25 : memref<!tpu.dma_semaphore, #tpu.memory_space<semaphore_mem>>) src(%dma_wait3A_43 : memref<10x8x125xi32, #tpu.memory_space<hbm>>) dst(%arg4 : memref<10x8x125xi32, #tpu.memory_space<vmem>>)
      tpu.yield
    }) : () -> ()
    %barrier3A = arith.constant 0 : index
    tpu.barrier barrier_id(%barrier3A)
    %scan3A_14 = arith.constant 0 : i32
    %scan3A_15 = arith.constant 0 : i32
    %scan3A_16 = arith.constant 10 : i32
    %scan3A_17 = arith.addi %scan3A_15, %scan3A_16 : i32
    %scan3A_18 = arith.constant 1 : i32
    scf.for %scan3A_25 = %scan3A_15 to %scan3A_17 step %scan3A_18  : i32 {
      %run_scoped3A_26 = arith.constant 0 : i32
      "tpu.region"() ({
        %run_scoped3A_34 = tpu.sem_alloc : memref<!tpu.dma_semaphore, #tpu.memory_space<semaphore_mem>>
        %dma_start3A = arith.constant 0 : i32
        %dma_start3A_35 = tpu.memref_slice %arg5[%dma_start3A] : memref<128xf32, #tpu.memory_space<vmem>> -> memref<125xf32, #tpu.memory_space<vmem>>
        %dma_start3A_36 = arith.constant 0 : i32
        %dma_start3A_37 = tpu.memref_slice %arg4[%scan3A_25, %run_scoped3A_26, %dma_start3A_36] : memref<10x8x125xi32, #tpu.memory_space<vmem>> -> memref<1x1x125xi32, #tpu.memory_space<vmem>>
        %dma_start3A_38 = tpu.memref_squeeze %dma_start3A_37 : memref<1x1x125xi32, #tpu.memory_space<vmem>> -> memref<125xi32, #tpu.memory_space<vmem>>
        %dma_start3A_39 = arith.constant 0 : i32
        %dma_start3A_40 = tpu.memref_slice %arg7[%dma_start3A_39] : memref<10240xf32, #tpu.memory_space<vmem_shared>> -> memref<10240xf32, #tpu.memory_space<vmem_shared>>
        tpu.enqueue_indirect_dma source(%dma_start3A_35 : memref<125xf32, #tpu.memory_space<vmem>>) target(%dma_start3A_40 : memref<10240xf32, #tpu.memory_space<vmem_shared>>) offsets(%dma_start3A_38 : memref<125xi32, #tpu.memory_space<vmem>>) semaphore(%run_scoped3A_34 : memref<!tpu.dma_semaphore, #tpu.memory_space<semaphore_mem>>) {add = true}
        %dma_wait3A = arith.constant 0 : i32
        %dma_wait3A_41 = tpu.memref_slice %arg5[%dma_wait3A] : memref<128xf32, #tpu.memory_space<vmem>> -> memref<125xf32, #tpu.memory_space<vmem>>
        %dma_wait3A_42 = arith.constant 0 : i32
        %dma_wait3A_43 = tpu.memref_slice %arg4[%scan3A_25, %run_scoped3A_26, %dma_wait3A_42] : memref<10x8x125xi32, #tpu.memory_space<vmem>> -> memref<1x1x125xi32, #tpu.memory_space<vmem>>
        %dma_wait3A_44 = tpu.memref_squeeze %dma_wait3A_43 : memref<1x1x125xi32, #tpu.memory_space<vmem>> -> memref<125xi32, #tpu.memory_space<vmem>>
        %dma_wait3A_45 = arith.constant 0 : i32
        %dma_wait3A_46 = tpu.memref_slice %arg7[%dma_wait3A_45] : memref<10240xf32, #tpu.memory_space<vmem_shared>> -> memref<10240xf32, #tpu.memory_space<vmem_shared>>
        tpu.wait_indirect_dma semaphore(%run_scoped3A_34 : memref<!tpu.dma_semaphore, #tpu.memory_space<semaphore_mem>>) src(%dma_wait3A_41 : memref<125xf32, #tpu.memory_space<vmem>>) dst(%dma_wait3A_46 : memref<10240xf32, #tpu.memory_space<vmem_shared>>)
        tpu.yield
      }) : () -> ()
      %run_scoped3A_27 = arith.constant 1 : i32
      "tpu.region"() ({
        %run_scoped3A_34 = tpu.sem_alloc : memref<!tpu.dma_semaphore, #tpu.memory_space<semaphore_mem>>
        %dma_start3A = arith.constant 0 : i32
        %dma_start3A_35 = tpu.memref_slice %arg5[%dma_start3A] : memref<128xf32, #tpu.memory_space<vmem>> -> memref<125xf32, #tpu.memory_space<vmem>>
        %dma_start3A_36 = arith.constant 0 : i32
        %dma_start3A_37 = tpu.memref_slice %arg4[%scan3A_25, %run_scoped3A_27, %dma_start3A_36] : memref<10x8x125xi32, #tpu.memory_space<vmem>> -> memref<1x1x125xi32, #tpu.memory_space<vmem>>
        %dma_start3A_38 = tpu.memref_squeeze %dma_start3A_37 : memref<1x1x125xi32, #tpu.memory_space<vmem>> -> memref<125xi32, #tpu.memory_space<vmem>>
        %dma_start3A_39 = arith.constant 0 : i32
        %dma_start3A_40 = tpu.memref_slice %arg7[%dma_start3A_39] : memref<10240xf32, #tpu.memory_space<vmem_shared>> -> memref<10240xf32, #tpu.memory_space<vmem_shared>>
        tpu.enqueue_indirect_dma source(%dma_start3A_35 : memref<125xf32, #tpu.memory_space<vmem>>) target(%dma_start3A_40 : memref<10240xf32, #tpu.memory_space<vmem_shared>>) offsets(%dma_start3A_38 : memref<125xi32, #tpu.memory_space<vmem>>) semaphore(%run_scoped3A_34 : memref<!tpu.dma_semaphore, #tpu.memory_space<semaphore_mem>>) {add = true}
        %dma_wait3A = arith.constant 0 : i32
        %dma_wait3A_41 = tpu.memref_slice %arg5[%dma_wait3A] : memref<128xf32, #tpu.memory_space<vmem>> -> memref<125xf32, #tpu.memory_space<vmem>>
        %dma_wait3A_42 = arith.constant 0 : i32
        %dma_wait3A_43 = tpu.memref_slice %arg4[%scan3A_25, %run_scoped3A_27, %dma_wait3A_42] : memref<10x8x125xi32, #tpu.memory_space<vmem>> -> memref<1x1x125xi32, #tpu.memory_space<vmem>>
        %dma_wait3A_44 = tpu.memref_squeeze %dma_wait3A_43 : memref<1x1x125xi32, #tpu.memory_space<vmem>> -> memref<125xi32, #tpu.memory_space<vmem>>
        %dma_wait3A_45 = arith.constant 0 : i32
        %dma_wait3A_46 = tpu.memref_slice %arg7[%dma_wait3A_45] : memref<10240xf32, #tpu.memory_space<vmem_shared>> -> memref<10240xf32, #tpu.memory_space<vmem_shared>>
        tpu.wait_indirect_dma semaphore(%run_scoped3A_34 : memref<!tpu.dma_semaphore, #tpu.memory_space<semaphore_mem>>) src(%dma_wait3A_41 : memref<125xf32, #tpu.memory_space<vmem>>) dst(%dma_wait3A_46 : memref<10240xf32, #tpu.memory_space<vmem_shared>>)
        tpu.yield
      }) : () -> ()
      %run_scoped3A_28 = arith.constant 2 : i32
      "tpu.region"() ({
        %run_scoped3A_34 = tpu.sem_alloc : memref<!tpu.dma_semaphore, #tpu.memory_space<semaphore_mem>>
        %dma_start3A = arith.constant 0 : i32
        %dma_start3A_35 = tpu.memref_slice %arg5[%dma_start3A] : memref<128xf32, #tpu.memory_space<vmem>> -> memref<125xf32, #tpu.memory_space<vmem>>
        %dma_start3A_36 = arith.constant 0 : i32
        %dma_start3A_37 = tpu.memref_slice %arg4[%scan3A_25, %run_scoped3A_28, %dma_start3A_36] : memref<10x8x125xi32, #tpu.memory_space<vmem>> -> memref<1x1x125xi32, #tpu.memory_space<vmem>>
        %dma_start3A_38 = tpu.memref_squeeze %dma_start3A_37 : memref<1x1x125xi32, #tpu.memory_space<vmem>> -> memref<125xi32, #tpu.memory_space<vmem>>
        %dma_start3A_39 = arith.constant 0 : i32
        %dma_start3A_40 = tpu.memref_slice %arg7[%dma_start3A_39] : memref<10240xf32, #tpu.memory_space<vmem_shared>> -> memref<10240xf32, #tpu.memory_space<vmem_shared>>
        tpu.enqueue_indirect_dma source(%dma_start3A_35 : memref<125xf32, #tpu.memory_space<vmem>>) target(%dma_start3A_40 : memref<10240xf32, #tpu.memory_space<vmem_shared>>) offsets(%dma_start3A_38 : memref<125xi32, #tpu.memory_space<vmem>>) semaphore(%run_scoped3A_34 : memref<!tpu.dma_semaphore, #tpu.memory_space<semaphore_mem>>) {add = true}
        %dma_wait3A = arith.constant 0 : i32
        %dma_wait3A_41 = tpu.memref_slice %arg5[%dma_wait3A] : memref<128xf32, #tpu.memory_space<vmem>> -> memref<125xf32, #tpu.memory_space<vmem>>
        %dma_wait3A_42 = arith.constant 0 : i32
        %dma_wait3A_43 = tpu.memref_slice %arg4[%scan3A_25, %run_scoped3A_28, %dma_wait3A_42] : memref<10x8x125xi32, #tpu.memory_space<vmem>> -> memref<1x1x125xi32, #tpu.memory_space<vmem>>
        %dma_wait3A_44 = tpu.memref_squeeze %dma_wait3A_43 : memref<1x1x125xi32, #tpu.memory_space<vmem>> -> memref<125xi32, #tpu.memory_space<vmem>>
        %dma_wait3A_45 = arith.constant 0 : i32
        %dma_wait3A_46 = tpu.memref_slice %arg7[%dma_wait3A_45] : memref<10240xf32, #tpu.memory_space<vmem_shared>> -> memref<10240xf32, #tpu.memory_space<vmem_shared>>
        tpu.wait_indirect_dma semaphore(%run_scoped3A_34 : memref<!tpu.dma_semaphore, #tpu.memory_space<semaphore_mem>>) src(%dma_wait3A_41 : memref<125xf32, #tpu.memory_space<vmem>>) dst(%dma_wait3A_46 : memref<10240xf32, #tpu.memory_space<vmem_shared>>)
        tpu.yield
      }) : () -> ()
      %run_scoped3A_29 = arith.constant 3 : i32
      "tpu.region"() ({
        %run_scoped3A_34 = tpu.sem_alloc : memref<!tpu.dma_semaphore, #tpu.memory_space<semaphore_mem>>
        %dma_start3A = arith.constant 0 : i32
        %dma_start3A_35 = tpu.memref_slice %arg5[%dma_start3A] : memref<128xf32, #tpu.memory_space<vmem>> -> memref<125xf32, #tpu.memory_space<vmem>>
        %dma_start3A_36 = arith.constant 0 : i32
        %dma_start3A_37 = tpu.memref_slice %arg4[%scan3A_25, %run_scoped3A_29, %dma_start3A_36] : memref<10x8x125xi32, #tpu.memory_space<vmem>> -> memref<1x1x125xi32, #tpu.memory_space<vmem>>
        %dma_start3A_38 = tpu.memref_squeeze %dma_start3A_37 : memref<1x1x125xi32, #tpu.memory_space<vmem>> -> memref<125xi32, #tpu.memory_space<vmem>>
        %dma_start3A_39 = arith.constant 0 : i32
        %dma_start3A_40 = tpu.memref_slice %arg7[%dma_start3A_39] : memref<10240xf32, #tpu.memory_space<vmem_shared>> -> memref<10240xf32, #tpu.memory_space<vmem_shared>>
        tpu.enqueue_indirect_dma source(%dma_start3A_35 : memref<125xf32, #tpu.memory_space<vmem>>) target(%dma_start3A_40 : memref<10240xf32, #tpu.memory_space<vmem_shared>>) offsets(%dma_start3A_38 : memref<125xi32, #tpu.memory_space<vmem>>) semaphore(%run_scoped3A_34 : memref<!tpu.dma_semaphore, #tpu.memory_space<semaphore_mem>>) {add = true}
        %dma_wait3A = arith.constant 0 : i32
        %dma_wait3A_41 = tpu.memref_slice %arg5[%dma_wait3A] : memref<128xf32, #tpu.memory_space<vmem>> -> memref<125xf32, #tpu.memory_space<vmem>>
        %dma_wait3A_42 = arith.constant 0 : i32
        %dma_wait3A_43 = tpu.memref_slice %arg4[%scan3A_25, %run_scoped3A_29, %dma_wait3A_42] : memref<10x8x125xi32, #tpu.memory_space<vmem>> -> memref<1x1x125xi32, #tpu.memory_space<vmem>>
        %dma_wait3A_44 = tpu.memref_squeeze %dma_wait3A_43 : memref<1x1x125xi32, #tpu.memory_space<vmem>> -> memref<125xi32, #tpu.memory_space<vmem>>
        %dma_wait3A_45 = arith.constant 0 : i32
        %dma_wait3A_46 = tpu.memref_slice %arg7[%dma_wait3A_45] : memref<10240xf32, #tpu.memory_space<vmem_shared>> -> memref<10240xf32, #tpu.memory_space<vmem_shared>>
        tpu.wait_indirect_dma semaphore(%run_scoped3A_34 : memref<!tpu.dma_semaphore, #tpu.memory_space<semaphore_mem>>) src(%dma_wait3A_41 : memref<125xf32, #tpu.memory_space<vmem>>) dst(%dma_wait3A_46 : memref<10240xf32, #tpu.memory_space<vmem_shared>>)
        tpu.yield
      }) : () -> ()
      %run_scoped3A_30 = arith.constant 4 : i32
      "tpu.region"() ({
        %run_scoped3A_34 = tpu.sem_alloc : memref<!tpu.dma_semaphore, #tpu.memory_space<semaphore_mem>>
        %dma_start3A = arith.constant 0 : i32
        %dma_start3A_35 = tpu.memref_slice %arg5[%dma_start3A] : memref<128xf32, #tpu.memory_space<vmem>> -> memref<125xf32, #tpu.memory_space<vmem>>
        %dma_start3A_36 = arith.constant 0 : i32
        %dma_start3A_37 = tpu.memref_slice %arg4[%scan3A_25, %run_scoped3A_30, %dma_start3A_36] : memref<10x8x125xi32, #tpu.memory_space<vmem>> -> memref<1x1x125xi32, #tpu.memory_space<vmem>>
        %dma_start3A_38 = tpu.memref_squeeze %dma_start3A_37 : memref<1x1x125xi32, #tpu.memory_space<vmem>> -> memref<125xi32, #tpu.memory_space<vmem>>
        %dma_start3A_39 = arith.constant 0 : i32
        %dma_start3A_40 = tpu.memref_slice %arg7[%dma_start3A_39] : memref<10240xf32, #tpu.memory_space<vmem_shared>> -> memref<10240xf32, #tpu.memory_space<vmem_shared>>
        tpu.enqueue_indirect_dma source(%dma_start3A_35 : memref<125xf32, #tpu.memory_space<vmem>>) target(%dma_start3A_40 : memref<10240xf32, #tpu.memory_space<vmem_shared>>) offsets(%dma_start3A_38 : memref<125xi32, #tpu.memory_space<vmem>>) semaphore(%run_scoped3A_34 : memref<!tpu.dma_semaphore, #tpu.memory_space<semaphore_mem>>) {add = true}
        %dma_wait3A = arith.constant 0 : i32
        %dma_wait3A_41 = tpu.memref_slice %arg5[%dma_wait3A] : memref<128xf32, #tpu.memory_space<vmem>> -> memref<125xf32, #tpu.memory_space<vmem>>
        %dma_wait3A_42 = arith.constant 0 : i32
        %dma_wait3A_43 = tpu.memref_slice %arg4[%scan3A_25, %run_scoped3A_30, %dma_wait3A_42] : memref<10x8x125xi32, #tpu.memory_space<vmem>> -> memref<1x1x125xi32, #tpu.memory_space<vmem>>
        %dma_wait3A_44 = tpu.memref_squeeze %dma_wait3A_43 : memref<1x1x125xi32, #tpu.memory_space<vmem>> -> memref<125xi32, #tpu.memory_space<vmem>>
        %dma_wait3A_45 = arith.constant 0 : i32
        %dma_wait3A_46 = tpu.memref_slice %arg7[%dma_wait3A_45] : memref<10240xf32, #tpu.memory_space<vmem_shared>> -> memref<10240xf32, #tpu.memory_space<vmem_shared>>
        tpu.wait_indirect_dma semaphore(%run_scoped3A_34 : memref<!tpu.dma_semaphore, #tpu.memory_space<semaphore_mem>>) src(%dma_wait3A_41 : memref<125xf32, #tpu.memory_space<vmem>>) dst(%dma_wait3A_46 : memref<10240xf32, #tpu.memory_space<vmem_shared>>)
        tpu.yield
      }) : () -> ()
      %run_scoped3A_31 = arith.constant 5 : i32
      "tpu.region"() ({
        %run_scoped3A_34 = tpu.sem_alloc : memref<!tpu.dma_semaphore, #tpu.memory_space<semaphore_mem>>
        %dma_start3A = arith.constant 0 : i32
        %dma_start3A_35 = tpu.memref_slice %arg5[%dma_start3A] : memref<128xf32, #tpu.memory_space<vmem>> -> memref<125xf32, #tpu.memory_space<vmem>>
        %dma_start3A_36 = arith.constant 0 : i32
        %dma_start3A_37 = tpu.memref_slice %arg4[%scan3A_25, %run_scoped3A_31, %dma_start3A_36] : memref<10x8x125xi32, #tpu.memory_space<vmem>> -> memref<1x1x125xi32, #tpu.memory_space<vmem>>
        %dma_start3A_38 = tpu.memref_squeeze %dma_start3A_37 : memref<1x1x125xi32, #tpu.memory_space<vmem>> -> memref<125xi32, #tpu.memory_space<vmem>>
        %dma_start3A_39 = arith.constant 0 : i32
        %dma_start3A_40 = tpu.memref_slice %arg7[%dma_start3A_39] : memref<10240xf32, #tpu.memory_space<vmem_shared>> -> memref<10240xf32, #tpu.memory_space<vmem_shared>>
        tpu.enqueue_indirect_dma source(%dma_start3A_35 : memref<125xf32, #tpu.memory_space<vmem>>) target(%dma_start3A_40 : memref<10240xf32, #tpu.memory_space<vmem_shared>>) offsets(%dma_start3A_38 : memref<125xi32, #tpu.memory_space<vmem>>) semaphore(%run_scoped3A_34 : memref<!tpu.dma_semaphore, #tpu.memory_space<semaphore_mem>>) {add = true}
        %dma_wait3A = arith.constant 0 : i32
        %dma_wait3A_41 = tpu.memref_slice %arg5[%dma_wait3A] : memref<128xf32, #tpu.memory_space<vmem>> -> memref<125xf32, #tpu.memory_space<vmem>>
        %dma_wait3A_42 = arith.constant 0 : i32
        %dma_wait3A_43 = tpu.memref_slice %arg4[%scan3A_25, %run_scoped3A_31, %dma_wait3A_42] : memref<10x8x125xi32, #tpu.memory_space<vmem>> -> memref<1x1x125xi32, #tpu.memory_space<vmem>>
        %dma_wait3A_44 = tpu.memref_squeeze %dma_wait3A_43 : memref<1x1x125xi32, #tpu.memory_space<vmem>> -> memref<125xi32, #tpu.memory_space<vmem>>
        %dma_wait3A_45 = arith.constant 0 : i32
        %dma_wait3A_46 = tpu.memref_slice %arg7[%dma_wait3A_45] : memref<10240xf32, #tpu.memory_space<vmem_shared>> -> memref<10240xf32, #tpu.memory_space<vmem_shared>>
        tpu.wait_indirect_dma semaphore(%run_scoped3A_34 : memref<!tpu.dma_semaphore, #tpu.memory_space<semaphore_mem>>) src(%dma_wait3A_41 : memref<125xf32, #tpu.memory_space<vmem>>) dst(%dma_wait3A_46 : memref<10240xf32, #tpu.memory_space<vmem_shared>>)
        tpu.yield
      }) : () -> ()
      %run_scoped3A_32 = arith.constant 6 : i32
      "tpu.region"() ({
        %run_scoped3A_34 = tpu.sem_alloc : memref<!tpu.dma_semaphore, #tpu.memory_space<semaphore_mem>>
        %dma_start3A = arith.constant 0 : i32
        %dma_start3A_35 = tpu.memref_slice %arg5[%dma_start3A] : memref<128xf32, #tpu.memory_space<vmem>> -> memref<125xf32, #tpu.memory_space<vmem>>
        %dma_start3A_36 = arith.constant 0 : i32
        %dma_start3A_37 = tpu.memref_slice %arg4[%scan3A_25, %run_scoped3A_32, %dma_start3A_36] : memref<10x8x125xi32, #tpu.memory_space<vmem>> -> memref<1x1x125xi32, #tpu.memory_space<vmem>>
        %dma_start3A_38 = tpu.memref_squeeze %dma_start3A_37 : memref<1x1x125xi32, #tpu.memory_space<vmem>> -> memref<125xi32, #tpu.memory_space<vmem>>
        %dma_start3A_39 = arith.constant 0 : i32
        %dma_start3A_40 = tpu.memref_slice %arg7[%dma_start3A_39] : memref<10240xf32, #tpu.memory_space<vmem_shared>> -> memref<10240xf32, #tpu.memory_space<vmem_shared>>
        tpu.enqueue_indirect_dma source(%dma_start3A_35 : memref<125xf32, #tpu.memory_space<vmem>>) target(%dma_start3A_40 : memref<10240xf32, #tpu.memory_space<vmem_shared>>) offsets(%dma_start3A_38 : memref<125xi32, #tpu.memory_space<vmem>>) semaphore(%run_scoped3A_34 : memref<!tpu.dma_semaphore, #tpu.memory_space<semaphore_mem>>) {add = true}
        %dma_wait3A = arith.constant 0 : i32
        %dma_wait3A_41 = tpu.memref_slice %arg5[%dma_wait3A] : memref<128xf32, #tpu.memory_space<vmem>> -> memref<125xf32, #tpu.memory_space<vmem>>
        %dma_wait3A_42 = arith.constant 0 : i32
        %dma_wait3A_43 = tpu.memref_slice %arg4[%scan3A_25, %run_scoped3A_32, %dma_wait3A_42] : memref<10x8x125xi32, #tpu.memory_space<vmem>> -> memref<1x1x125xi32, #tpu.memory_space<vmem>>
        %dma_wait3A_44 = tpu.memref_squeeze %dma_wait3A_43 : memref<1x1x125xi32, #tpu.memory_space<vmem>> -> memref<125xi32, #tpu.memory_space<vmem>>
        %dma_wait3A_45 = arith.constant 0 : i32
        %dma_wait3A_46 = tpu.memref_slice %arg7[%dma_wait3A_45] : memref<10240xf32, #tpu.memory_space<vmem_shared>> -> memref<10240xf32, #tpu.memory_space<vmem_shared>>
        tpu.wait_indirect_dma semaphore(%run_scoped3A_34 : memref<!tpu.dma_semaphore, #tpu.memory_space<semaphore_mem>>) src(%dma_wait3A_41 : memref<125xf32, #tpu.memory_space<vmem>>) dst(%dma_wait3A_46 : memref<10240xf32, #tpu.memory_space<vmem_shared>>)
        tpu.yield
      }) : () -> ()
      %run_scoped3A_33 = arith.constant 7 : i32
      "tpu.region"() ({
        %run_scoped3A_34 = tpu.sem_alloc : memref<!tpu.dma_semaphore, #tpu.memory_space<semaphore_mem>>
        %dma_start3A = arith.constant 0 : i32
        %dma_start3A_35 = tpu.memref_slice %arg5[%dma_start3A] : memref<128xf32, #tpu.memory_space<vmem>> -> memref<125xf32, #tpu.memory_space<vmem>>
        %dma_start3A_36 = arith.constant 0 : i32
        %dma_start3A_37 = tpu.memref_slice %arg4[%scan3A_25, %run_scoped3A_33, %dma_start3A_36] : memref<10x8x125xi32, #tpu.memory_space<vmem>> -> memref<1x1x125xi32, #tpu.memory_space<vmem>>
        %dma_start3A_38 = tpu.memref_squeeze %dma_start3A_37 : memref<1x1x125xi32, #tpu.memory_space<vmem>> -> memref<125xi32, #tpu.memory_space<vmem>>
        %dma_start3A_39 = arith.constant 0 : i32
        %dma_start3A_40 = tpu.memref_slice %arg7[%dma_start3A_39] : memref<10240xf32, #tpu.memory_space<vmem_shared>> -> memref<10240xf32, #tpu.memory_space<vmem_shared>>
        tpu.enqueue_indirect_dma source(%dma_start3A_35 : memref<125xf32, #tpu.memory_space<vmem>>) target(%dma_start3A_40 : memref<10240xf32, #tpu.memory_space<vmem_shared>>) offsets(%dma_start3A_38 : memref<125xi32, #tpu.memory_space<vmem>>) semaphore(%run_scoped3A_34 : memref<!tpu.dma_semaphore, #tpu.memory_space<semaphore_mem>>) {add = true}
        %dma_wait3A = arith.constant 0 : i32
        %dma_wait3A_41 = tpu.memref_slice %arg5[%dma_wait3A] : memref<128xf32, #tpu.memory_space<vmem>> -> memref<125xf32, #tpu.memory_space<vmem>>
        %dma_wait3A_42 = arith.constant 0 : i32
        %dma_wait3A_43 = tpu.memref_slice %arg4[%scan3A_25, %run_scoped3A_33, %dma_wait3A_42] : memref<10x8x125xi32, #tpu.memory_space<vmem>> -> memref<1x1x125xi32, #tpu.memory_space<vmem>>
        %dma_wait3A_44 = tpu.memref_squeeze %dma_wait3A_43 : memref<1x1x125xi32, #tpu.memory_space<vmem>> -> memref<125xi32, #tpu.memory_space<vmem>>
        %dma_wait3A_45 = arith.constant 0 : i32
        %dma_wait3A_46 = tpu.memref_slice %arg7[%dma_wait3A_45] : memref<10240xf32, #tpu.memory_space<vmem_shared>> -> memref<10240xf32, #tpu.memory_space<vmem_shared>>
        tpu.wait_indirect_dma semaphore(%run_scoped3A_34 : memref<!tpu.dma_semaphore, #tpu.memory_space<semaphore_mem>>) src(%dma_wait3A_41 : memref<125xf32, #tpu.memory_space<vmem>>) dst(%dma_wait3A_46 : memref<10240xf32, #tpu.memory_space<vmem_shared>>)
        tpu.yield
      }) : () -> ()
    }
    %scan3A_19 = arith.constant 10 : i32
    %barrier3A_20 = arith.constant 0 : index
    tpu.barrier barrier_id(%barrier3A_20)
    %mul3A_21 = arith.constant 640 : i32
    %mul3A_22 = arith.muli %arg1, %mul3A_21 : i32
    %mul3A_23 = arith.constant 640 : i32
    %mul3A_24 = arith.muli %arg1, %mul3A_23 : i32
    "tpu.region"() ({
      %run_scoped3A_25 = tpu.sem_alloc : memref<!tpu.dma_semaphore, #tpu.memory_space<semaphore_mem>>
      %dma_start3A = tpu.memref_slice %arg3[%arg0, %mul3A_24] : memref<2x10240xf32, #tpu.memory_space<hbm>> -> memref<1x640xf32, #tpu.memory_space<hbm>>
      %dma_start3A_26 = tpu.memref_squeeze %dma_start3A : memref<1x640xf32, #tpu.memory_space<hbm>> -> memref<640xf32, #tpu.memory_space<hbm>>
      %dma_start3A_27 = tpu.memref_slice %arg7[%mul3A_22] : memref<10240xf32, #tpu.memory_space<vmem_shared>> -> memref<640xf32, #tpu.memory_space<vmem_shared>>
      tpu.enqueue_dma source(%dma_start3A_27 : memref<640xf32, #tpu.memory_space<vmem_shared>>) target(%dma_start3A_26 : memref<640xf32, #tpu.memory_space<hbm>>) target_semaphore(%run_scoped3A_25 : memref<!tpu.dma_semaphore, #tpu.memory_space<semaphore_mem>>)
      %dma_wait3A = tpu.memref_slice %arg3[%arg0, %mul3A_24] : memref<2x10240xf32, #tpu.memory_space<hbm>> -> memref<1x640xf32, #tpu.memory_space<hbm>>
      %dma_wait3A_28 = tpu.memref_squeeze %dma_wait3A : memref<1x640xf32, #tpu.memory_space<hbm>> -> memref<640xf32, #tpu.memory_space<hbm>>
      %dma_wait3A_29 = tpu.memref_slice %arg7[%mul3A_22] : memref<10240xf32, #tpu.memory_space<vmem_shared>> -> memref<640xf32, #tpu.memory_space<vmem_shared>>
      tpu.wait_dma2 semaphore(%run_scoped3A_25 : memref<!tpu.dma_semaphore, #tpu.memory_space<semaphore_mem>>) src(%dma_wait3A_29 : memref<640xf32, #tpu.memory_space<vmem_shared>>) dst(%dma_wait3A_28 : memref<640xf32, #tpu.memory_space<hbm>>)
      tpu.yield
    }) : () -> ()
    return
  }
}

module attributes {stable_mosaic.version = 14 : i64} {
  func.func @_mm_body(%arg0: i32, %arg1: memref<2x1024xf32, #tpu.memory_space<vmem>>, %arg2: memref<1024x128xf32, #tpu.memory_space<vmem>>, %arg3: memref<128x128xf32, #tpu.memory_space<vmem>>, %arg4: memref<1024x128xf32, #tpu.memory_space<vmem>>) attributes {dimension_semantics = [#tpu.dimension_semantics<arbitrary>], iteration_bounds = array<i64: 10>, scalar_prefetch = 0 : i64, scratch_operands = 0 : i64, tpu.core_type = #tpu.core_type<tc>, window_params = [{transform_indices = @transform_0, window_bounds = array<i64: 2, 1024>}, {transform_indices = @transform_1, window_bounds = array<i64: 1024, 128>}, {pipeline_mode = #tpu.pipeline_mode<synchronous>, transform_indices = @transform_2, window_bounds = array<i64: 128, 128>}, {transform_indices = @transform_3, window_bounds = array<i64: 1024, 128>}]} {
    %get3A = arith.constant 0 : index
    %get3A_0 = arith.constant 0 : index
    %get3A_1 = vector.load %arg1[%get3A, %get3A_0] : memref<2x1024xf32, #tpu.memory_space<vmem>>, vector<1x1024xf32>
    %get3A_2 = vector.shape_cast %get3A_1 : vector<1x1024xf32> to vector<1024xf32>
    %get3A_3 = arith.constant 1 : index
    %get3A_4 = arith.constant 0 : index
    %get3A_5 = vector.load %arg1[%get3A_3, %get3A_4] : memref<2x1024xf32, #tpu.memory_space<vmem>>, vector<1x1024xf32>
    %get3A_6 = vector.shape_cast %get3A_5 : vector<1x1024xf32> to vector<1024xf32>
    %add3A = arith.addf %get3A_2, %get3A_6 : vector<1024xf32>
    %add3A_7 = arith.constant 1.000000e+00 : f32
    %add3A_8 = vector.broadcast %add3A_7 : f32 to vector<1024xf32>
    %add3A_9 = arith.addf %add3A, %add3A_8 : vector<1024xf32>
    %max3A = arith.constant 9.99999996E-13 : f32
    %max3A_10 = vector.broadcast %max3A : f32 to vector<1024xf32>
    %max3A_11 = arith.maximumf %add3A_9, %max3A_10 : vector<1024xf32>
    %rsqrt3A = math.rsqrt %max3A_11 : vector<1024xf32>
    %get3A_12 = arith.constant 0 : index
    %get3A_13 = arith.constant 0 : index
    %get3A_14 = vector.load %arg2[%get3A_12, %get3A_13] : memref<1024x128xf32, #tpu.memory_space<vmem>>, vector<1024x128xf32>
    %get3A_15 = arith.constant 0 : index
    %get3A_16 = arith.constant 0 : index
    %get3A_17 = vector.load %arg3[%get3A_15, %get3A_16] : memref<128x128xf32, #tpu.memory_space<vmem>>, vector<128x128xf32>
    %dot_general3A = arith.constant dense<0.000000e+00> : vector<1024x128xf32>
    %dot_general3A_18 = tpu.matmul %get3A_14, %get3A_17, %dot_general3A {dimension_numbers = #tpu.dot_dimension_numbers<[1], [0], [0], [1], [0, 0, 1, 1], [], []>, transpose_lhs_hint = false} : vector<1024x128xf32>, vector<128x128xf32>, vector<1024x128xf32> -> vector<1024x128xf32>
    %broadcast_in_dim3A = vector.shape_cast %rsqrt3A : vector<1024xf32> to vector<1024x1xf32>
    %mul3A = vector.broadcast %broadcast_in_dim3A : vector<1024x1xf32> to vector<1024x128xf32>
    %mul3A_19 = arith.mulf %dot_general3A_18, %mul3A : vector<1024x128xf32>
    %swap3A = arith.constant 0 : index
    %swap3A_20 = arith.constant 0 : index
    %swap3A_21 = vector.load %arg4[%swap3A, %swap3A_20] : memref<1024x128xf32, #tpu.memory_space<vmem>>, vector<1024x128xf32>
    tpu.vector_store %arg4[%swap3A, %swap3A_20], %mul3A_19 {strides = array<i32>} : memref<1024x128xf32, #tpu.memory_space<vmem>>, vector<1024x128xf32>,
    return
  }
  func.func @transform_0(%arg0: i32) -> (i32, i32) {
    %c0_i32 = arith.constant 0 : i32
    %c0_i32_0 = arith.constant 0 : i32
    return %c0_i32, %arg0 : i32, i32
  }
  func.func @transform_1(%arg0: i32) -> (i32, i32) {
    %c0_i32 = arith.constant 0 : i32
    %c0_i32_0 = arith.constant 0 : i32
    return %arg0, %c0_i32 : i32, i32
  }
  func.func @transform_2(%arg0: i32) -> (i32, i32) {
    %c0_i32 = arith.constant 0 : i32
    %c0_i32_0 = arith.constant 0 : i32
    %c0_i32_1 = arith.constant 0 : i32
    return %c0_i32, %c0_i32_0 : i32, i32
  }
  func.func @transform_3(%arg0: i32) -> (i32, i32) {
    %c0_i32 = arith.constant 0 : i32
    %c0_i32_0 = arith.constant 0 : i32
    return %arg0, %c0_i32 : i32, i32
  }
}

module attributes {stable_mosaic.version = 14 : i64} {
  func.func @_fin_body(%arg0: i32, %arg1: memref<2x1024x128xf32, #tpu.memory_space<vmem>>, %arg2: memref<1024x128xf32, #tpu.memory_space<vmem>>, %arg3: memref<2x1024xf32, #tpu.memory_space<vmem>>, %arg4: memref<1x128xf32, #tpu.memory_space<vmem>>, %arg5: memref<1024x128xf32, #tpu.memory_space<vmem>>) attributes {dimension_semantics = [#tpu.dimension_semantics<arbitrary>], iteration_bounds = array<i64: 10>, scalar_prefetch = 0 : i64, scratch_operands = 0 : i64, tpu.core_type = #tpu.core_type<tc>, window_params = [{transform_indices = @transform_0, window_bounds = array<i64: 2, 1024, 128>}, {transform_indices = @transform_1, window_bounds = array<i64: 1024, 128>}, {transform_indices = @transform_2, window_bounds = array<i64: 2, 1024>}, {pipeline_mode = #tpu.pipeline_mode<synchronous>, transform_indices = @transform_3, window_bounds = array<i64: 1, 128>}, {transform_indices = @transform_4, window_bounds = array<i64: 1024, 128>}]} {
    %get3A = arith.constant 0 : index
    %get3A_0 = arith.constant 0 : index
    %get3A_1 = vector.load %arg3[%get3A, %get3A_0] : memref<2x1024xf32, #tpu.memory_space<vmem>>, vector<1x1024xf32>
    %get3A_2 = vector.shape_cast %get3A_1 : vector<1x1024xf32> to vector<1024xf32>
    %get3A_3 = arith.constant 1 : index
    %get3A_4 = arith.constant 0 : index
    %get3A_5 = vector.load %arg3[%get3A_3, %get3A_4] : memref<2x1024xf32, #tpu.memory_space<vmem>>, vector<1x1024xf32>
    %get3A_6 = vector.shape_cast %get3A_5 : vector<1x1024xf32> to vector<1024xf32>
    %add3A = arith.addf %get3A_2, %get3A_6 : vector<1024xf32>
    %add3A_7 = arith.constant 1.000000e+00 : f32
    %add3A_8 = vector.broadcast %add3A_7 : f32 to vector<1024xf32>
    %add3A_9 = arith.addf %add3A, %add3A_8 : vector<1024xf32>
    %max3A = arith.constant 9.99999996E-13 : f32
    %max3A_10 = vector.broadcast %max3A : f32 to vector<1024xf32>
    %max3A_11 = arith.maximumf %add3A_9, %max3A_10 : vector<1024xf32>
    %rsqrt3A = math.rsqrt %max3A_11 : vector<1024xf32>
    %get3A_12 = arith.constant 0 : index
    %get3A_13 = arith.constant 0 : index
    %get3A_14 = arith.constant 0 : index
    %get3A_15 = vector.load %arg1[%get3A_12, %get3A_13, %get3A_14] : memref<2x1024x128xf32, #tpu.memory_space<vmem>>, vector<1x1024x128xf32>
    %get3A_16 = vector.shape_cast %get3A_15 : vector<1x1024x128xf32> to vector<1024x128xf32>
    %get3A_17 = arith.constant 1 : index
    %get3A_18 = arith.constant 0 : index
    %get3A_19 = arith.constant 0 : index
    %get3A_20 = vector.load %arg1[%get3A_17, %get3A_18, %get3A_19] : memref<2x1024x128xf32, #tpu.memory_space<vmem>>, vector<1x1024x128xf32>
    %get3A_21 = vector.shape_cast %get3A_20 : vector<1x1024x128xf32> to vector<1024x128xf32>
    %add3A_22 = arith.addf %get3A_16, %get3A_21 : vector<1024x128xf32>
    %get3A_23 = arith.constant 0 : index
    %get3A_24 = arith.constant 0 : index
    %get3A_25 = vector.load %arg2[%get3A_23, %get3A_24] : memref<1024x128xf32, #tpu.memory_space<vmem>>, vector<1024x128xf32>
    %add3A_26 = arith.addf %add3A_22, %get3A_25 : vector<1024x128xf32>
    %broadcast_in_dim3A = vector.shape_cast %rsqrt3A : vector<1024xf32> to vector<1024x1xf32>
    %mul3A = vector.broadcast %broadcast_in_dim3A : vector<1024x1xf32> to vector<1024x128xf32>
    %mul3A_27 = arith.mulf %mul3A, %add3A_26 : vector<1024x128xf32>
    %get3A_28 = arith.constant 0 : index
    %get3A_29 = arith.constant 0 : index
    %get3A_30 = vector.load %arg4[%get3A_28, %get3A_29] : memref<1x128xf32, #tpu.memory_space<vmem>>, vector<1x128xf32>
    %get3A_31 = vector.shape_cast %get3A_30 : vector<1x128xf32> to vector<128xf32>
    %broadcast_in_dim3A_32 = vector.shape_cast %get3A_31 : vector<128xf32> to vector<1x128xf32>
    %add3A_33 = vector.broadcast %broadcast_in_dim3A_32 : vector<1x128xf32> to vector<1024x128xf32>
    %add3A_34 = arith.addf %mul3A_27, %add3A_33 : vector<1024x128xf32>
    %swap3A = arith.constant 0 : index
    %swap3A_35 = arith.constant 0 : index
    %swap3A_36 = vector.load %arg5[%swap3A, %swap3A_35] : memref<1024x128xf32, #tpu.memory_space<vmem>>, vector<1024x128xf32>
    tpu.vector_store %arg5[%swap3A, %swap3A_35], %add3A_34 {strides = array<i32>} : memref<1024x128xf32, #tpu.memory_space<vmem>>, vector<1024x128xf32>,
    return
  }
  func.func @transform_0(%arg0: i32) -> (i32, i32, i32) {
    %c0_i32 = arith.constant 0 : i32
    %c0_i32_0 = arith.constant 0 : i32
    %c0_i32_1 = arith.constant 0 : i32
    return %c0_i32, %arg0, %c0_i32_0 : i32, i32, i32
  }
  func.func @transform_1(%arg0: i32) -> (i32, i32) {
    %c0_i32 = arith.constant 0 : i32
    %c0_i32_0 = arith.constant 0 : i32
    return %arg0, %c0_i32 : i32, i32
  }
  func.func @transform_2(%arg0: i32) -> (i32, i32) {
    %c0_i32 = arith.constant 0 : i32
    %c0_i32_0 = arith.constant 0 : i32
    return %c0_i32, %arg0 : i32, i32
  }
  func.func @transform_3(%arg0: i32) -> (i32, i32) {
    %c0_i32 = arith.constant 0 : i32
    %c0_i32_0 = arith.constant 0 : i32
    %c0_i32_1 = arith.constant 0 : i32
    return %c0_i32, %c0_i32_0 : i32, i32
  }
  func.func @transform_4(%arg0: i32) -> (i32, i32) {
    %c0_i32 = arith.constant 0 : i32
    %c0_i32_0 = arith.constant 0 : i32
    return %arg0, %c0_i32 : i32, i32
  }
}

</mosaic_0001>

<sc_bundles>
// kernel: kernel.6.cloned.1.call-start
scs
__scs_entry_jumppad:
0x0: {  	(pc) =	sbr.rel $0x88, $3  }
0x1: {  	(tag) =	ssettag $0x0;
	lr =	simm.s32 $0x1  }
0x2: {  	[smem:$0x3F9D] =	sst lr;
	_ =	strace $0xD0000000  }
0x3: {  	_ = 	snop  }
0x4: {  	_ = 	snop  }
0x5: {  	_ = 	snop  }
0x6: {  	_ = 	snop  }
0x7: {  	_ = 	snop  }
__scs_overlays_trampoline_lowered:
0x8: {  	[smem:$0x3FAC] =	sst s0  }
0x9: {  	[smem:$0x3FAD] =	sst s1  }
0xa: {  	[smem:$0x3FAE] =	sst s2  }
0xb: {  	[smem:$0x3FAF] =	sst s3  }
0xc: {  	[smem:$0x3FB0] =	sst s4  }
0xd: {  	[smem:$0x3FB1] =	sst s5  }
0xe: {  	[smem:$0x3FB2] =	sst s6  }
0xf: {  	[smem:$0x3FB3] =	sst s7  }
0x10: {  	[smem:$0x3FB4] =	sst s8  }
0x11: {  	[smem:$0x3FB5] =	sst s9;
	s0 =	simm.s32 @!p0 $0x0  }
0x12: {  	s1 =	sld [smem:$0x3F9B];
	s0 =	simm.s32 @p0 $0x1  }
0x13: {  	[smem:$0x3FB6] =	sst s0;
	s0 =	simm.s32 @!p1 $0x0  }
0x14: {  	s2 =	sld [smem:$0x3F9A];
	s0 =	simm.s32 @p1 $0x1  }
0x15: {  	[smem:$0x3FB7] =	sst s0;
	s0 =	simm.s32 @!p2 $0x0  }
0x16: {  	s3 =	sld [smem:$0x3FDB];
	s0 =	simm.s32 @p2 $0x1  }
0x17: {  	s4 =	simm.s32 $0x1BF5;
	[smem:$0x3FB9] =	sst s0  }
0x18: {  	s0 =	sld [smem:$0x3F9C];
	_ =	swait.ge [sflag:s4], $0x0  }
0x19: {  	s7 =	sld [smem:$0x3F9D]  }
0x1a: {  	s8 =	sadd.s32 $0xFFFFE003, lr  }
0x1b: {  	s9 =	sadd.s32 $0xFFFFFEF7, lr;
	s5 =	simm.s32 $0xFFFFFFFF;
	p2 =	slt.u32 s8, $0xFFFFF086  }
0x1c: {  	p1 =	slt.u32 s9, $0xF7A;
	s5 =	simm.s32 @!p2 $0x0  }
0x1d: {  	s5 =	simm.s32 @p1 $0x1;
	p0 =	seq.s32 s7, s2  }
0x1e: {  	s7 =	smul.u32 @!p0 $0xF7A, s2;
	p2 =	seq.s32 @!p0 s5, $0x0  }
0x1f: {  	s9 =	smul.u32 $0xF7A, s1;
	s8 =	simm.s32 @!p0 $0x1BF5;
	p2 =	por !p2, p0  }
0x20: {  	[sflag:s8] =	ssyncset.s32 @!p0 $0xFFFFF086;
	s6 =	sadd.s32 @!p0 s3, s7;
	s7 =	simm.s32 @!p0 $0x108  }
0x21: {  	s3 =	sadd.s32 s3, s9;
	s6 =	sadd.s32 @!p0 $0x88, s6;
	s7 =	simm.s32 @p2 $0x1082  }
0x22: {  	[simem:s7], [sflag:s8] =	dma.local @!p0 [hbm:s6], $0xF7A  }
0x23: {  	s9 =	sor.u32 $0xD0000000, s2;
	s6 =	simm.s32 $0x108;
	_ =	swait.ge @!p0 [sflag:s8], $0x0  }
0x24: {  	s3 =	sadd.s32 $0x88, s3;
	s6 =	simm.s32 @!p1 $0x1082;
	[sflag:s4] =	ssyncset.s32 $0xFFFFF086  }
0x25: {  	[simem:s6], [sflag:s4] =	dma.local [hbm:s3], $0xF7A  }
0x26: {  	[smem:$0x3F9D] =	sst s1;
	(tag) =	ssettag s2;
	_ =	strace s9  }
0x27: {  	s1 =	sld [smem:$0x3FAD]  }
0x28: {  	s2 =	sld [smem:$0x3FAE]  }
0x29: {  	s4 =	sld [smem:$0x3FB0]  }
0x2a: {  	p0 =	seq.s32 s5, $0x0;
	s5 =	sld [smem:$0x3FB1]  }
0x2b: {  	s6 =	sld [smem:$0x3FB2]  }
0x2c: {  	s7 =	sld [smem:$0x3FB3]  }
0x2d: {  	s3 =	simm.s32 $0x108;
	s8 =	sld [smem:$0x3FB4]  }
0x2e: {  	s3 =	simm.s32 @!p0 $0x1082;
	s9 =	sld [smem:$0x3FB5]  }
0x2f: {  	lr =	sadd.s32 s0, s3;
	s0 =	sld [smem:$0x3FAC]  }
0x30: {  	s3 =	sld [smem:$0x3FAF]  }
0x31: {  	[smem:$0x3FB8] =	sst s10  }
0x32: {  	s10 =	sld [smem:$0x3FB6];
	_ =	sdelay $0x3  }
0x33: {  	p0 =	seq.s32 s10, $0x1;
	s10 =	sld [smem:$0x3FB8];
	_ =	sdelay $0x3  }
0x34: {  	[smem:$0x3FB8] =	sst s10  }
0x35: {  	s10 =	sld [smem:$0x3FB7];
	_ =	sdelay $0x3  }
0x36: {  	p1 =	seq.s32 s10, $0x1;
	s10 =	sld [smem:$0x3FB8];
	_ =	sdelay $0x3  }
0x37: {  	[smem:$0x3FB8] =	sst s10  }
0x38: {  	s10 =	sld [smem:$0x3FB9]  }
0x39: {  	_ = 	snop;
	(pc) =	sbr.ind lr, $3  }
0x3a: {  	_ = 	snop  }
0x3b: {  	_ = 	snop  }
0x3c: {  	p2 =	seq.s32 s10, $0x1;
	s10 =	sld [smem:$0x3FB8]  }
0x3d: {  	_ =	shalt  }
0x3e: {  	_ =	shalt  }
0x3f: {  	_ =	shalt  }
0x40: {  	_ =	shalt  }
0x41: {  	_ =	shalt  }
0x42: {  	_ =	shalt  }
0x43: {  	_ =	shalt  }
0x44: {  	_ =	shalt  }
0x45: {  	_ =	shalt  }
0x46: {  	_ =	shalt  }
0x47: {  	_ =	shalt  }
0x48: {  	_ =	shalt  }
0x49: {  	_ =	shalt  }
0x4a: {  	_ =	shalt  }
0x4b: {  	_ =	shalt  }
0x4c: {  	_ =	shalt  }
0x4d: {  	_ =	shalt  }
0x4e: {  	_ =	shalt  }
0x4f: {  	_ =	shalt  }
0x50: {  	_ =	shalt  }
0x51: {  	_ =	shalt  }
0x52: {  	_ =	shalt  }
0x53: {  	_ =	shalt  }
0x54: {  	_ =	shalt  }
0x55: {  	_ =	shalt  }
0x56: {  	_ =	shalt  }
0x57: {  	_ =	shalt  }
0x58: {  	_ =	shalt  }
0x59: {  	_ =	shalt  }
0x5a: {  	_ =	shalt  }
0x5b: {  	_ =	shalt  }
0x5c: {  	_ =	shalt  }
0x5d: {  	_ =	shalt  }
0x5e: {  	_ =	shalt  }
0x5f: {  	_ =	shalt  }
0x60: {  	_ =	shalt  }
0x61: {  	_ =	shalt  }
0x62: {  	_ =	shalt  }
0x63: {  	_ =	shalt  }
0x64: {  	_ =	shalt  }
0x65: {  	_ =	shalt  }
0x66: {  	_ =	shalt  }
0x67: {  	_ =	shalt  }
0x68: {  	_ =	shalt  }
0x69: {  	_ =	shalt  }
0x6a: {  	_ =	shalt  }
0x6b: {  	_ =	shalt  }
0x6c: {  	_ =	shalt  }
0x6d: {  	_ =	shalt  }
0x6e: {  	_ =	shalt  }
0x6f: {  	_ =	shalt  }
0x70: {  	_ =	shalt  }
0x71: {  	_ =	shalt  }
0x72: {  	_ =	shalt  }
0x73: {  	_ =	shalt  }
0x74: {  	_ =	shalt  }
0x75: {  	_ =	shalt  }
0x76: {  	_ =	shalt  }
0x77: {  	_ =	shalt  }
0x78: {  	_ =	shalt  }
0x79: {  	_ =	shalt  }
0x7a: {  	_ =	shalt  }
0x7b: {  	_ =	shalt  }
0x7c: {  	_ =	shalt  }
0x7d: {  	_ =	shalt  }
0x7e: {  	_ =	shalt  }
0x7f: {  	_ =	shalt  }
0x80: {  	_ =	shalt  }
0x81: {  	_ =	shalt  }
0x82: {  	_ =	shalt  }
0x83: {  	_ =	shalt  }
0x84: {  	_ =	shalt  }
0x85: {  	_ =	shalt  }
0x86: {  	_ =	shalt  }
0x87: {  	_ =	shalt  }
.Lfunc_end0:
.L_simem_size_0:
called_computation_lowered:
.L_overlay_start_0:
0x88: {  	s2 =	sld [smem:$0x3FD9]  }
0x89: {  	s3 =	sld [smem:$0x3FFE];
	_ =	sdelay $0x1  }
0x8a: {  	s1 =	srdreg.scid  }
0x8b: {  	s0 =	sand.u32 $0x1, s1  }
0x8c: {  	s17 =	sshll.u32 s0, $0xA;
	s2 =	sadd.s32 s3, s2  }
0x8d: {  	s2 =	sadd.s32 s2, s17  }
0x8e: {  	[smem:$0x3FC4] =	sst s2  }
0x8f: {  	_ = 	snop  }
0x90: {  	s2 =	sld [smem:$0x3FD0];
	(tm) =	ssettm $0x1  }
0x91: {  	s18 =	sld [smem:$0x3FFB];
	_ =	sdelay $0x3  }
0x92: {  	_ =	strace s18  }
0x93: {  	s3 =	sld [smem:$0x3FFC];
	_ =	sdelay $0x3  }
0x94: {  	_ =	strace s3  }
0x95: {  	s3 =	sld [smem:$0x3FFD];
	_ =	sdelay $0x3  }
0x96: {  	_ =	strace s3  }
0x97: {  	_ =	strace $0x8FFFFFFF  }
0x98: {  	s19 =	sld [smem:$0x3FDB];
	_ =	sdelay $0x1  }
0x99: {  	s4 =	simm.s32 $_scs_section_size  }
0x9a: {  	s5 =	simm.s32 $_size__tile_overlayer_lowered;
	s6 =	simm.s32 $_tile_overlayer_lowered  }
0x9b: {  	s22 =	simm.s32 $0x1BFF;
	s21 =	sshll.u32 s6, $0x1;
	s3 =	sadd.s32 s4, s19  }
0x9c: {  	s7 =	simm.s32 $0x0;
	s20 =	sshll.u32 s5, $0x1;
	s5 =	sadd.s32 s21, s3  }
0x9d: {  	[timem:s7], [sflag:s22] =	dma.local [hbm:s5], s20  }
0x9e: {  	_ =	swait.ge [sflag:s22], s20  }
0x9f: {  	s4 =	ssub.s32 $0x0, s20;
	[sflag:s22] =	ssyncset.done $0x0  }
0xa0: {  	[sflag:s22] =	ssyncadd.s32 s4;
	_ =	sdelay $0x1  }
0xa1: {  	s23 =	simm.s32 $0x1B8B  }
0xa2: {  	_ =	swait.ge [sflag:s23], $0x1  }
0xa3: {  	[sflag:s23] =	ssyncset.done $0x0  }
0xa4: {  	s25 =	simm.s32 $0x1B8E;
	s24 =	sld [smem:$0x3FFE];
	[sflag:s23] =	ssyncadd.s32 $0xFFFFFFFF  }
0xa5: {  	s26 =	simm.s32 $execute0_lowered;
	[smem:$0x3FD2] =	sst s25  }
0xa6: {  	s5 =	sshll.u32 s26, $0x1;
	_ =	strace $0x80000046;
	[dreg:$0x1] =	wrdreg $0xFFFFFFFF  }
0xa7: {  	s28 =	simm.s32 $_size_execute0_lowered;
	s3 =	sadd.s32 s3, s5;
	[dreg:$0x0] =	wrdreg $0x0  }
0xa8: {  	s5 =	sshll.u32 s28, $0x1;
	[dreg:$0x2] =	wrdreg s3  }
0xa9: {  	[dreg:$0x3] =	wrdreg s5  }
0xaa: {  	[dreg:$0x4] =	wrdreg $0xC0  }
0xab: {  	_ =	task [dreg:s7], $0x5FFFF  }
0xac: {  	[dreg:$0x1] =	wrdreg $0xFFFFFFFF  }
0xad: {  	[dreg:$0x0] =	wrdreg $0x60  }
0xae: {  	[dreg:$0x2] =	wrdreg s24  }
0xaf: {  	[dreg:$0x3] =	wrdreg s2  }
0xb0: {  	[dreg:$0x4] =	wrdreg $0x2B000  }
0xb1: {  	[dreg:$0x5] =	wrdreg $0x9  }
0xb2: {  	_ =	task.clear_ibuf [dreg:s7], $0x6FFFF;
	_ =	strace $0x90000046  }
0xb3: {  	s29 =	simm.s32 $0x9;
	_ =	strace $0x80000048  }
0xb4: {  	_ =	swait.ge [sflag:s29], $0x1  }
0xb5: {  	[sflag:s29] =	ssyncadd.s32 $0xFFFFFFFF  }
0xb6: {  	_ =	strace $0x90000048  }
0xb7: {  	_ =	sfence  }
0xb8: {  	s30 =	sld [smem:$0x0];
	_ =	sdelay $0x2  }
0xb9: {  	s31 =	sshll.u32 s1, $0xD;
	s1 =	sshrl.u32 s1, $0x2  }
0xba: {  	s3 =	sand.u32 $0x4000, s31;
	s1 =	sadd.s32 s1, s30  }
0xbb: {  	s0 =	sor.u32 s3, s0;
	s1 =	sshll.u32 s1, $0x11  }
0xbc: {  	s0 =	sor.u32 s1, s0  }
0xbd: {  	s0 =	sadd.s32 $0x8F2B, s0  }
0xbe: {  	[sflag:s0] =	ssyncadd.remote.s32 $0x1  }
0xbf: {  	_ =	sfence.sel $0xFFFF  }
0xc0: {  	[dreg:$0x0] =	wrdreg $0xFFFFFFFF;
	(pc) =	sbr.abs _section_cstart, $3  }
0xc1: {  	[dreg:$0x1] =	wrdreg $0xFFFFFFFF  }
0xc2: {  	_ =	task.clear_ibuf [dreg:s7], $0x2FFFF;
	_ =	strace $0x9FFFFFFF  }
0xc3: {  	(tm) =	ssettm $0x7FFFFFFF  }
tec
execute0_lowered:
.L_overlay_start_1:
0x0: {  	(tag) =	ssettag $0x1  }
0x1: {  	s4 =	rddreg [dreg:$0x0]  }
0x2: {  	s6 =	rddreg [dreg:$0x1]  }
0x3: {  	s2 =	rddreg [dreg:$0x2]  }
0x4: {  	s3 =	srdreg.scid;
	s1 =	stileid.u32  }
0x5: {  	s0 =	rddreg [dreg:$0x3];
	s14 =	simm.s32 $0x20;
	s15 =	simm.s32 $0x10  }
0x6: {  	s16 =	simm.s32 $0x0;
	s5 =	sand.u32 $0x1, s3;
	s8 =	smul.u32 $0xA00, s1  }
0x7: {  	s7 =	sshll.u32 s1, $0x1;
	s3 =	simm.s32 $0x0;
	s11 =	smul.u32 $0x500, s1  }
0x8: {  	s12 =	sshll.u32 s1, $0x6;
	s7 =	sor.u32 s5, s7;
	[smem:$0x7FF] =	sst s3  }
0x9: {  	s9 =	ssub.s32 $0x2, s5;
	s5 =	sshll.u32 s5, $0x7;
	s12 =	sor.u32 $0x1C01, s12  }
0xa: {  	s7 =	smul.u32 $0x2800, s7;
	_ =	strace $0x80000047;
	s10 =	sshrl.u32 s9, $0x1  }
0xb: {  	s8 =	sshrl.u32 s8, $0x2;
	s30 =	sor.u32 s5, s11;
	s11 =	simm.s32 $0x2800  }
0xc: {  	s9 =	ssub.s32 s9, s10;
	s31 =	sshrl.u32 s30, $0x3;
	s7 =	sshrl.u32 s7, $0x3  }
0xd: {  	s10 =	simm.s32 $0x7D;
	s6 =	sadd.s32 s6, s31;
	s7 =	sadd.s32 s4, s7  }
0xe: {  	s4 =	sadd.s32 s8, s2;
	s8 =	simm.s32 $0x2880;
	s5 =	sadd.s32 $0xBC00, s7  }
0xf: {  	v0 =	vimm.f32 $1.000000000e+00;
	v1 =	vimm.f32 $0.0e+00;
	s7 =	smax.u32 s9, $0x1;
	s9 =	simm.s32 $0x1;
	s13 =	sshrl.u32 s4, $0x3  }
.LBB2_1:
0x10: {  	[tilespmem:$0x2800] =	vst v0  }
0x11: {  	[tilespmem:$0x2810] =	vst v0  }
0x12: {  	[tilespmem:$0x2820] =	vst v0  }
0x13: {  	[tilespmem:$0x2830] =	vst v0  }
0x14: {  	[tilespmem:$0x2840] =	vst v0  }
0x15: {  	[tilespmem:$0x2850] =	vst v0  }
0x16: {  	[tilespmem:$0x2860] =	vst v0  }
0x17: {  	[tilespmem:$0x2870] =	vst v0  }
0x18: {  	[tilespmem:$0x2880] =	vst v1  }
0x19: {  	[tilespmem:$0x2890] =	vst v1  }
0x1a: {  	[tilespmem:$0x28A0] =	vst v1  }
0x1b: {  	[tilespmem:$0x28B0] =	vst v1  }
0x1c: {  	[tilespmem:$0x28C0] =	vst v1  }
0x1d: {  	[tilespmem:$0x28D0] =	vst v1  }
0x1e: {  	[tilespmem:$0x28E0] =	vst v1  }
0x1f: {  	[tilespmem:$0x28F0] =	vst v1  }
0x20: {  	[tilespmem:$0x2900] =	vst v1  }
0x21: {  	[tilespmem:$0x2910] =	vst v1  }
0x22: {  	[tilespmem:$0x2920] =	vst v1  }
0x23: {  	[tilespmem:$0x2930] =	vst v1  }
0x24: {  	[tilespmem:$0x2940] =	vst v1  }
0x25: {  	[tilespmem:$0x2950] =	vst v1  }
0x26: {  	[tilespmem:$0x2960] =	vst v1  }
0x27: {  	[tilespmem:$0x2970] =	vst v1  }
0x28: {  	[tilespmem:$0x2980] =	vst v1  }
0x29: {  	[tilespmem:$0x2990] =	vst v1  }
0x2a: {  	[tilespmem:$0x29A0] =	vst v1  }
0x2b: {  	[tilespmem:$0x29B0] =	vst v1  }
0x2c: {  	[tilespmem:$0x29C0] =	vst v1  }
0x2d: {  	[tilespmem:$0x29D0] =	vst v1  }
0x2e: {  	[tilespmem:$0x29E0] =	vst v1  }
0x2f: {  	[tilespmem:$0x29F0] =	vst v1  }
0x30: {  	[tilespmem:$0x2A00] =	vst v1  }
0x31: {  	[tilespmem:$0x2A10] =	vst v1  }
0x32: {  	[tilespmem:$0x2A20] =	vst v1  }
0x33: {  	[tilespmem:$0x2A30] =	vst v1  }
0x34: {  	[tilespmem:$0x2A40] =	vst v1  }
0x35: {  	[tilespmem:$0x2A50] =	vst v1  }
0x36: {  	[tilespmem:$0x2A60] =	vst v1  }
0x37: {  	[tilespmem:$0x2A70] =	vst v1  }
0x38: {  	[tilespmem:$0x2A80] =	vst v1  }
0x39: {  	[tilespmem:$0x2A90] =	vst v1  }
0x3a: {  	[tilespmem:$0x2AA0] =	vst v1  }
0x3b: {  	[tilespmem:$0x2AB0] =	vst v1  }
0x3c: {  	[tilespmem:$0x2AC0] =	vst v1  }
0x3d: {  	[tilespmem:$0x2AD0] =	vst v1  }
0x3e: {  	[tilespmem:$0x2AE0] =	vst v1  }
0x3f: {  	[tilespmem:$0x2AF0] =	vst v1  }
0x40: {  	[spmem:s4] =	stream.linear.scatter [tilespmem:s8], [sflag:$0x1], $0x280, $0x38;
	[tilespmem:$0x2D80] =	vst v63  }
0x41: {  	_ =	swait.ge [sflag:s9], $0x280  }
0x42: {  	[sflag:s9] =	ssyncset.done $0x0  }
0x43: {  	[sflag:s9] =	ssyncadd.s32 $0xFFFFFD80  }
0x44: {  	[tilespmem:s3], [sflag:$0x1] =	stream.linear.gather [hbm4b:s5+s3], $0x2800, $0x38;
	[tilespmem:$0x2D80] =	vst v63  }
0x45: {  	_ =	swait.ge [sflag:s9], $0x2800  }
0x46: {  	[sflag:s9] =	ssyncset.done $0x0  }
0x47: {  	[sflag:s9] =	ssyncadd.s32 $0xFFFFD800  }
0x48: {  	s17 =	simm.s32 $0x0;
	[bflag:$0x0] =	sbarrier.arrive $0xFFFF  }
0x49: {  	[spmem:s2] =	stream.indirect.scatter.add.f32 [tilespmem:s11], [sflag:$0x1], $0x1, s17, s10, $0xb8;
	[tilespmem:$0x2D80] =	vst v63  }
0x4a: {  	_ =	swait.ge [sflag:s9], $0x7D  }
0x4b: {  	[sflag:s9] =	ssyncset.done $0x0  }
0x4c: {  	s24 =	simm.s32 $0x80;
	[sflag:s9] =	ssyncadd.s32 $0xFFFFFF83  }
0x4d: {  	[spmem:s2] =	stream.indirect.scatter.add.f32 [tilespmem:s11], [sflag:$0x1], $0x1, s24, s10, $0xb8;
	[tilespmem:$0x2D80] =	vst v63  }
0x4e: {  	_ =	swait.ge [sflag:s9], $0x7D  }
0x4f: {  	[sflag:s9] =	ssyncset.done $0x0  }
0x50: {  	s25 =	simm.s32 $0x100;
	[sflag:s9] =	ssyncadd.s32 $0xFFFFFF83  }
0x51: {  	[spmem:s2] =	stream.indirect.scatter.add.f32 [tilespmem:s11], [sflag:$0x1], $0x1, s25, s10, $0xb8;
	[tilespmem:$0x2D80] =	vst v63  }
0x52: {  	_ =	swait.ge [sflag:s9], $0x7D  }
0x53: {  	[sflag:s9] =	ssyncset.done $0x0  }
0x54: {  	s26 =	simm.s32 $0x180;
	[sflag:s9] =	ssyncadd.s32 $0xFFFFFF83  }
0x55: {  	[spmem:s2] =	stream.indirect.scatter.add.f32 [tilespmem:s11], [sflag:$0x1], $0x1, s26, s10, $0xb8;
	[tilespmem:$0x2D80] =	vst v63  }
0x56: {  	_ =	swait.ge [sflag:s9], $0x7D  }
0x57: {  	[sflag:s9] =	ssyncset.done $0x0  }
0x58: {  	s28 =	simm.s32 $0x200;
	[sflag:s9] =	ssyncadd.s32 $0xFFFFFF83  }
0x59: {  	[spmem:s2] =	stream.indirect.scatter.add.f32 [tilespmem:s11], [sflag:$0x1], $0x1, s28, s10, $0xb8;
	[tilespmem:$0x2D80] =	vst v63  }
0x5a: {  	_ =	swait.ge [sflag:s9], $0x7D  }
0x5b: {  	[sflag:s9] =	ssyncset.done $0x0  }
0x5c: {  	s29 =	simm.s32 $0x280;
	[sflag:s9] =	ssyncadd.s32 $0xFFFFFF83  }
0x5d: {  	[spmem:s2] =	stream.indirect.scatter.add.f32 [tilespmem:s11], [sflag:$0x1], $0x1, s29, s10, $0xb8;
	[tilespmem:$0x2D80] =	vst v63  }
0x5e: {  	_ =	swait.ge [sflag:s9], $0x7D  }
0x5f: {  	[sflag:s9] =	ssyncset.done $0x0  }
0x60: {  	s30 =	simm.s32 $0x300;
	[sflag:s9] =	ssyncadd.s32 $0xFFFFFF83  }
0x61: {  	[spmem:s2] =	stream.indirect.scatter.add.f32 [tilespmem:s11], [sflag:$0x1], $0x1, s30, s10, $0xb8;
	[tilespmem:$0x2D80] =	vst v63  }
0x62: {  	_ =	swait.ge [sflag:s9], $0x7D  }
0x63: {  	[sflag:s9] =	ssyncset.done $0x0  }
0x64: {  	s31 =	simm.s32 $0x380;
	[sflag:s9] =	ssyncadd.s32 $0xFFFFFF83  }
0x65: {  	[spmem:s2] =	stream.indirect.scatter.add.f32 [tilespmem:s11], [sflag:$0x1], $0x1, s31, s10, $0xb8;
	[tilespmem:$0x2D80] =	vst v63  }
0x66: {  	_ =	swait.ge [sflag:s9], $0x7D  }
0x67: {  	s20 =	simm.s32 $0x2000;
	s17 =	simm.s32 $0x1000;
	[sflag:s9] =	ssyncset.done $0x0  }
.LBB2_2:
0x68: {  	s19 =	sshra.s32 s17, $0x2  }
0x69: {  	[sflag:s9] =	ssyncadd.s32 $0xFFFFFF83;
	s17 =	smov.u32 s20;
	s18 =	sadd.s32 $0x1000, s20  }
0x6a: {  	[spmem:s2] =	stream.indirect.scatter.add.f32 [tilespmem:s11], [sflag:$0x1], $0x1, s19, s10, $0xb8;
	[tilespmem:$0x2D80] =	vst v63  }
0x6b: {  	p0 =	sne.s32 s20, $0x9000;
	_ =	swait.ge [sflag:s9], $0x7D  }
0x6c: {  	[sflag:s9] =	ssyncset.done $0x0  }
0x6d: {  	s20 =	sadd.s32 $0x80, s19;
	[sflag:s9] =	ssyncadd.s32 $0xFFFFFF83  }
0x6e: {  	[spmem:s2] =	stream.indirect.scatter.add.f32 [tilespmem:s11], [sflag:$0x1], $0x1, s20, s10, $0xb8;
	[tilespmem:$0x2D80] =	vst v63  }
0x6f: {  	_ =	swait.ge [sflag:s9], $0x7D  }
0x70: {  	[sflag:s9] =	ssyncset.done $0x0  }
0x71: {  	s20 =	sadd.s32 $0x100, s19;
	[sflag:s9] =	ssyncadd.s32 $0xFFFFFF83  }
0x72: {  	[spmem:s2] =	stream.indirect.scatter.add.f32 [tilespmem:s11], [sflag:$0x1], $0x1, s20, s10, $0xb8;
	[tilespmem:$0x2D80] =	vst v63  }
0x73: {  	_ =	swait.ge [sflag:s9], $0x7D  }
0x74: {  	[sflag:s9] =	ssyncset.done $0x0  }
0x75: {  	s20 =	sadd.s32 $0x180, s19;
	[sflag:s9] =	ssyncadd.s32 $0xFFFFFF83  }
0x76: {  	[spmem:s2] =	stream.indirect.scatter.add.f32 [tilespmem:s11], [sflag:$0x1], $0x1, s20, s10, $0xb8;
	[tilespmem:$0x2D80] =	vst v63  }
0x77: {  	_ =	swait.ge [sflag:s9], $0x7D  }
0x78: {  	[sflag:s9] =	ssyncset.done $0x0  }
0x79: {  	s20 =	sadd.s32 $0x200, s19;
	[sflag:s9] =	ssyncadd.s32 $0xFFFFFF83  }
0x7a: {  	[spmem:s2] =	stream.indirect.scatter.add.f32 [tilespmem:s11], [sflag:$0x1], $0x1, s20, s10, $0xb8;
	[tilespmem:$0x2D80] =	vst v63  }
0x7b: {  	_ =	swait.ge [sflag:s9], $0x7D  }
0x7c: {  	[sflag:s9] =	ssyncset.done $0x0  }
0x7d: {  	s20 =	sadd.s32 $0x280, s19;
	[sflag:s9] =	ssyncadd.s32 $0xFFFFFF83  }
0x7e: {  	[spmem:s2] =	stream.indirect.scatter.add.f32 [tilespmem:s11], [sflag:$0x1], $0x1, s20, s10, $0xb8;
	[tilespmem:$0x2D80] =	vst v63  }
0x7f: {  	_ =	swait.ge [sflag:s9], $0x7D  }
0x80: {  	[sflag:s9] =	ssyncset.done $0x0  }
0x81: {  	s20 =	sadd.s32 $0x300, s19;
	[sflag:s9] =	ssyncadd.s32 $0xFFFFFF83  }
0x82: {  	[spmem:s2] =	stream.indirect.scatter.add.f32 [tilespmem:s11], [sflag:$0x1], $0x1, s20, s10, $0xb8;
	[tilespmem:$0x2D80] =	vst v63  }
0x83: {  	_ =	swait.ge [sflag:s9], $0x7D  }
.Ltmp0:
0x84: {  	[sflag:s9] =	ssyncset.done $0x0;
	(pc) =	sbr.rel @p0 .LBB2_2-.Ltmp0, $4  }
0x85: {  	s19 =	sadd.s32 $0x380, s19;
	[sflag:s9] =	ssyncadd.s32 $0xFFFFFF83  }
0x86: {  	[spmem:s2] =	stream.indirect.scatter.add.f32 [tilespmem:s11], [sflag:$0x1], $0x1, s19, s10, $0xb8;
	[tilespmem:$0x2D80] =	vst v63  }
0x87: {  	_ =	swait.ge [sflag:s9], $0x7D  }
0x88: {  	s20 =	smov.u32 s18;
	[sflag:s9] =	ssyncset.done $0x0  }
0x89: {  	s17 =	sshra.s32 s17, $0x2;
	[sflag:s9] =	ssyncadd.s32 $0xFFFFFF83  }
0x8a: {  	[spmem:s2] =	stream.indirect.scatter.add.f32 [tilespmem:s11], [sflag:$0x1], $0x1, s17, s10, $0xb8;
	[tilespmem:$0x2D80] =	vst v63  }
0x8b: {  	_ =	swait.ge [sflag:s9], $0x7D  }
0x8c: {  	[sflag:s9] =	ssyncset.done $0x0  }
0x8d: {  	s18 =	sadd.s32 $0x80, s17;
	[sflag:s9] =	ssyncadd.s32 $0xFFFFFF83  }
0x8e: {  	[spmem:s2] =	stream.indirect.scatter.add.f32 [tilespmem:s11], [sflag:$0x1], $0x1, s18, s10, $0xb8;
	[tilespmem:$0x2D80] =	vst v63  }
0x8f: {  	_ =	swait.ge [sflag:s9], $0x7D  }
0x90: {  	[sflag:s9] =	ssyncset.done $0x0  }
0x91: {  	s26 =	sadd.s32 $0x100, s17;
	[sflag:s9] =	ssyncadd.s32 $0xFFFFFF83  }
0x92: {  	[spmem:s2] =	stream.indirect.scatter.add.f32 [tilespmem:s11], [sflag:$0x1], $0x1, s26, s10, $0xb8;
	[tilespmem:$0x2D80] =	vst v63  }
0x93: {  	_ =	swait.ge [sflag:s9], $0x7D  }
0x94: {  	[sflag:s9] =	ssyncset.done $0x0  }
0x95: {  	s28 =	sadd.s32 $0x180, s17;
	[sflag:s9] =	ssyncadd.s32 $0xFFFFFF83  }
0x96: {  	[spmem:s2] =	stream.indirect.scatter.add.f32 [tilespmem:s11], [sflag:$0x1], $0x1, s28, s10, $0xb8;
	[tilespmem:$0x2D80] =	vst v63  }
0x97: {  	_ =	swait.ge [sflag:s9], $0x7D  }
0x98: {  	[sflag:s9] =	ssyncset.done $0x0  }
0x99: {  	s29 =	sadd.s32 $0x200, s17;
	[sflag:s9] =	ssyncadd.s32 $0xFFFFFF83  }
0x9a: {  	[spmem:s2] =	stream.indirect.scatter.add.f32 [tilespmem:s11], [sflag:$0x1], $0x1, s29, s10, $0xb8;
	[tilespmem:$0x2D80] =	vst v63  }
0x9b: {  	_ =	swait.ge [sflag:s9], $0x7D  }
0x9c: {  	[sflag:s9] =	ssyncset.done $0x0  }
0x9d: {  	s30 =	sadd.s32 $0x280, s17;
	[sflag:s9] =	ssyncadd.s32 $0xFFFFFF83  }
0x9e: {  	[spmem:s2] =	stream.indirect.scatter.add.f32 [tilespmem:s11], [sflag:$0x1], $0x1, s30, s10, $0xb8;
	[tilespmem:$0x2D80] =	vst v63  }
0x9f: {  	_ =	swait.ge [sflag:s9], $0x7D  }
0xa0: {  	[sflag:s9] =	ssyncset.done $0x0  }
0xa1: {  	s31 =	sadd.s32 $0x300, s17;
	[sflag:s9] =	ssyncadd.s32 $0xFFFFFF83  }
0xa2: {  	[spmem:s2] =	stream.indirect.scatter.add.f32 [tilespmem:s11], [sflag:$0x1], $0x1, s31, s10, $0xb8;
	[tilespmem:$0x2D80] =	vst v63  }
0xa3: {  	_ =	swait.ge [sflag:s9], $0x7D  }
0xa4: {  	[sflag:s9] =	ssyncset.done $0x0  }
0xa5: {  	s17 =	sadd.s32 $0x380, s17;
	[sflag:s9] =	ssyncadd.s32 $0xFFFFFF83  }
0xa6: {  	[spmem:s2] =	stream.indirect.scatter.add.f32 [tilespmem:s11], [sflag:$0x1], $0x1, s17, s10, $0xb8;
	[tilespmem:$0x2D80] =	vst v63  }
0xa7: {  	_ =	swait.ge [sflag:s9], $0x7D  }
0xa8: {  	s16 =	sadd.s32 $0x1, s16;
	[sflag:s9] =	ssyncset.done $0x0  }
0xa9: {  	p0 =	sne.s32 s16, s7;
	[sflag:s9] =	ssyncadd.s32 $0xFFFFFF83  }
.Ltmp1:
0xaa: {  	[bflag:$0x0] =	sbarrier.arrive $0xFFFF;
	(pc) =	sbr.rel @p0 .LBB2_1-.Ltmp1, $4  }
0xab: {  	[hbm:s6@s14], [sflag:s12] =	dma.strided [spmem:s13@s15], $0x50, s9, $0x10   }
0xac: {  	_ =	swait.ge [sflag:s9], $0x50  }
0xad: {  	[sflag:s9] =	ssyncset.done $0x0  }
0xae: {  	[sflag:s9] =	ssyncadd.s32 $0xFFFFFFB0  }
0xaf: {  	_ =	sfence.sel $0x180000  }
0xb0: {  	[bflag:$0x0] =	sbarrier.arrive $0xFFFF  }
0xb1: {  	p0 =	sne.s32 s1, $0x0;
	_ =	strace $0x90000047  }
0xb2: {  	s0 =	sadd.s32 @!p0 $0x100000, s0;
	[bflag:$0x2] =	sbarrier.arrive $0xFFFF  }
0xb3: {  	[sflag:s0] =	ssyncadd.tile.s32 @!p0 $0x1;
	_ =	shalt  }
.Lfunc_end2:
_tile_overlayer_lowered:
.L_overlay_start_2:
0xb4: {  	(tag) =	ssettag $0x2  }
0xb5: {  	s0 =	rddreg [dreg:$0x0];
	s2 =	stileid.u32  }
0xb6: {  	s1 =	rddreg [dreg:$0x1];
	p0 =	sne.s32 s2, $0x0  }
0xb7: {  	s3 =	rddreg [dreg:$0x2];
	[bflag:$0x3] =	sbarrier.arrive $0xFFFF;
	s2 =	simm.s32 @!p0 $0x1C01  }
0xb8: {  	[timem:s3], [sflag:s2] =	dma.local @!p0 [hbm:s0], s1  }
0xb9: {  	s0 =	simm.s32 @!p0 $0x1  }
0xba: {  	_ =	swait.ge @!p0 [sflag:s0], s1  }
0xbb: {  	s1 =	ssub.s32 @!p0 $0x0, s1;
	[sflag:s0] =	ssyncset.done @!p0 $0x0  }
0xbc: {  	[sflag:s0] =	ssyncadd.s32 @!p0 s1  }
0xbd: {  	[bflag:$0x3] =	sbarrier.arrive $0xFFFF  }
0xbe: {  	_ =	shalt  }

// kernel: kernel.9.cloned.1.call-start
scs
__scs_entry_jumppad:
0x0: {  	(pc) =	sbr.rel $0x88, $3  }
0x1: {  	(tag) =	ssettag $0x0;
	lr =	simm.s32 $0x1  }
0x2: {  	[smem:$0x3F9D] =	sst lr;
	_ =	strace $0xD0000000  }
0x3: {  	_ = 	snop  }
0x4: {  	_ = 	snop  }
0x5: {  	_ = 	snop  }
0x6: {  	_ = 	snop  }
0x7: {  	_ = 	snop  }
__scs_overlays_trampoline_lowered:
0x8: {  	[smem:$0x3FAC] =	sst s0  }
0x9: {  	[smem:$0x3FAD] =	sst s1  }
0xa: {  	[smem:$0x3FAE] =	sst s2  }
0xb: {  	[smem:$0x3FAF] =	sst s3  }
0xc: {  	[smem:$0x3FB0] =	sst s4  }
0xd: {  	[smem:$0x3FB1] =	sst s5  }
0xe: {  	[smem:$0x3FB2] =	sst s6  }
0xf: {  	[smem:$0x3FB3] =	sst s7  }
0x10: {  	[smem:$0x3FB4] =	sst s8  }
0x11: {  	[smem:$0x3FB5] =	sst s9;
	s0 =	simm.s32 @!p0 $0x0  }
0x12: {  	s1 =	sld [smem:$0x3F9B];
	s0 =	simm.s32 @p0 $0x1  }
0x13: {  	[smem:$0x3FB6] =	sst s0;
	s0 =	simm.s32 @!p1 $0x0  }
0x14: {  	s2 =	sld [smem:$0x3F9A];
	s0 =	simm.s32 @p1 $0x1  }
0x15: {  	[smem:$0x3FB7] =	sst s0;
	s0 =	simm.s32 @!p2 $0x0  }
0x16: {  	s3 =	sld [smem:$0x3FDB];
	s0 =	simm.s32 @p2 $0x1  }
0x17: {  	s4 =	simm.s32 $0x1BF5;
	[smem:$0x3FB9] =	sst s0  }
0x18: {  	s0 =	sld [smem:$0x3F9C];
	_ =	swait.ge [sflag:s4], $0x0  }
0x19: {  	s7 =	sld [smem:$0x3F9D]  }
0x1a: {  	s8 =	sadd.s32 $0xFFFFE003, lr  }
0x1b: {  	s9 =	sadd.s32 $0xFFFFFEF7, lr;
	s5 =	simm.s32 $0xFFFFFFFF;
	p2 =	slt.u32 s8, $0xFFFFF086  }
0x1c: {  	p1 =	slt.u32 s9, $0xF7A;
	s5 =	simm.s32 @!p2 $0x0  }
0x1d: {  	s5 =	simm.s32 @p1 $0x1;
	p0 =	seq.s32 s7, s2  }
0x1e: {  	s7 =	smul.u32 @!p0 $0xF7A, s2;
	p2 =	seq.s32 @!p0 s5, $0x0  }
0x1f: {  	s9 =	smul.u32 $0xF7A, s1;
	s8 =	simm.s32 @!p0 $0x1BF5;
	p2 =	por !p2, p0  }
0x20: {  	[sflag:s8] =	ssyncset.s32 @!p0 $0xFFFFF086;
	s6 =	sadd.s32 @!p0 s3, s7;
	s7 =	simm.s32 @!p0 $0x108  }
0x21: {  	s3 =	sadd.s32 s3, s9;
	s6 =	sadd.s32 @!p0 $0x88, s6;
	s7 =	simm.s32 @p2 $0x1082  }
0x22: {  	[simem:s7], [sflag:s8] =	dma.local @!p0 [hbm:s6], $0xF7A  }
0x23: {  	s9 =	sor.u32 $0xD0000000, s2;
	s6 =	simm.s32 $0x108;
	_ =	swait.ge @!p0 [sflag:s8], $0x0  }
0x24: {  	s3 =	sadd.s32 $0x88, s3;
	s6 =	simm.s32 @!p1 $0x1082;
	[sflag:s4] =	ssyncset.s32 $0xFFFFF086  }
0x25: {  	[simem:s6], [sflag:s4] =	dma.local [hbm:s3], $0xF7A  }
0x26: {  	[smem:$0x3F9D] =	sst s1;
	(tag) =	ssettag s2;
	_ =	strace s9  }
0x27: {  	s1 =	sld [smem:$0x3FAD]  }
0x28: {  	s2 =	sld [smem:$0x3FAE]  }
0x29: {  	s4 =	sld [smem:$0x3FB0]  }
0x2a: {  	p0 =	seq.s32 s5, $0x0;
	s5 =	sld [smem:$0x3FB1]  }
0x2b: {  	s6 =	sld [smem:$0x3FB2]  }
0x2c: {  	s7 =	sld [smem:$0x3FB3]  }
0x2d: {  	s3 =	simm.s32 $0x108;
	s8 =	sld [smem:$0x3FB4]  }
0x2e: {  	s3 =	simm.s32 @!p0 $0x1082;
	s9 =	sld [smem:$0x3FB5]  }
0x2f: {  	lr =	sadd.s32 s0, s3;
	s0 =	sld [smem:$0x3FAC]  }
0x30: {  	s3 =	sld [smem:$0x3FAF]  }
0x31: {  	[smem:$0x3FB8] =	sst s10  }
0x32: {  	s10 =	sld [smem:$0x3FB6];
	_ =	sdelay $0x3  }
0x33: {  	p0 =	seq.s32 s10, $0x1;
	s10 =	sld [smem:$0x3FB8];
	_ =	sdelay $0x3  }
0x34: {  	[smem:$0x3FB8] =	sst s10  }
0x35: {  	s10 =	sld [smem:$0x3FB7];
	_ =	sdelay $0x3  }
0x36: {  	p1 =	seq.s32 s10, $0x1;
	s10 =	sld [smem:$0x3FB8];
	_ =	sdelay $0x3  }
0x37: {  	[smem:$0x3FB8] =	sst s10  }
0x38: {  	s10 =	sld [smem:$0x3FB9]  }
0x39: {  	_ = 	snop;
	(pc) =	sbr.ind lr, $3  }
0x3a: {  	_ = 	snop  }
0x3b: {  	_ = 	snop  }
0x3c: {  	p2 =	seq.s32 s10, $0x1;
	s10 =	sld [smem:$0x3FB8]  }
0x3d: {  	_ =	shalt  }
0x3e: {  	_ =	shalt  }
0x3f: {  	_ =	shalt  }
0x40: {  	_ =	shalt  }
0x41: {  	_ =	shalt  }
0x42: {  	_ =	shalt  }
0x43: {  	_ =	shalt  }
0x44: {  	_ =	shalt  }
0x45: {  	_ =	shalt  }
0x46: {  	_ =	shalt  }
0x47: {  	_ =	shalt  }
0x48: {  	_ =	shalt  }
0x49: {  	_ =	shalt  }
0x4a: {  	_ =	shalt  }
0x4b: {  	_ =	shalt  }
0x4c: {  	_ =	shalt  }
0x4d: {  	_ =	shalt  }
0x4e: {  	_ =	shalt  }
0x4f: {  	_ =	shalt  }
0x50: {  	_ =	shalt  }
0x51: {  	_ =	shalt  }
0x52: {  	_ =	shalt  }
0x53: {  	_ =	shalt  }
0x54: {  	_ =	shalt  }
0x55: {  	_ =	shalt  }
0x56: {  	_ =	shalt  }
0x57: {  	_ =	shalt  }
0x58: {  	_ =	shalt  }
0x59: {  	_ =	shalt  }
0x5a: {  	_ =	shalt  }
0x5b: {  	_ =	shalt  }
0x5c: {  	_ =	shalt  }
0x5d: {  	_ =	shalt  }
0x5e: {  	_ =	shalt  }
0x5f: {  	_ =	shalt  }
0x60: {  	_ =	shalt  }
0x61: {  	_ =	shalt  }
0x62: {  	_ =	shalt  }
0x63: {  	_ =	shalt  }
0x64: {  	_ =	shalt  }
0x65: {  	_ =	shalt  }
0x66: {  	_ =	shalt  }
0x67: {  	_ =	shalt  }
0x68: {  	_ =	shalt  }
0x69: {  	_ =	shalt  }
0x6a: {  	_ =	shalt  }
0x6b: {  	_ =	shalt  }
0x6c: {  	_ =	shalt  }
0x6d: {  	_ =	shalt  }
0x6e: {  	_ =	shalt  }
0x6f: {  	_ =	shalt  }
0x70: {  	_ =	shalt  }
0x71: {  	_ =	shalt  }
0x72: {  	_ =	shalt  }
0x73: {  	_ =	shalt  }
0x74: {  	_ =	shalt  }
0x75: {  	_ =	shalt  }
0x76: {  	_ =	shalt  }
0x77: {  	_ =	shalt  }
0x78: {  	_ =	shalt  }
0x79: {  	_ =	shalt  }
0x7a: {  	_ =	shalt  }
0x7b: {  	_ =	shalt  }
0x7c: {  	_ =	shalt  }
0x7d: {  	_ =	shalt  }
0x7e: {  	_ =	shalt  }
0x7f: {  	_ =	shalt  }
0x80: {  	_ =	shalt  }
0x81: {  	_ =	shalt  }
0x82: {  	_ =	shalt  }
0x83: {  	_ =	shalt  }
0x84: {  	_ =	shalt  }
0x85: {  	_ =	shalt  }
0x86: {  	_ =	shalt  }
0x87: {  	_ =	shalt  }
.Lfunc_end0:
.L_simem_size_0:
called_computation.1_lowered:
.L_overlay_start_0:
0x88: {  	s2 =	sld [smem:$0x3FD9]  }
0x89: {  	s3 =	sld [smem:$0x3FFE];
	_ =	sdelay $0x1  }
0x8a: {  	s1 =	srdreg.scid  }
0x8b: {  	s0 =	sand.u32 $0x1, s1  }
0x8c: {  	s17 =	sshll.u32 s0, $0xA;
	s2 =	sadd.s32 s3, s2  }
0x8d: {  	s2 =	sadd.s32 s2, s17  }
0x8e: {  	[smem:$0x3FC4] =	sst s2  }
0x8f: {  	_ = 	snop  }
0x90: {  	s2 =	sld [smem:$0x3FD0];
	(tm) =	ssettm $0x1  }
0x91: {  	s18 =	sld [smem:$0x3FFB];
	_ =	sdelay $0x3  }
0x92: {  	_ =	strace s18  }
0x93: {  	s3 =	sld [smem:$0x3FFC];
	_ =	sdelay $0x3  }
0x94: {  	_ =	strace s3  }
0x95: {  	s3 =	sld [smem:$0x3FFD];
	_ =	sdelay $0x3  }
0x96: {  	_ =	strace s3  }
0x97: {  	_ =	strace $0x8FFFFFFF  }
0x98: {  	s19 =	sld [smem:$0x3FDB];
	_ =	sdelay $0x1  }
0x99: {  	s4 =	simm.s32 $_scs_section_size  }
0x9a: {  	s5 =	simm.s32 $_size__tile_overlayer_lowered;
	s6 =	simm.s32 $_tile_overlayer_lowered  }
0x9b: {  	s22 =	simm.s32 $0x1BFF;
	s21 =	sshll.u32 s6, $0x1;
	s3 =	sadd.s32 s4, s19  }
0x9c: {  	s7 =	simm.s32 $0x0;
	s20 =	sshll.u32 s5, $0x1;
	s5 =	sadd.s32 s21, s3  }
0x9d: {  	[timem:s7], [sflag:s22] =	dma.local [hbm:s5], s20  }
0x9e: {  	_ =	swait.ge [sflag:s22], s20  }
0x9f: {  	s4 =	ssub.s32 $0x0, s20;
	[sflag:s22] =	ssyncset.done $0x0  }
0xa0: {  	[sflag:s22] =	ssyncadd.s32 s4;
	_ =	sdelay $0x1  }
0xa1: {  	s23 =	simm.s32 $0x1B8B  }
0xa2: {  	_ =	swait.ge [sflag:s23], $0x1  }
0xa3: {  	[sflag:s23] =	ssyncset.done $0x0  }
0xa4: {  	s25 =	simm.s32 $0x1B8E;
	s24 =	sld [smem:$0x3FFE];
	[sflag:s23] =	ssyncadd.s32 $0xFFFFFFFF  }
0xa5: {  	s26 =	simm.s32 $execute0_lowered;
	[smem:$0x3FD2] =	sst s25  }
0xa6: {  	s5 =	sshll.u32 s26, $0x1;
	_ =	strace $0x80000049;
	[dreg:$0x1] =	wrdreg $0xFFFFFFFF  }
0xa7: {  	s28 =	simm.s32 $_size_execute0_lowered;
	s3 =	sadd.s32 s3, s5;
	[dreg:$0x0] =	wrdreg $0x0  }
0xa8: {  	s5 =	sshll.u32 s28, $0x1;
	[dreg:$0x2] =	wrdreg s3  }
0xa9: {  	[dreg:$0x3] =	wrdreg s5  }
0xaa: {  	[dreg:$0x4] =	wrdreg $0xC0  }
0xab: {  	_ =	task [dreg:s7], $0x5FFFF  }
0xac: {  	[dreg:$0x1] =	wrdreg $0xFFFFFFFF  }
0xad: {  	[dreg:$0x0] =	wrdreg $0x60  }
0xae: {  	[dreg:$0x2] =	wrdreg s2  }
0xaf: {  	[dreg:$0x3] =	wrdreg s24  }
0xb0: {  	[dreg:$0x4] =	wrdreg $0xB8000  }
0xb1: {  	[dreg:$0x5] =	wrdreg $0x9  }
0xb2: {  	_ =	task.clear_ibuf [dreg:s7], $0x6FFFF;
	_ =	strace $0x90000049  }
0xb3: {  	s29 =	simm.s32 $0x9;
	_ =	strace $0x8000004B  }
0xb4: {  	_ =	swait.ge [sflag:s29], $0x1  }
0xb5: {  	[sflag:s29] =	ssyncadd.s32 $0xFFFFFFFF  }
0xb6: {  	_ =	strace $0x9000004B  }
0xb7: {  	_ =	sfence  }
0xb8: {  	s30 =	sld [smem:$0x0];
	_ =	sdelay $0x2  }
0xb9: {  	s31 =	sshll.u32 s1, $0xD;
	s1 =	sshrl.u32 s1, $0x2  }
0xba: {  	s3 =	sand.u32 $0x4000, s31;
	s1 =	sadd.s32 s1, s30  }
0xbb: {  	s0 =	sor.u32 s3, s0;
	s1 =	sshll.u32 s1, $0x11  }
0xbc: {  	s0 =	sor.u32 s1, s0  }
0xbd: {  	s0 =	sadd.s32 $0x8F2B, s0  }
0xbe: {  	[sflag:s0] =	ssyncadd.remote.s32 $0x1  }
0xbf: {  	_ =	sfence.sel $0xFFFF  }
0xc0: {  	[dreg:$0x0] =	wrdreg $0xFFFFFFFF;
	(pc) =	sbr.abs _section_cstart, $3  }
0xc1: {  	[dreg:$0x1] =	wrdreg $0xFFFFFFFF  }
0xc2: {  	_ =	task.clear_ibuf [dreg:s7], $0x2FFFF;
	_ =	strace $0x9FFFFFFF  }
0xc3: {  	(tm) =	ssettm $0x7FFFFFFF  }
tec
execute0_lowered:
.L_overlay_start_1:
0x0: {  	(tag) =	ssettag $0x1  }
0x1: {  	s1 =	rddreg [dreg:$0x0]  }
0x2: {  	s6 =	rddreg [dreg:$0x1]  }
0x3: {  	s2 =	rddreg [dreg:$0x2]  }
0x4: {  	s3 =	srdreg.scid;
	s0 =	rddreg [dreg:$0x3];
	s4 =	simm.s32 $0x0  }
0x5: {  	s26 =	simm.s32 $0x2880;
	s28 =	simm.s32 $0x2900;
	s29 =	simm.s32 $0x2980  }
0x6: {  	s30 =	simm.s32 $0x2A00;
	s31 =	simm.s32 $0x2A80;
	[smem:$0x7FF] =	sst s4  }
0x7: {  	s16 =	simm.s32 $0x2B00;
	_ =	strace $0x8000004A;
	[dreg:$0x4] =	wrdreg s26  }
0x8: {  	s17 =	simm.s32 $0x2B80;
	s18 =	simm.s32 $0x2C80;
	[dreg:$0x5] =	wrdreg s28  }
0x9: {  	s19 =	simm.s32 $0x2D00;
	s20 =	simm.s32 $0x2D80;
	[dreg:$0x6] =	wrdreg s29  }
0xa: {  	s8 =	sand.u32 $0x1, s3;
	s3 =	stileid.u32;
	[dreg:$0x7] =	wrdreg s30  }
0xb: {  	s21 =	simm.s32 $0x2E00;
	s7 =	smul.u32 $0x140000, s8;
	[dreg:$0x8] =	wrdreg s31  }
0xc: {  	s5 =	sadd.s32 $0x1C00, s6;
	s9 =	smul.u32 $0x14000, s3;
	[dreg:$0x9] =	wrdreg s16  }
0xd: {  	s22 =	sshll.u32 s3, $0x1;
	s11 =	smul.u32 $0x50000, s3;
	[dreg:$0xa] =	wrdreg s17  }
0xe: {  	s10 =	ssub.s32 $0x2, s8;
	s14 =	smul.u32 $0x5000, s3;
	[dreg:$0xb] =	wrdreg s18  }
0xf: {  	s15 =	smul.u32 $0x2800, s8;
	s16 =	simm.s32 $0x3;
	[dreg:$0xc] =	wrdreg s19  }
0x10: {  	s17 =	simm.s32 $0x7D;
	s18 =	simm.s32 $0x3000;
	[dreg:$0xd] =	wrdreg s20  }
0x11: {  	s19 =	simm.s32 $0x2C00;
	s20 =	simm.s32 $0x7000;
	[dreg:$0xe] =	wrdreg s21  }
0x12: {  	s21 =	simm.s32 $0x1;
	s12 =	sshrl.u32 s10, $0x1;
	s7 =	sadd.s32 s9, s7  }
0x13: {  	s9 =	sor.u32 s8, s22;
	s12 =	ssub.s32 s10, s12;
	s23 =	sshrl.u32 s11, $0x2  }
0x14: {  	s25 =	sadd.s32 s15, s14;
	s14 =	simm.s32 $0x5;
	s15 =	simm.s32 $0x2800  }
0x15: {  	s22 =	simm.s32 $0x2E80;
	s7 =	sshrl.u32 s7, $0x3;
	s9 =	smul.u32 $0x2800, s9  }
0x16: {  	s11 =	smax.u32 s12, $0x1;
	s12 =	sadd.s32 $0x50400, s25;
	[dreg:$0xf] =	wrdreg s22  }
0x17: {  	s22 =	simm.s32 $0x2;
	s13 =	sadd.s32 s7, s6;
	s6 =	sadd.s32 s23, s2  }
0x18: {  	s12 =	sshrl.u32 s12, $0x3;
	s23 =	simm.s32 $0x2F00;
	s7 =	sadd.s32 $0x50000, s9  }
0x19: {  	s9 =	sshrl.u32 s9, $0x3;
	s10 =	sadd.s32 $0x15C00, s13;
	s12 =	sadd.s32 s12, s5  }
0x1a: {  	s13 =	simm.s32 $0xB000;
	[dreg:$0x10] =	wrdreg s23;
	s24 =	sshrl.u32 s7, $0x3  }
0x1b: {  	s8 =	sadd.s32 s5, s9;
	s9 =	sadd.s32 s5, s24;
	s24 =	simm.s32 $0x2F80  }
0x1c: {  	v0 =	vimm.f32 $0.0e+00;
	s23 =	simm.s32 $0x4;
	[dreg:$0x11] =	wrdreg s24;
	s24 =	simm.s32 $0x0  }
.LBB2_1:
0x1d: {  	[tilespmem:$0xB000] =	vst v0  }
0x1e: {  	[tilespmem:$0xB010] =	vst v0  }
0x1f: {  	[tilespmem:$0xB020] =	vst v0  }
0x20: {  	[tilespmem:$0xB030] =	vst v0  }
0x21: {  	[tilespmem:$0xB040] =	vst v0  }
0x22: {  	[tilespmem:$0xB050] =	vst v0  }
0x23: {  	[tilespmem:$0xB060] =	vst v0  }
0x24: {  	[tilespmem:$0xB070] =	vst v0  }
0x25: {  	[tilespmem:$0xB080] =	vst v0  }
0x26: {  	[tilespmem:$0xB090] =	vst v0  }
0x27: {  	[tilespmem:$0xB0A0] =	vst v0  }
0x28: {  	[tilespmem:$0xB0B0] =	vst v0  }
0x29: {  	[tilespmem:$0xB0C0] =	vst v0  }
0x2a: {  	[tilespmem:$0xB0D0] =	vst v0  }
0x2b: {  	[tilespmem:$0xB0E0] =	vst v0  }
0x2c: {  	[tilespmem:$0xB0F0] =	vst v0  }
0x2d: {  	[tilespmem:$0xB100] =	vst v0  }
0x2e: {  	[tilespmem:$0xB110] =	vst v0  }
0x2f: {  	[tilespmem:$0xB120] =	vst v0  }
0x30: {  	[tilespmem:$0xB130] =	vst v0  }
0x31: {  	[tilespmem:$0xB140] =	vst v0  }
0x32: {  	[tilespmem:$0xB150] =	vst v0  }
0x33: {  	[tilespmem:$0xB160] =	vst v0  }
0x34: {  	[tilespmem:$0xB170] =	vst v0  }
0x35: {  	[tilespmem:$0xB180] =	vst v0  }
0x36: {  	[tilespmem:$0xB190] =	vst v0  }
0x37: {  	[tilespmem:$0xB1A0] =	vst v0  }
0x38: {  	[tilespmem:$0xB1B0] =	vst v0  }
0x39: {  	[tilespmem:$0xB1C0] =	vst v0  }
0x3a: {  	[tilespmem:$0xB1D0] =	vst v0  }
0x3b: {  	[tilespmem:$0xB1E0] =	vst v0  }
0x3c: {  	[tilespmem:$0xB1F0] =	vst v0  }
0x3d: {  	[tilespmem:$0xB200] =	vst v0  }
0x3e: {  	[tilespmem:$0xB210] =	vst v0  }
0x3f: {  	[tilespmem:$0xB220] =	vst v0  }
0x40: {  	[tilespmem:$0xB230] =	vst v0  }
0x41: {  	[tilespmem:$0xB240] =	vst v0  }
0x42: {  	[tilespmem:$0xB250] =	vst v0  }
0x43: {  	[tilespmem:$0xB260] =	vst v0  }
0x44: {  	[tilespmem:$0xB270] =	vst v0  }
0x45: {  	[tilespmem:$0xB280] =	vst v0  }
0x46: {  	[tilespmem:$0xB290] =	vst v0  }
0x47: {  	[tilespmem:$0xB2A0] =	vst v0  }
0x48: {  	[tilespmem:$0xB2B0] =	vst v0  }
0x49: {  	[tilespmem:$0xB2C0] =	vst v0  }
0x4a: {  	[tilespmem:$0xB2D0] =	vst v0  }
0x4b: {  	[tilespmem:$0xB2E0] =	vst v0  }
0x4c: {  	[tilespmem:$0xB2F0] =	vst v0  }
0x4d: {  	[tilespmem:$0xB300] =	vst v0  }
0x4e: {  	[tilespmem:$0xB310] =	vst v0  }
0x4f: {  	[tilespmem:$0xB320] =	vst v0  }
0x50: {  	[tilespmem:$0xB330] =	vst v0  }
0x51: {  	[tilespmem:$0xB340] =	vst v0  }
0x52: {  	[tilespmem:$0xB350] =	vst v0  }
0x53: {  	[tilespmem:$0xB360] =	vst v0  }
0x54: {  	[tilespmem:$0xB370] =	vst v0  }
0x55: {  	[tilespmem:$0xB380] =	vst v0  }
0x56: {  	[tilespmem:$0xB390] =	vst v0  }
0x57: {  	[tilespmem:$0xB3A0] =	vst v0  }
0x58: {  	[tilespmem:$0xB3B0] =	vst v0  }
0x59: {  	[tilespmem:$0xB3C0] =	vst v0  }
0x5a: {  	[tilespmem:$0xB3D0] =	vst v0  }
0x5b: {  	[tilespmem:$0xB3E0] =	vst v0  }
0x5c: {  	[tilespmem:$0xB3F0] =	vst v0  }
0x5d: {  	[tilespmem:$0xB400] =	vst v0  }
0x5e: {  	[tilespmem:$0xB410] =	vst v0  }
0x5f: {  	[tilespmem:$0xB420] =	vst v0  }
0x60: {  	[tilespmem:$0xB430] =	vst v0  }
0x61: {  	[tilespmem:$0xB440] =	vst v0  }
0x62: {  	[tilespmem:$0xB450] =	vst v0  }
0x63: {  	[tilespmem:$0xB460] =	vst v0  }
0x64: {  	[tilespmem:$0xB470] =	vst v0  }
0x65: {  	[tilespmem:$0xB480] =	vst v0  }
0x66: {  	[tilespmem:$0xB490] =	vst v0  }
0x67: {  	[tilespmem:$0xB4A0] =	vst v0  }
0x68: {  	[tilespmem:$0xB4B0] =	vst v0  }
0x69: {  	[tilespmem:$0xB4C0] =	vst v0  }
0x6a: {  	[tilespmem:$0xB4D0] =	vst v0  }
0x6b: {  	[tilespmem:$0xB4E0] =	vst v0  }
0x6c: {  	[tilespmem:$0xB4F0] =	vst v0  }
0x6d: {  	[tilespmem:$0xB500] =	vst v0  }
0x6e: {  	[tilespmem:$0xB510] =	vst v0  }
0x6f: {  	[tilespmem:$0xB520] =	vst v0  }
0x70: {  	[tilespmem:$0xB530] =	vst v0  }
0x71: {  	[tilespmem:$0xB540] =	vst v0  }
0x72: {  	[tilespmem:$0xB550] =	vst v0  }
0x73: {  	[tilespmem:$0xB560] =	vst v0  }
0x74: {  	[tilespmem:$0xB570] =	vst v0  }
0x75: {  	[tilespmem:$0xB580] =	vst v0  }
0x76: {  	[tilespmem:$0xB590] =	vst v0  }
0x77: {  	[tilespmem:$0xB5A0] =	vst v0  }
0x78: {  	[tilespmem:$0xB5B0] =	vst v0  }
0x79: {  	[tilespmem:$0xB5C0] =	vst v0  }
0x7a: {  	[tilespmem:$0xB5D0] =	vst v0  }
0x7b: {  	[tilespmem:$0xB5E0] =	vst v0  }
0x7c: {  	[tilespmem:$0xB5F0] =	vst v0  }
0x7d: {  	[tilespmem:$0xB600] =	vst v0  }
0x7e: {  	[tilespmem:$0xB610] =	vst v0  }
0x7f: {  	[tilespmem:$0xB620] =	vst v0  }
0x80: {  	[tilespmem:$0xB630] =	vst v0  }
0x81: {  	[tilespmem:$0xB640] =	vst v0  }
0x82: {  	[tilespmem:$0xB650] =	vst v0  }
0x83: {  	[tilespmem:$0xB660] =	vst v0  }
0x84: {  	[tilespmem:$0xB670] =	vst v0  }
0x85: {  	[tilespmem:$0xB680] =	vst v0  }
0x86: {  	[tilespmem:$0xB690] =	vst v0  }
0x87: {  	[tilespmem:$0xB6A0] =	vst v0  }
0x88: {  	[tilespmem:$0xB6B0] =	vst v0  }
0x89: {  	[tilespmem:$0xB6C0] =	vst v0  }
0x8a: {  	[tilespmem:$0xB6D0] =	vst v0  }
0x8b: {  	[tilespmem:$0xB6E0] =	vst v0  }
0x8c: {  	[tilespmem:$0xB6F0] =	vst v0  }
0x8d: {  	[tilespmem:$0xB700] =	vst v0  }
0x8e: {  	[tilespmem:$0xB710] =	vst v0  }
0x8f: {  	[tilespmem:$0xB720] =	vst v0  }
0x90: {  	[tilespmem:$0xB730] =	vst v0  }
0x91: {  	[tilespmem:$0xB740] =	vst v0  }
0x92: {  	[tilespmem:$0xB750] =	vst v0  }
0x93: {  	[tilespmem:$0xB760] =	vst v0  }
0x94: {  	[tilespmem:$0xB770] =	vst v0  }
0x95: {  	[tilespmem:$0xB780] =	vst v0  }
0x96: {  	[tilespmem:$0xB790] =	vst v0  }
0x97: {  	[tilespmem:$0xB7A0] =	vst v0  }
0x98: {  	[tilespmem:$0xB7B0] =	vst v0  }
0x99: {  	[tilespmem:$0xB7C0] =	vst v0  }
0x9a: {  	[tilespmem:$0xB7D0] =	vst v0  }
0x9b: {  	[tilespmem:$0xB7E0] =	vst v0  }
0x9c: {  	[tilespmem:$0xB7F0] =	vst v0;
	s25 =	sadd.s32 $0x0, s6  }
0x9d: {  	[spmem:s25] =	stream.linear.scatter [tilespmem:s13], [sflag:$0x5], $0x800, $0x38;
	[tilespmem:$0x1F800] =	vst v63  }
0x9e: {  	s25 =	simm.s32 $0x2000;
	_ =	swait.ge [sflag:s14], $0x800  }
.LBB2_2:
0x9f: {  	s26 =	sshra.s32 s25, $0x2;
	[sflag:s14] =	ssyncset.done $0x0;
	p0 =	sne.s32 s25, $0x4E000  }
.Ltmp0:
0xa0: {  	s26 =	sadd.s32 s26, s6;
	[sflag:s14] =	ssyncadd.s32 $0xFFFFF800;
	(pc) =	sbr.rel @p0 .LBB2_2-.Ltmp0, $3  }
0xa1: {  	[spmem:s26] =	stream.linear.scatter [tilespmem:s13], [sflag:$0x5], $0x800, $0x38;
	[tilespmem:$0x1F800] =	vst v63  }
0xa2: {  	s25 =	sadd.s32 $0x2000, s25;
	_ =	sdelay $0x1  }
0xa3: {  	_ =	swait.ge [sflag:s14], $0x800  }
0xa4: {  	[sflag:s14] =	ssyncset.done $0x0  }
0xa5: {  	s25 =	simm.s32 $0x0;
	[sflag:s14] =	ssyncadd.s32 $0xFFFFF800  }
0xa6: {  	[tilespmem:s25], [sflag:$0x5] =	stream.linear.gather [hbm4b:s8+s25], $0x2800, $0x38;
	[tilespmem:$0x1F800] =	vst v63  }
0xa7: {  	_ =	swait.ge [sflag:s14], $0x2800  }
0xa8: {  	[sflag:s14] =	ssyncset.done $0x0  }
0xa9: {  	[sflag:s14] =	ssyncadd.s32 $0xFFFFD800  }
0xaa: {  	[bflag:$0x0] =	sbarrier.arrive $0xFFFF  }
0xab: {  	[tilespmem:s15], [sflag:$0x3] =	stream.linear.gather [hbm4b:s9+s25], $0x400, $0x38;
	[tilespmem:$0x1F800] =	vst v63  }
0xac: {  	_ =	swait.ge [sflag:s16], $0x400  }
0xad: {  	[sflag:s16] =	ssyncset.done $0x0  }
0xae: {  	[sflag:s16] =	ssyncadd.s32 $0xFFFFFC00  }
0xaf: {  	[tilespmem:s18], [sflag:$0x1] =	stream.indirect.gather [hbm4b:s1+s17], $0x80, s25, s17, $0xb8;
	[tilespmem:$0x1F800] =	vst v63  }
0xb0: {  	_ = 	snop  }
0xb1: {  	[tilespmem:s19], [sflag:$0x4] =	stream.linear.gather [hbm4b:s12+s4], $0x400, $0x38;
	[tilespmem:$0x1F800] =	vst v63  }
0xb2: {  	s26 =	simm.s32 $0x80  }
0xb3: {  	[tilespmem:s20], [sflag:$0x2] =	stream.indirect.gather [hbm4b:s1+s17], $0x80, s26, s17, $0xb8;
	[tilespmem:$0x1F800] =	vst v63  }
0xb4: {  	_ =	swait.ge [sflag:s21], $0x3E80  }
0xb5: {  	[sflag:s21] =	ssyncset.done $0x0  }
0xb6: {  	[sflag:s21] =	ssyncadd.s32 $0xFFFFC180  }
0xb7: {  	[spmem:s2] =	stream.indirect.scatter.add.f32 [tilespmem:s18], [sflag:$0x5], $0x80, s15, s17, $0xb8;
	[tilespmem:$0x1F800] =	vst v63  }
0xb8: {  	_ =	swait.ge [sflag:s14], $0x3E80  }
0xb9: {  	[sflag:s14] =	ssyncset.done $0x0  }
0xba: {  	s29 =	simm.s32 $0x100;
	[sflag:s14] =	ssyncadd.s32 $0xFFFFC180  }
0xbb: {  	[tilespmem:s18], [sflag:$0x1] =	stream.indirect.gather [hbm4b:s1+s17], $0x80, s29, s17, $0xb8;
	[tilespmem:$0x1F800] =	vst v63  }
0xbc: {  	_ =	swait.ge [sflag:s22], $0x3E80  }
0xbd: {  	[sflag:s22] =	ssyncset.done $0x0  }
0xbe: {  	s31 =	rddreg [dreg:$0x4];
	[sflag:s22] =	ssyncadd.s32 $0xFFFFC180  }
0xbf: {  	[spmem:s2] =	stream.indirect.scatter.add.f32 [tilespmem:s20], [sflag:$0x5], $0x80, s31, s17, $0xb8;
	[tilespmem:$0x1F800] =	vst v63  }
0xc0: {  	_ =	swait.ge [sflag:s14], $0x3E80  }
0xc1: {  	[sflag:s14] =	ssyncset.done $0x0  }
0xc2: {  	s28 =	simm.s32 $0x180;
	[sflag:s14] =	ssyncadd.s32 $0xFFFFC180  }
0xc3: {  	[tilespmem:s20], [sflag:$0x2] =	stream.indirect.gather [hbm4b:s1+s17], $0x80, s28, s17, $0xb8;
	[tilespmem:$0x1F800] =	vst v63  }
0xc4: {  	_ =	swait.ge [sflag:s21], $0x3E80  }
0xc5: {  	[sflag:s21] =	ssyncset.done $0x0  }
0xc6: {  	s29 =	rddreg [dreg:$0x5];
	[sflag:s21] =	ssyncadd.s32 $0xFFFFC180  }
0xc7: {  	[spmem:s2] =	stream.indirect.scatter.add.f32 [tilespmem:s18], [sflag:$0x5], $0x80, s29, s17, $0xb8;
	[tilespmem:$0x1F800] =	vst v63  }
0xc8: {  	_ =	swait.ge [sflag:s14], $0x3E80  }
0xc9: {  	[sflag:s14] =	ssyncset.done $0x0  }
0xca: {  	s31 =	simm.s32 $0x200;
	[sflag:s14] =	ssyncadd.s32 $0xFFFFC180  }
0xcb: {  	[tilespmem:s18], [sflag:$0x1] =	stream.indirect.gather [hbm4b:s1+s17], $0x80, s31, s17, $0xb8;
	[tilespmem:$0x1F800] =	vst v63  }
0xcc: {  	_ =	swait.ge [sflag:s22], $0x3E80  }
0xcd: {  	[sflag:s22] =	ssyncset.done $0x0  }
0xce: {  	s28 =	rddreg [dreg:$0x6];
	[sflag:s22] =	ssyncadd.s32 $0xFFFFC180  }
0xcf: {  	[spmem:s2] =	stream.indirect.scatter.add.f32 [tilespmem:s20], [sflag:$0x5], $0x80, s28, s17, $0xb8;
	[tilespmem:$0x1F800] =	vst v63  }
0xd0: {  	_ =	swait.ge [sflag:s14], $0x3E80  }
0xd1: {  	[sflag:s14] =	ssyncset.done $0x0  }
0xd2: {  	s29 =	simm.s32 $0x280;
	[sflag:s14] =	ssyncadd.s32 $0xFFFFC180  }
0xd3: {  	[tilespmem:s20], [sflag:$0x2] =	stream.indirect.gather [hbm4b:s1+s17], $0x80, s29, s17, $0xb8;
	[tilespmem:$0x1F800] =	vst v63  }
0xd4: {  	_ =	swait.ge [sflag:s21], $0x3E80  }
0xd5: {  	[sflag:s21] =	ssyncset.done $0x0  }
0xd6: {  	s31 =	rddreg [dreg:$0x7];
	[sflag:s21] =	ssyncadd.s32 $0xFFFFC180  }
0xd7: {  	[spmem:s2] =	stream.indirect.scatter.add.f32 [tilespmem:s18], [sflag:$0x5], $0x80, s31, s17, $0xb8;
	[tilespmem:$0x1F800] =	vst v63  }
0xd8: {  	_ =	swait.ge [sflag:s14], $0x3E80  }
0xd9: {  	[sflag:s14] =	ssyncset.done $0x0  }
0xda: {  	s28 =	simm.s32 $0x300;
	[sflag:s14] =	ssyncadd.s32 $0xFFFFC180  }
0xdb: {  	[tilespmem:s18], [sflag:$0x1] =	stream.indirect.gather [hbm4b:s1+s17], $0x80, s28, s17, $0xb8;
	[tilespmem:$0x1F800] =	vst v63  }
0xdc: {  	_ =	swait.ge [sflag:s22], $0x3E80  }
0xdd: {  	[sflag:s22] =	ssyncset.done $0x0  }
0xde: {  	s29 =	rddreg [dreg:$0x8];
	[sflag:s22] =	ssyncadd.s32 $0xFFFFC180  }
0xdf: {  	[spmem:s2] =	stream.indirect.scatter.add.f32 [tilespmem:s20], [sflag:$0x5], $0x80, s29, s17, $0xb8;
	[tilespmem:$0x1F800] =	vst v63  }
0xe0: {  	_ =	swait.ge [sflag:s14], $0x3E80  }
0xe1: {  	[sflag:s14] =	ssyncset.done $0x0  }
0xe2: {  	s31 =	simm.s32 $0x380;
	[sflag:s14] =	ssyncadd.s32 $0xFFFFC180  }
0xe3: {  	[tilespmem:s20], [sflag:$0x2] =	stream.indirect.gather [hbm4b:s1+s17], $0x80, s31, s17, $0xb8;
	[tilespmem:$0x1F800] =	vst v63  }
0xe4: {  	_ =	swait.ge [sflag:s21], $0x3E80  }
0xe5: {  	[sflag:s21] =	ssyncset.done $0x0  }
0xe6: {  	s28 =	rddreg [dreg:$0x9];
	[sflag:s21] =	ssyncadd.s32 $0xFFFFC180  }
0xe7: {  	[spmem:s2] =	stream.indirect.scatter.add.f32 [tilespmem:s18], [sflag:$0x5], $0x80, s28, s17, $0xb8;
	[tilespmem:$0x1F800] =	vst v63  }
0xe8: {  	_ =	swait.ge [sflag:s14], $0x3E80  }
0xe9: {  	[sflag:s14] =	ssyncset.done $0x0  }
0xea: {  	s29 =	simm.s32 $0x400;
	[sflag:s14] =	ssyncadd.s32 $0xFFFFC180  }
0xeb: {  	[tilespmem:s18], [sflag:$0x1] =	stream.indirect.gather [hbm4b:s1+s17], $0x80, s29, s17, $0xb8;
	[tilespmem:$0x1F800] =	vst v63  }
0xec: {  	_ =	swait.ge [sflag:s22], $0x3E80  }
0xed: {  	[sflag:s22] =	ssyncset.done $0x0  }
0xee: {  	s31 =	rddreg [dreg:$0xa];
	[sflag:s22] =	ssyncadd.s32 $0xFFFFC180  }
0xef: {  	[spmem:s2] =	stream.indirect.scatter.add.f32 [tilespmem:s20], [sflag:$0x5], $0x80, s31, s17, $0xb8;
	[tilespmem:$0x1F800] =	vst v63  }
0xf0: {  	s25 =	smin.u32 s25, $0x7;
	_ =	swait.ge [sflag:s14], $0x3E80  }
0xf1: {  	s25 =	sshll.u32 s25, $0xA;
	[sflag:s14] =	ssyncset.done $0x0  }
0xf2: {  	s25 =	sadd.s32 $0x800, s25;
	[sflag:s14] =	ssyncadd.s32 $0xFFFFC180  }
0xf3: {  	s28 =	sadd.s32 s25, s7;
	_ =	swait.ge [sflag:s23], $0x400  }
0xf4: {  	s26 =	sshrl.u32 s28, $0x3;
	[sflag:s23] =	ssyncset.done $0x0  }
0xf5: {  	s26 =	sadd.s32 s5, s26;
	[sflag:s23] =	ssyncadd.s32 $0xFFFFFC00  }
0xf6: {  	[tilespmem:s15], [sflag:$0x3] =	stream.linear.gather [hbm4b:s26+s4], $0x400, $0x38;
	[tilespmem:$0x1F800] =	vst v63  }
0xf7: {  	s29 =	simm.s32 $0x480  }
0xf8: {  	[tilespmem:s20], [sflag:$0x2] =	stream.indirect.gather [hbm4b:s1+s17], $0x80, s29, s17, $0xb8;
	[tilespmem:$0x1F800] =	vst v63  }
0xf9: {  	_ =	swait.ge [sflag:s21], $0x3E80  }
0xfa: {  	[sflag:s21] =	ssyncset.done $0x0  }
0xfb: {  	[sflag:s21] =	ssyncadd.s32 $0xFFFFC180  }
0xfc: {  	[spmem:s2] =	stream.indirect.scatter.add.f32 [tilespmem:s18], [sflag:$0x5], $0x80, s19, s17, $0xb8;
	[tilespmem:$0x1F800] =	vst v63  }
0xfd: {  	_ =	swait.ge [sflag:s14], $0x3E80  }
0xfe: {  	[sflag:s14] =	ssyncset.done $0x0  }
0xff: {  	s31 =	simm.s32 $0x500;
	[sflag:s14] =	ssyncadd.s32 $0xFFFFC180  }
0x100: {  	[tilespmem:s18], [sflag:$0x1] =	stream.indirect.gather [hbm4b:s1+s17], $0x80, s31, s17, $0xb8;
	[tilespmem:$0x1F800] =	vst v63  }
0x101: {  	_ =	swait.ge [sflag:s22], $0x3E80  }
0x102: {  	[sflag:s22] =	ssyncset.done $0x0  }
0x103: {  	s28 =	rddreg [dreg:$0xb];
	[sflag:s22] =	ssyncadd.s32 $0xFFFFC180  }
0x104: {  	[spmem:s2] =	stream.indirect.scatter.add.f32 [tilespmem:s20], [sflag:$0x5], $0x80, s28, s17, $0xb8;
	[tilespmem:$0x1F800] =	vst v63  }
0x105: {  	_ =	swait.ge [sflag:s14], $0x3E80  }
0x106: {  	[sflag:s14] =	ssyncset.done $0x0  }
0x107: {  	s29 =	simm.s32 $0x580;
	[sflag:s14] =	ssyncadd.s32 $0xFFFFC180  }
0x108: {  	[tilespmem:s20], [sflag:$0x2] =	stream.indirect.gather [hbm4b:s1+s17], $0x80, s29, s17, $0xb8;
	[tilespmem:$0x1F800] =	vst v63  }
0x109: {  	_ =	swait.ge [sflag:s21], $0x3E80  }
0x10a: {  	[sflag:s21] =	ssyncset.done $0x0  }
0x10b: {  	s31 =	rddreg [dreg:$0xc];
	[sflag:s21] =	ssyncadd.s32 $0xFFFFC180  }
0x10c: {  	[spmem:s2] =	stream.indirect.scatter.add.f32 [tilespmem:s18], [sflag:$0x5], $0x80, s31, s17, $0xb8;
	[tilespmem:$0x1F800] =	vst v63  }
0x10d: {  	_ =	swait.ge [sflag:s14], $0x3E80  }
0x10e: {  	[sflag:s14] =	ssyncset.done $0x0  }
0x10f: {  	s28 =	simm.s32 $0x600;
	[sflag:s14] =	ssyncadd.s32 $0xFFFFC180  }
0x110: {  	[tilespmem:s18], [sflag:$0x1] =	stream.indirect.gather [hbm4b:s1+s17], $0x80, s28, s17, $0xb8;
	[tilespmem:$0x1F800] =	vst v63  }
0x111: {  	_ =	swait.ge [sflag:s22], $0x3E80  }
0x112: {  	[sflag:s22] =	ssyncset.done $0x0  }
0x113: {  	s29 =	rddreg [dreg:$0xd];
	[sflag:s22] =	ssyncadd.s32 $0xFFFFC180  }
0x114: {  	[spmem:s2] =	stream.indirect.scatter.add.f32 [tilespmem:s20], [sflag:$0x5], $0x80, s29, s17, $0xb8;
	[tilespmem:$0x1F800] =	vst v63  }
0x115: {  	_ =	swait.ge [sflag:s14], $0x3E80  }
0x116: {  	[sflag:s14] =	ssyncset.done $0x0  }
0x117: {  	s31 =	simm.s32 $0x680;
	[sflag:s14] =	ssyncadd.s32 $0xFFFFC180  }
0x118: {  	[tilespmem:s20], [sflag:$0x2] =	stream.indirect.gather [hbm4b:s1+s17], $0x80, s31, s17, $0xb8;
	[tilespmem:$0x1F800] =	vst v63  }
0x119: {  	_ =	swait.ge [sflag:s21], $0x3E80  }
0x11a: {  	[sflag:s21] =	ssyncset.done $0x0  }
0x11b: {  	s28 =	rddreg [dreg:$0xe];
	[sflag:s21] =	ssyncadd.s32 $0xFFFFC180  }
0x11c: {  	[spmem:s2] =	stream.indirect.scatter.add.f32 [tilespmem:s18], [sflag:$0x5], $0x80, s28, s17, $0xb8;
	[tilespmem:$0x1F800] =	vst v63  }
0x11d: {  	_ =	swait.ge [sflag:s14], $0x3E80  }
0x11e: {  	[sflag:s14] =	ssyncset.done $0x0  }
0x11f: {  	s29 =	simm.s32 $0x700;
	[sflag:s14] =	ssyncadd.s32 $0xFFFFC180  }
0x120: {  	[tilespmem:s18], [sflag:$0x1] =	stream.indirect.gather [hbm4b:s1+s17], $0x80, s29, s17, $0xb8;
	[tilespmem:$0x1F800] =	vst v63  }
0x121: {  	_ =	swait.ge [sflag:s22], $0x3E80  }
0x122: {  	[sflag:s22] =	ssyncset.done $0x0  }
0x123: {  	s31 =	rddreg [dreg:$0xf];
	[sflag:s22] =	ssyncadd.s32 $0xFFFFC180  }
0x124: {  	[spmem:s2] =	stream.indirect.scatter.add.f32 [tilespmem:s20], [sflag:$0x5], $0x80, s31, s17, $0xb8;
	[tilespmem:$0x1F800] =	vst v63  }
0x125: {  	_ =	swait.ge [sflag:s14], $0x3E80  }
0x126: {  	[sflag:s14] =	ssyncset.done $0x0  }
0x127: {  	s28 =	simm.s32 $0x780;
	[sflag:s14] =	ssyncadd.s32 $0xFFFFC180  }
0x128: {  	[tilespmem:s20], [sflag:$0x2] =	stream.indirect.gather [hbm4b:s1+s17], $0x80, s28, s17, $0xb8;
	[tilespmem:$0x1F800] =	vst v63  }
0x129: {  	_ =	swait.ge [sflag:s21], $0x3E80  }
0x12a: {  	[sflag:s21] =	ssyncset.done $0x0  }
0x12b: {  	s29 =	rddreg [dreg:$0x10];
	[sflag:s21] =	ssyncadd.s32 $0xFFFFC180  }
0x12c: {  	[spmem:s2] =	stream.indirect.scatter.add.f32 [tilespmem:s18], [sflag:$0x5], $0x80, s29, s17, $0xb8;
	[tilespmem:$0x1F800] =	vst v63  }
0x12d: {  	_ =	swait.ge [sflag:s14], $0x3E80  }
0x12e: {  	[sflag:s14] =	ssyncset.done $0x0  }
0x12f: {  	[sflag:s14] =	ssyncadd.s32 $0xFFFFC180  }
0x130: {  	[tilespmem:s18], [sflag:$0x1] =	stream.indirect.gather [hbm4b:s1+s17], $0x80, s25, s17, $0xb8;
	[tilespmem:$0x1F800] =	vst v63  }
0x131: {  	_ =	swait.ge [sflag:s22], $0x3E80  }
0x132: {  	[sflag:s22] =	ssyncset.done $0x0  }
0x133: {  	s31 =	rddreg [dreg:$0x11];
	[sflag:s22] =	ssyncadd.s32 $0xFFFFC180  }
0x134: {  	[spmem:s2] =	stream.indirect.scatter.add.f32 [tilespmem:s20], [sflag:$0x5], $0x80, s31, s17, $0xb8;
	[tilespmem:$0x1F800] =	vst v63  }
0x135: {  	_ =	swait.ge [sflag:s14], $0x3E80  }
0x136: {  	[sflag:s14] =	ssyncset.done $0x0  }
0x137: {  	[sflag:s14] =	ssyncadd.s32 $0xFFFFC180  }
0x138: {  	s30 =	simm.s32 $0x2000;
	_ =	swait.ge [sflag:s16], $0x400  }
0x139: {  	s26 =	sadd.s32 $0x100, s12;
	s25 =	simm.s32 $0x2;
	[sflag:s16] =	ssyncset.done $0x0  }
.LBB2_4:
0x13a: {  	s29 =	sshra.s32 s30, $0x2;
	[sflag:s16] =	ssyncadd.s32 $0xFFFFFC00  }
0x13b: {  	[tilespmem:s19], [sflag:$0x4] =	stream.linear.gather [hbm4b:s26+s4], $0x400, $0x38;
	[tilespmem:$0x1F800] =	vst v63  }
0x13c: {  	s31 =	sadd.s32 $0x80, s29  }
0x13d: {  	[tilespmem:s20], [sflag:$0x2] =	stream.indirect.gather [hbm4b:s1+s17], $0x80, s31, s17, $0xb8;
	[tilespmem:$0x1F800] =	vst v63  }
0x13e: {  	_ =	swait.ge [sflag:s21], $0x3E80  }
0x13f: {  	[sflag:s21] =	ssyncset.done $0x0  }
0x140: {  	[sflag:s21] =	ssyncadd.s32 $0xFFFFC180  }
0x141: {  	[spmem:s2] =	stream.indirect.scatter.add.f32 [tilespmem:s18], [sflag:$0x5], $0x80, s15, s17, $0xb8;
	[tilespmem:$0x1F800] =	vst v63  }
0x142: {  	_ =	swait.ge [sflag:s14], $0x3E80  }
0x143: {  	s28 =	smov.u32 s30;
	p0 =	sne.s32 s30, $0x8000;
	[sflag:s14] =	ssyncset.done $0x0  }
0x144: {  	s28 =	sadd.s32 $0x2000, s30;
	s30 =	sadd.s32 $0x100, s29;
	[sflag:s14] =	ssyncadd.s32 $0xFFFFC180  }
0x145: {  	[tilespmem:s18], [sflag:$0x1] =	stream.indirect.gather [hbm4b:s1+s17], $0x80, s30, s17, $0xb8;
	[tilespmem:$0x1F800] =	vst v63  }
0x146: {  	_ =	swait.ge [sflag:s22], $0x3E80  }
0x147: {  	[sflag:s22] =	ssyncset.done $0x0  }
0x148: {  	s30 =	rddreg [dreg:$0x4];
	[sflag:s22] =	ssyncadd.s32 $0xFFFFC180  }
0x149: {  	[spmem:s2] =	stream.indirect.scatter.add.f32 [tilespmem:s20], [sflag:$0x5], $0x80, s30, s17, $0xb8;
	[tilespmem:$0x1F800] =	vst v63  }
0x14a: {  	_ =	swait.ge [sflag:s14], $0x3E80  }
0x14b: {  	[sflag:s14] =	ssyncset.done $0x0  }
0x14c: {  	s30 =	sadd.s32 $0x180, s29;
	[sflag:s14] =	ssyncadd.s32 $0xFFFFC180  }
0x14d: {  	[tilespmem:s20], [sflag:$0x2] =	stream.indirect.gather [hbm4b:s1+s17], $0x80, s30, s17, $0xb8;
	[tilespmem:$0x1F800] =	vst v63  }
0x14e: {  	_ =	swait.ge [sflag:s21], $0x3E80  }
0x14f: {  	[sflag:s21] =	ssyncset.done $0x0  }
0x150: {  	s30 =	rddreg [dreg:$0x5];
	[sflag:s21] =	ssyncadd.s32 $0xFFFFC180  }
0x151: {  	[spmem:s2] =	stream.indirect.scatter.add.f32 [tilespmem:s18], [sflag:$0x5], $0x80, s30, s17, $0xb8;
	[tilespmem:$0x1F800] =	vst v63  }
0x152: {  	_ =	swait.ge [sflag:s14], $0x3E80  }
0x153: {  	[sflag:s14] =	ssyncset.done $0x0  }
0x154: {  	s30 =	sadd.s32 $0x200, s29;
	[sflag:s14] =	ssyncadd.s32 $0xFFFFC180  }
0x155: {  	[tilespmem:s18], [sflag:$0x1] =	stream.indirect.gather [hbm4b:s1+s17], $0x80, s30, s17, $0xb8;
	[tilespmem:$0x1F800] =	vst v63  }
0x156: {  	_ =	swait.ge [sflag:s22], $0x3E80  }
0x157: {  	[sflag:s22] =	ssyncset.done $0x0  }
0x158: {  	s30 =	rddreg [dreg:$0x6];
	[sflag:s22] =	ssyncadd.s32 $0xFFFFC180  }
0x159: {  	[spmem:s2] =	stream.indirect.scatter.add.f32 [tilespmem:s20], [sflag:$0x5], $0x80, s30, s17, $0xb8;
	[tilespmem:$0x1F800] =	vst v63  }
0x15a: {  	_ =	swait.ge [sflag:s14], $0x3E80  }
0x15b: {  	[sflag:s14] =	ssyncset.done $0x0  }
0x15c: {  	s30 =	sadd.s32 $0x280, s29;
	[sflag:s14] =	ssyncadd.s32 $0xFFFFC180  }
0x15d: {  	[tilespmem:s20], [sflag:$0x2] =	stream.indirect.gather [hbm4b:s1+s17], $0x80, s30, s17, $0xb8;
	[tilespmem:$0x1F800] =	vst v63  }
0x15e: {  	_ =	swait.ge [sflag:s21], $0x3E80  }
0x15f: {  	[sflag:s21] =	ssyncset.done $0x0  }
0x160: {  	s30 =	rddreg [dreg:$0x7];
	[sflag:s21] =	ssyncadd.s32 $0xFFFFC180  }
0x161: {  	[spmem:s2] =	stream.indirect.scatter.add.f32 [tilespmem:s18], [sflag:$0x5], $0x80, s30, s17, $0xb8;
	[tilespmem:$0x1F800] =	vst v63  }
0x162: {  	_ =	swait.ge [sflag:s14], $0x3E80  }
0x163: {  	[sflag:s14] =	ssyncset.done $0x0  }
0x164: {  	s30 =	sadd.s32 $0x300, s29;
	[sflag:s14] =	ssyncadd.s32 $0xFFFFC180  }
0x165: {  	[tilespmem:s18], [sflag:$0x1] =	stream.indirect.gather [hbm4b:s1+s17], $0x80, s30, s17, $0xb8;
	[tilespmem:$0x1F800] =	vst v63  }
0x166: {  	_ =	swait.ge [sflag:s22], $0x3E80  }
0x167: {  	[sflag:s22] =	ssyncset.done $0x0  }
0x168: {  	s30 =	rddreg [dreg:$0x8];
	[sflag:s22] =	ssyncadd.s32 $0xFFFFC180  }
0x169: {  	[spmem:s2] =	stream.indirect.scatter.add.f32 [tilespmem:s20], [sflag:$0x5], $0x80, s30, s17, $0xb8;
	[tilespmem:$0x1F800] =	vst v63  }
0x16a: {  	_ =	swait.ge [sflag:s14], $0x3E80  }
0x16b: {  	[sflag:s14] =	ssyncset.done $0x0  }
0x16c: {  	s30 =	sadd.s32 $0x380, s29;
	[sflag:s14] =	ssyncadd.s32 $0xFFFFC180  }
0x16d: {  	[tilespmem:s20], [sflag:$0x2] =	stream.indirect.gather [hbm4b:s1+s17], $0x80, s30, s17, $0xb8;
	[tilespmem:$0x1F800] =	vst v63  }
0x16e: {  	_ =	swait.ge [sflag:s21], $0x3E80  }
0x16f: {  	[sflag:s21] =	ssyncset.done $0x0  }
0x170: {  	s30 =	rddreg [dreg:$0x9];
	[sflag:s21] =	ssyncadd.s32 $0xFFFFC180  }
0x171: {  	[spmem:s2] =	stream.indirect.scatter.add.f32 [tilespmem:s18], [sflag:$0x5], $0x80, s30, s17, $0xb8;
	[tilespmem:$0x1F800] =	vst v63  }
0x172: {  	_ =	swait.ge [sflag:s14], $0x3E80  }
0x173: {  	[sflag:s14] =	ssyncset.done $0x0  }
0x174: {  	s30 =	sadd.s32 $0x400, s29;
	[sflag:s14] =	ssyncadd.s32 $0xFFFFC180  }
0x175: {  	[tilespmem:s18], [sflag:$0x1] =	stream.indirect.gather [hbm4b:s1+s17], $0x80, s30, s17, $0xb8;
	[tilespmem:$0x1F800] =	vst v63  }
0x176: {  	_ =	swait.ge [sflag:s22], $0x3E80  }
0x177: {  	[sflag:s22] =	ssyncset.done $0x0  }
0x178: {  	s30 =	rddreg [dreg:$0xa];
	[sflag:s22] =	ssyncadd.s32 $0xFFFFC180  }
0x179: {  	[spmem:s2] =	stream.indirect.scatter.add.f32 [tilespmem:s20], [sflag:$0x5], $0x80, s30, s17, $0xb8;
	[tilespmem:$0x1F800] =	vst v63  }
0x17a: {  	s30 =	smin.u32 s25, $0x7;
	_ =	swait.ge [sflag:s14], $0x3E80  }
0x17b: {  	s30 =	sshll.u32 s30, $0xA;
	[sflag:s14] =	ssyncset.done $0x0  }
0x17c: {  	s30 =	sadd.s32 $0x800, s30;
	[sflag:s14] =	ssyncadd.s32 $0xFFFFC180  }
0x17d: {  	s31 =	sadd.s32 s30, s7;
	_ =	swait.ge [sflag:s23], $0x400  }
0x17e: {  	s31 =	sshrl.u32 s31, $0x3;
	[sflag:s23] =	ssyncset.done $0x0  }
0x17f: {  	s31 =	sadd.s32 s5, s31;
	[sflag:s23] =	ssyncadd.s32 $0xFFFFFC00  }
0x180: {  	[tilespmem:s15], [sflag:$0x3] =	stream.linear.gather [hbm4b:s31+s4], $0x400, $0x38;
	[tilespmem:$0x1F800] =	vst v63  }
0x181: {  	s31 =	sadd.s32 $0x480, s29  }
0x182: {  	[tilespmem:s20], [sflag:$0x2] =	stream.indirect.gather [hbm4b:s1+s17], $0x80, s31, s17, $0xb8;
	[tilespmem:$0x1F800] =	vst v63  }
0x183: {  	_ =	swait.ge [sflag:s21], $0x3E80  }
0x184: {  	[sflag:s21] =	ssyncset.done $0x0  }
0x185: {  	[sflag:s21] =	ssyncadd.s32 $0xFFFFC180  }
0x186: {  	[spmem:s2] =	stream.indirect.scatter.add.f32 [tilespmem:s18], [sflag:$0x5], $0x80, s19, s17, $0xb8;
	[tilespmem:$0x1F800] =	vst v63  }
0x187: {  	_ =	swait.ge [sflag:s14], $0x3E80  }
0x188: {  	[sflag:s14] =	ssyncset.done $0x0  }
0x189: {  	s31 =	sadd.s32 $0x500, s29;
	[sflag:s14] =	ssyncadd.s32 $0xFFFFC180  }
0x18a: {  	[tilespmem:s18], [sflag:$0x1] =	stream.indirect.gather [hbm4b:s1+s17], $0x80, s31, s17, $0xb8;
	[tilespmem:$0x1F800] =	vst v63  }
0x18b: {  	_ =	swait.ge [sflag:s22], $0x3E80  }
0x18c: {  	[sflag:s22] =	ssyncset.done $0x0  }
0x18d: {  	s31 =	rddreg [dreg:$0xb];
	[sflag:s22] =	ssyncadd.s32 $0xFFFFC180  }
0x18e: {  	[spmem:s2] =	stream.indirect.scatter.add.f32 [tilespmem:s20], [sflag:$0x5], $0x80, s31, s17, $0xb8;
	[tilespmem:$0x1F800] =	vst v63  }
0x18f: {  	_ =	swait.ge [sflag:s14], $0x3E80  }
0x190: {  	[sflag:s14] =	ssyncset.done $0x0  }
0x191: {  	s31 =	sadd.s32 $0x580, s29;
	[sflag:s14] =	ssyncadd.s32 $0xFFFFC180  }
0x192: {  	[tilespmem:s20], [sflag:$0x2] =	stream.indirect.gather [hbm4b:s1+s17], $0x80, s31, s17, $0xb8;
	[tilespmem:$0x1F800] =	vst v63  }
0x193: {  	_ =	swait.ge [sflag:s21], $0x3E80  }
0x194: {  	[sflag:s21] =	ssyncset.done $0x0  }
0x195: {  	s31 =	rddreg [dreg:$0xc];
	[sflag:s21] =	ssyncadd.s32 $0xFFFFC180  }
0x196: {  	[spmem:s2] =	stream.indirect.scatter.add.f32 [tilespmem:s18], [sflag:$0x5], $0x80, s31, s17, $0xb8;
	[tilespmem:$0x1F800] =	vst v63  }
0x197: {  	_ =	swait.ge [sflag:s14], $0x3E80  }
0x198: {  	[sflag:s14] =	ssyncset.done $0x0  }
0x199: {  	s31 =	sadd.s32 $0x600, s29;
	[sflag:s14] =	ssyncadd.s32 $0xFFFFC180  }
0x19a: {  	[tilespmem:s18], [sflag:$0x1] =	stream.indirect.gather [hbm4b:s1+s17], $0x80, s31, s17, $0xb8;
	[tilespmem:$0x1F800] =	vst v63  }
0x19b: {  	_ =	swait.ge [sflag:s22], $0x3E80  }
0x19c: {  	[sflag:s22] =	ssyncset.done $0x0  }
0x19d: {  	s31 =	rddreg [dreg:$0xd];
	[sflag:s22] =	ssyncadd.s32 $0xFFFFC180  }
0x19e: {  	[spmem:s2] =	stream.indirect.scatter.add.f32 [tilespmem:s20], [sflag:$0x5], $0x80, s31, s17, $0xb8;
	[tilespmem:$0x1F800] =	vst v63  }
0x19f: {  	_ =	swait.ge [sflag:s14], $0x3E80  }
0x1a0: {  	[sflag:s14] =	ssyncset.done $0x0  }
0x1a1: {  	s31 =	sadd.s32 $0x680, s29;
	[sflag:s14] =	ssyncadd.s32 $0xFFFFC180  }
0x1a2: {  	[tilespmem:s20], [sflag:$0x2] =	stream.indirect.gather [hbm4b:s1+s17], $0x80, s31, s17, $0xb8;
	[tilespmem:$0x1F800] =	vst v63  }
0x1a3: {  	_ =	swait.ge [sflag:s21], $0x3E80  }
0x1a4: {  	[sflag:s21] =	ssyncset.done $0x0  }
0x1a5: {  	s31 =	rddreg [dreg:$0xe];
	[sflag:s21] =	ssyncadd.s32 $0xFFFFC180  }
0x1a6: {  	[spmem:s2] =	stream.indirect.scatter.add.f32 [tilespmem:s18], [sflag:$0x5], $0x80, s31, s17, $0xb8;
	[tilespmem:$0x1F800] =	vst v63  }
0x1a7: {  	_ =	swait.ge [sflag:s14], $0x3E80  }
0x1a8: {  	[sflag:s14] =	ssyncset.done $0x0  }
0x1a9: {  	s31 =	sadd.s32 $0x700, s29;
	[sflag:s14] =	ssyncadd.s32 $0xFFFFC180  }
0x1aa: {  	[tilespmem:s18], [sflag:$0x1] =	stream.indirect.gather [hbm4b:s1+s17], $0x80, s31, s17, $0xb8;
	[tilespmem:$0x1F800] =	vst v63  }
0x1ab: {  	_ =	swait.ge [sflag:s22], $0x3E80  }
0x1ac: {  	[sflag:s22] =	ssyncset.done $0x0  }
0x1ad: {  	s31 =	rddreg [dreg:$0xf];
	[sflag:s22] =	ssyncadd.s32 $0xFFFFC180  }
0x1ae: {  	[spmem:s2] =	stream.indirect.scatter.add.f32 [tilespmem:s20], [sflag:$0x5], $0x80, s31, s17, $0xb8;
	[tilespmem:$0x1F800] =	vst v63  }
0x1af: {  	_ =	swait.ge [sflag:s14], $0x3E80  }
0x1b0: {  	[sflag:s14] =	ssyncset.done $0x0  }
0x1b1: {  	s29 =	sadd.s32 $0x780, s29;
	[sflag:s14] =	ssyncadd.s32 $0xFFFFC180  }
0x1b2: {  	[tilespmem:s20], [sflag:$0x2] =	stream.indirect.gather [hbm4b:s1+s17], $0x80, s29, s17, $0xb8;
	[tilespmem:$0x1F800] =	vst v63  }
0x1b3: {  	_ =	swait.ge [sflag:s21], $0x3E80  }
0x1b4: {  	[sflag:s21] =	ssyncset.done $0x0  }
0x1b5: {  	s31 =	rddreg [dreg:$0x10];
	[sflag:s21] =	ssyncadd.s32 $0xFFFFC180  }
0x1b6: {  	[spmem:s2] =	stream.indirect.scatter.add.f32 [tilespmem:s18], [sflag:$0x5], $0x80, s31, s17, $0xb8;
	[tilespmem:$0x1F800] =	vst v63  }
0x1b7: {  	_ =	swait.ge [sflag:s14], $0x3E80  }
0x1b8: {  	[sflag:s14] =	ssyncset.done $0x0  }
0x1b9: {  	[sflag:s14] =	ssyncadd.s32 $0xFFFFC180  }
0x1ba: {  	[tilespmem:s18], [sflag:$0x1] =	stream.indirect.gather [hbm4b:s1+s17], $0x80, s30, s17, $0xb8;
	[tilespmem:$0x1F800] =	vst v63  }
0x1bb: {  	_ =	swait.ge [sflag:s22], $0x3E80  }
0x1bc: {  	[sflag:s22] =	ssyncset.done $0x0  }
0x1bd: {  	s31 =	rddreg [dreg:$0x11];
	[sflag:s22] =	ssyncadd.s32 $0xFFFFC180  }
0x1be: {  	[spmem:s2] =	stream.indirect.scatter.add.f32 [tilespmem:s20], [sflag:$0x5], $0x80, s31, s17, $0xb8;
	[tilespmem:$0x1F800] =	vst v63  }
.Ltmp1:
0x1bf: {  	_ =	swait.ge [sflag:s14], $0x3E80;
	(pc) =	sbr.rel @p0 .LBB2_4-.Ltmp1, $4  }
0x1c0: {  	[sflag:s14] =	ssyncset.done $0x0  }
0x1c1: {  	[sflag:s14] =	ssyncadd.s32 $0xFFFFC180  }
0x1c2: {  	s26 =	sadd.s32 $0x100, s26;
	_ =	swait.ge [sflag:s16], $0x400  }
0x1c3: {  	s25 =	sadd.s32 $0x2, s25;
	s30 =	smov.u32 s28;
	[sflag:s16] =	ssyncset.done $0x0  }
0x1c4: {  	[sflag:s16] =	ssyncadd.s32 $0xFFFFFC00  }
0x1c5: {  	_ =	swait.ge [sflag:s21], $0x3E80  }
0x1c6: {  	s25 =	sshll.u32 s3, $0x6;
	s24 =	sadd.s32 $0x1, s24;
	[sflag:s21] =	ssyncset.done $0x0  }
0x1c7: {  	s26 =	sshrl.u32 s6, $0x3;
	p0 =	sne.s32 s24, s11;
	[sflag:s21] =	ssyncadd.s32 $0xFFFFC180  }
.Ltmp2:
0x1c8: {  	s25 =	sor.u32 $0x1C05, s25;
	[bflag:$0x0] =	sbarrier.arrive $0xFFFF;
	(pc) =	sbr.rel @p0 .LBB2_1-.Ltmp2, $4  }
0x1c9: {  	[hbm:s10], [sflag:s25] =	dma.local [spmem:s26], $0x2800  }
0x1ca: {  	_ =	swait.ge [sflag:s14], $0x2800  }
0x1cb: {  	[sflag:s14] =	ssyncset.done $0x0  }
0x1cc: {  	[sflag:s14] =	ssyncadd.s32 $0xFFFFD800  }
0x1cd: {  	_ =	sfence.sel $0x180000  }
0x1ce: {  	[bflag:$0x0] =	sbarrier.arrive $0xFFFF  }
0x1cf: {  	p0 =	sne.s32 s3, $0x0;
	_ =	strace $0x9000004A  }
0x1d0: {  	s0 =	sadd.s32 @!p0 $0x100000, s0;
	[bflag:$0x2] =	sbarrier.arrive $0xFFFF  }
0x1d1: {  	[sflag:s0] =	ssyncadd.tile.s32 @!p0 $0x1;
	_ =	shalt  }
.Lfunc_end2:
_tile_overlayer_lowered:
.L_overlay_start_2:
0x1d2: {  	(tag) =	ssettag $0x2  }
0x1d3: {  	s0 =	rddreg [dreg:$0x0];
	s2 =	stileid.u32  }
0x1d4: {  	s1 =	rddreg [dreg:$0x1];
	p0 =	sne.s32 s2, $0x0  }
0x1d5: {  	s3 =	rddreg [dreg:$0x2];
	[bflag:$0x3] =	sbarrier.arrive $0xFFFF;
	s2 =	simm.s32 @!p0 $0x1C05  }
0x1d6: {  	[timem:s3], [sflag:s2] =	dma.local @!p0 [hbm:s0], s1  }
0x1d7: {  	s0 =	simm.s32 @!p0 $0x5  }
0x1d8: {  	_ =	swait.ge @!p0 [sflag:s0], s1  }
0x1d9: {  	s1 =	ssub.s32 @!p0 $0x0, s1;
	[sflag:s0] =	ssyncset.done @!p0 $0x0  }
0x1da: {  	[sflag:s0] =	ssyncadd.s32 @!p0 s1  }
0x1db: {  	[bflag:$0x3] =	sbarrier.arrive $0xFFFF  }
0x1dc: {  	_ =	shalt  }

</sc_bundles>
